<compile_context>
chip_gen: v7x
topology: tpu7x:2x2x1
jax: 0.10.2.dev20260603
libtpu: 0.0.44.dev20260713+nightly
codegen_flags: <defaults>
</compile_context>

<pallas_src>
import functools

import jax
import jax.numpy as jnp
from jax import lax
from jax.experimental import pallas as pl
from jax.experimental.pallas import tpu as pltpu
from jax.experimental.pallas import tpu_sc as plsc

_NC = 2
_NS = 16
_NW = _NC * _NS
_CH = 128



def _make_segsum(n_rows, n_pad, e_pad):
    n_chunks = e_pad // _CH
    cpw = n_chunks // _NW
    zr = n_pad // _NS
    G = 40
    ng = cpw // G
    mesh = plsc.VectorSubcoreMesh(core_axis_name="c", subcore_axis_name="s")

    @functools.partial(
        pl.kernel, mesh=mesh,
        out_type=jax.ShapeDtypeStruct((_NC, n_pad, 128), jnp.float32),
        scratch_types=[
            pltpu.VMEM((G, _CH), jnp.int32),
            pltpu.VMEM((G, _CH), jnp.int32),
            pltpu.VMEM((2, _CH, 128), jnp.float32),
            pltpu.VMEM_SHARED((n_pad, 128), jnp.float32),
            pltpu.SemaphoreType.DMA,
            pltpu.SemaphoreType.DMA,
        ],
    )
    def seg(table, src2, dst2, zrow, out, src_v, dst_v, rows_v, acc_sh,
            gsem, ssem):
        cid = lax.axis_index("c")
        sid = lax.axis_index("s")
        wid = sid * _NC + cid
        pltpu.sync_copy(zrow, acc_sh.at[pl.ds(sid * zr, zr)])
        base = wid * cpw
        plsc.subcore_barrier()

        def gather(j, b):
            return pltpu.make_async_copy(table.at[src_v.at[j]],
                                         rows_v.at[b], gsem)

        def scatter(j, b):
            return pltpu.make_async_copy(rows_v.at[b],
                                         acc_sh.at[dst_v.at[j]], ssem)

        def group(g, carry):
            pltpu.sync_copy(src2.at[pl.ds(base + g * G, G)], src_v)
            pltpu.sync_copy(dst2.at[pl.ds(base + g * G, G)], dst_v)
            pltpu.async_copy(table.at[src_v.at[0]], rows_v.at[0], gsem)
            gather(0, 0).wait()
            pltpu.async_copy(rows_v.at[0], acc_sh.at[dst_v.at[0]], ssem,
                             add=True)
            pltpu.async_copy(table.at[src_v.at[1]], rows_v.at[1], gsem)

            def inner(j, c2):
                b = j % 2
                gather(j, b).wait()
                pltpu.async_copy(rows_v.at[b], acc_sh.at[dst_v.at[j]], ssem,
                                 add=True)
                scatter(j - 1, 1 - b).wait()
                pltpu.async_copy(table.at[src_v.at[j + 1]], rows_v.at[1 - b],
                                 gsem)
                return c2

            lax.fori_loop(1, G - 1, inner, carry)
            bl = (G - 1) % 2
            gather(G - 1, bl).wait()
            pltpu.async_copy(rows_v.at[bl], acc_sh.at[dst_v.at[G - 1]], ssem,
                             add=True)
            scatter(G - 2, 1 - bl).wait()
            scatter(G - 1, bl).wait()
            return carry

        lax.fori_loop(0, ng, group, 0)
        plsc.subcore_barrier()
        pltpu.sync_copy(acc_sh.at[pl.ds(sid * zr, zr)],
                        out.at[cid, pl.ds(sid * zr, zr)])

    return seg


def _make_deg(n_pad, e_pad):
    n_chunks = e_pad // _CH
    cpw = n_chunks // _NW
    zr = n_pad // _NS
    G = 40
    ng = cpw // G
    mesh = plsc.VectorSubcoreMesh(core_axis_name="c", subcore_axis_name="s")

    @functools.partial(
        pl.kernel, mesh=mesh,
        out_type=jax.ShapeDtypeStruct((_NC, n_pad, 128), jnp.float32),
        scratch_types=[
            pltpu.VMEM((G, _CH), jnp.int32),
            pltpu.VMEM((_CH, 128), jnp.float32),
            pltpu.VMEM_SHARED((n_pad, 128), jnp.float32),
            pltpu.SemaphoreType.DMA,
        ],
    )
    def degk(dst2, zrow, ones_hbm, out, dst_v, ones_v, acc_sh, ssem):
        cid = lax.axis_index("c")
        sid = lax.axis_index("s")
        wid = sid * _NC + cid
        pltpu.sync_copy(zrow, acc_sh.at[pl.ds(sid * zr, zr)])
        pltpu.sync_copy(ones_hbm, ones_v)
        base = wid * cpw
        plsc.subcore_barrier()

        def group(g, carry):
            pltpu.sync_copy(dst2.at[pl.ds(base + g * G, G)], dst_v)

            def fire(j, c2):
                pltpu.async_copy(ones_v, acc_sh.at[dst_v.at[j]], ssem,
                                 add=True)
                return c2

            lax.fori_loop(0, G, fire, carry)

            def drain(j, c2):
                pltpu.make_async_copy(ones_v, acc_sh.at[dst_v.at[j]],
                                      ssem).wait()
                return c2

            lax.fori_loop(0, G, drain, carry)
            return carry

        lax.fori_loop(0, ng, group, 0)
        plsc.subcore_barrier()
        pltpu.sync_copy(acc_sh.at[pl.ds(sid * zr, zr)],
                        out.at[cid, pl.ds(sid * zr, zr)])

    return degk



def _dotT(a, w):
    return lax.dot_general(a, w, (((1,), (1,)), ((), ())),
                           preferred_element_type=jnp.float32)


def _row_specs(nb, B):
    full = pl.BlockSpec((B, 128), lambda i: (i, 0))
    w = pl.BlockSpec((128, 128), lambda i: (0, 0))
    b = pl.BlockSpec((1, 128), lambda i: (0, 0))
    s0 = pl.BlockSpec((1, B, 128), lambda i: (0, i, 0))
    s1 = pl.BlockSpec((1, B, 128), lambda i: (1, i, 0))
    d0 = pl.BlockSpec((B, 1), lambda i: (i, 0))
    d1 = pl.BlockSpec((B, 1), lambda i: (i, 0))
    d = pl.BlockSpec((B, 1), lambda i: (i, 0))
    return full, w, b, s0, s1, d0, d1, d


def _tc1(h, sumh, deg0, deg1, sh_Wl, sh_bl, sh_Wr, Wb1, bb1, Wb2, bb2, B=2000):
    n = h.shape[0]
    nb = n // B
    full, w, b, s0, s1, d0, d1, d = _row_specs(nb, B)

    def body(h_r, sh0_r, sh1_r, dg0_r, dg1_r, wl_r, bl_r, wr_r,
             wb1_r, bb1_r, wb2_r, bb2_r, hn_r, invd_r):
        deg = dg0_r[...] + dg1_r[...]
        invd = 1.0 / jnp.maximum(deg, 1.0)
        mean_h = (sh0_r[0] + sh1_r[0]) * invd
        hv = h_r[...]
        hn0 = _dotT(mean_h, wl_r[...]) + bl_r[...] + _dotT(hv, wr_r[...])
        beta = jnp.tanh(_dotT(hv, wb1_r[...]) + bb1_r[...]
                        + _dotT(hn0, wb2_r[...]) + bb2_r[...])
        hn_r[...] = hv + beta
        invd_r[...] = invd

    return pl.pallas_call(
        body,
        grid=(nb,),
        in_specs=[full, s0, s1, d0, d1, w, b, w, w, b, w, b],
        out_specs=[full, d],
        out_shape=[jax.ShapeDtypeStruct((n, 128), jnp.float32),
                   jax.ShapeDtypeStruct((n, 1), jnp.float32)],
    )(h, sumh, sumh, deg0, deg1, sh_Wl, sh_bl, sh_Wr, Wb1, bb1, Wb2, bb2)


def _tc2(x, hN, sumx, sumhn, invd8,
         ssx_Wl, ssx_bl, ssx_Wr, ssh_Wl, ssh_bl, ssh_Wr,
         sux_Wl, sux_bl, sux_Wr, suh_Wl, suh_bl, suh_Wr, B=2000):
    n = x.shape[0]
    nb = n // B
    full, w, b, s0, s1, d0, d1, d = _row_specs(nb, B)

    def body(x_r, hn_r, sx0_r, sx1_r, shn0_r, shn1_r, invd_r,
             axl_r, axb_r, axr_r, ahl_r, ahb_r, ahr_r,
             uxl_r, uxb_r, uxr_r, uhl_r, uhb_r, uhr_r,
             q_r, z_r, mx_r):
        invd = invd_r[:, :1]
        mx = (sx0_r[0] + sx1_r[0]) * invd
        mhn = (shn0_r[0] + shn1_r[0]) * invd
        xv = x_r[...]
        hnv = hn_r[...]
        r = jax.nn.sigmoid(_dotT(mx, axl_r[...]) + axb_r[...] + _dotT(xv, axr_r[...])
                           + _dotT(mhn, ahl_r[...]) + ahb_r[...] + _dotT(hnv, ahr_r[...]))
        z = jax.nn.sigmoid(_dotT(mx, uxl_r[...]) + uxb_r[...] + _dotT(xv, uxr_r[...])
                           + _dotT(mhn, uhl_r[...]) + uhb_r[...] + _dotT(hnv, uhr_r[...]))
        q_r[...] = r * hnv
        z_r[...] = z
        mx_r[...] = mx

    return pl.pallas_call(
        body,
        grid=(nb,),
        in_specs=[full, full, s0, s1, s0, s1, d,
                  w, b, w, w, b, w, w, b, w, w, b, w],
        out_specs=[full, full, full],
        out_shape=[jax.ShapeDtypeStruct((n, 128), jnp.float32)] * 3,
    )(x, hN, sumx, sumx, sumhn, sumhn, invd8,
      ssx_Wl, ssx_bl, ssx_Wr, ssh_Wl, ssh_bl, ssh_Wr,
      sux_Wl, sux_bl, sux_Wr, suh_Wl, suh_bl, suh_Wr)


def _tc3(x, hN, q, z, mx, sumq, invd8,
         scx_Wl, scx_bl, scx_Wr, sch_Wl, sch_bl, sch_Wr, B=2000):
    n = x.shape[0]
    nb = n // B
    full, w, b, s0, s1, d0, d1, d = _row_specs(nb, B)

    def body(x_r, hn_r, q_r, z_r, mx_r, sq0_r, sq1_r, invd_r,
             cxl_r, cxb_r, cxr_r, chl_r, chb_r, chr_r, out_r):
        invd = invd_r[:, :1]
        mq = (sq0_r[0] + sq1_r[0]) * invd
        ht = jnp.tanh(_dotT(mx_r[...], cxl_r[...]) + cxb_r[...]
                      + _dotT(x_r[...], cxr_r[...])
                      + _dotT(mq, chl_r[...]) + chb_r[...]
                      + _dotT(q_r[...], chr_r[...]))
        zv = z_r[...]
        out_r[...] = (1.0 - zv) * hn_r[...] + zv * ht

    return pl.pallas_call(
        body,
        grid=(nb,),
        in_specs=[full, full, full, full, full, s0, s1, d,
                  w, b, w, w, b, w],
        out_specs=full,
        out_shape=jax.ShapeDtypeStruct((n, 128), jnp.float32),
    )(x, hN, q, z, mx, sumq, sumq, invd8,
      scx_Wl, scx_bl, scx_Wr, sch_Wl, sch_bl, sch_Wr)



def kernel(x, h, edge_index,
           si_Wl, si_bl, si_Wr, sh_Wl, sh_bl, sh_Wr,
           ssx_Wl, ssx_bl, ssx_Wr, ssh_Wl, ssh_bl, ssh_Wr,
           sux_Wl, sux_bl, sux_Wr, suh_Wl, suh_bl, suh_Wr,
           scx_Wl, scx_bl, scx_Wr, sch_Wl, sch_bl, sch_Wr,
           Wg1, bg1, Wg2, bg2, Wb1, bb1, Wb2, bb2):
    n = x.shape[0]
    e = edge_index.shape[1]
    ealign = _CH * _NW * 8
    ep = ((e + ealign - 1) // ealign) * ealign
    npad = ((n + 16 + _NS * 8 - 1) // (_NS * 8)) * (_NS * 8)
    pad = ep - e

    src = edge_index[0]
    dst = edge_index[1]
    if pad:
        ar = jnp.arange(pad, dtype=jnp.int32)
        src = jnp.concatenate([src, ar % n])
        dst = jnp.concatenate([dst, n + (ar % 16)])
    src2 = src.reshape(-1, _CH)
    dst2 = dst.reshape(-1, _CH)

    zrow = jnp.zeros((npad // _NS, 128), jnp.float32)
    ones128 = jnp.ones((_CH, 128), jnp.float32)

    seg = _make_segsum(n, npad, ep)
    degk = _make_deg(npad, ep)

    degw = degk(dst2, zrow, ones128)
    deg0 = degw[0, :n, :1]
    deg1 = degw[1, :n, :1]
    sumh = seg(h, src2, dst2, zrow)
    hN, invd8 = _tc1(h, sumh, deg0, deg1, sh_Wl, sh_bl.reshape(1, -1), sh_Wr,
                     Wb1, bb1.reshape(1, -1), Wb2, bb2.reshape(1, -1))
    sumx = seg(x, src2, dst2, zrow)
    sumhn = seg(hN, src2, dst2, zrow)
    q, z, mx = _tc2(x, hN, sumx, sumhn, invd8,
                    ssx_Wl, ssx_bl.reshape(1, -1), ssx_Wr,
                    ssh_Wl, ssh_bl.reshape(1, -1), ssh_Wr,
                    sux_Wl, sux_bl.reshape(1, -1), sux_Wr,
                    suh_Wl, suh_bl.reshape(1, -1), suh_Wr)
    sumq = seg(q, src2, dst2, zrow)
    h_new = _tc3(x, hN, q, z, mx, sumq, invd8,
                 scx_Wl, scx_bl.reshape(1, -1), scx_Wr,
                 sch_Wl, sch_bl.reshape(1, -1), sch_Wr)
    return h_new

# --- scband reference (transcript-rebuilt; emitter-appended) ---
"""Pipeline reference for scband-mgdsgu-12524124635329 (READ-ONLY COPY).

The authoritative reference and input builder live on the scoring server;
editing this copy changes nothing except your own understanding.
"""

import jax, jax.numpy as jnp
import numpy as np

N = 10000
E = 320000
D = 128
H = 128


def _sage(xv, src, dst, Wl, bl, Wr):
    n = xv.shape[0]
    agg = jax.ops.segment_sum(xv[src], dst, num_segments=n)
    deg = jax.ops.segment_sum(jnp.ones((src.shape[0],), xv.dtype), dst, num_segments=n)
    mean = agg / jnp.clip(deg, 1.0)[:, None]
    return mean @ Wl.T + bl + xv @ Wr.T


def setup_inputs(seed: int = 0):
    key = jax.random.key(seed)
    inp = {}
    inp["x"] = jax.random.normal(jax.random.fold_in(key, 1), (N, D), jnp.float32)
    inp["h"] = jax.random.normal(jax.random.fold_in(key, 2), (N, H), jnp.float32)
    inp["edge_index"] = jax.random.randint(jax.random.fold_in(key, 3), (2, E), 0, N, dtype=jnp.int32)
    sages = [("si", D), ("sh", H), ("ssx", D), ("ssh", H), ("sux", D), ("suh", H), ("scx", D), ("sch", H)]
    i = 10
    for nm, din in sages:
        inp[nm + "_Wl"] = jax.random.normal(jax.random.fold_in(key, i), (H, din), jnp.float32) * 0.05
        i += 1
        inp[nm + "_bl"] = jnp.zeros((H,), jnp.float32)
        inp[nm + "_Wr"] = jax.random.normal(jax.random.fold_in(key, i), (H, din), jnp.float32) * 0.05
        i += 1
    for nm in ["Wg1", "Wg2", "Wb1", "Wb2"]:
        inp[nm] = jax.random.normal(jax.random.fold_in(key, i), (H, H), jnp.float32) * 0.05
        i += 1
        inp["b" + nm[1:]] = jnp.zeros((H,), jnp.float32)
    return inp


def reference(x, h, edge_index,
              si_Wl, si_bl, si_Wr, sh_Wl, sh_bl, sh_Wr,
              ssx_Wl, ssx_bl, ssx_Wr, ssh_Wl, ssh_bl, ssh_Wr,
              sux_Wl, sux_bl, sux_Wr, suh_Wl, suh_bl, suh_Wr,
              scx_Wl, scx_bl, scx_Wr, sch_Wl, sch_bl, sch_Wr,
              Wg1, bg1, Wg2, bg2, Wb1, bb1, Wb2, bb2):
    p = dict(locals())
    ei = p["edge_index"]
    src, dst = ei[0], ei[1]
    x, h = p["x"], p["h"]
    # sage_input output is computed but unused downstream, matching the torch forward
    x_t = _sage(x, src, dst, p["si_Wl"], p["si_bl"], p["si_Wr"])
    h_N = _sage(h, src, dst, p["sh_Wl"], p["sh_bl"], p["sh_Wr"])
    gamma = jnp.tanh(h @ p["Wg1"].T + p["bg1"] + h_N @ p["Wg2"].T + p["bg2"])
    beta = jnp.tanh(h @ p["Wb1"].T + p["bb1"] + h_N @ p["Wb2"].T + p["bb2"])
    r0 = jnp.zeros_like(h)
    r_v = (gamma + 1.0) * r0 + beta
    m = h + r_v - h_N
    h_N = h_N + m
    r = jax.nn.sigmoid(_sage(x, src, dst, p["ssx_Wl"], p["ssx_bl"], p["ssx_Wr"]) + _sage(h_N, src, dst, p["ssh_Wl"], p["ssh_bl"], p["ssh_Wr"]))
    z = jax.nn.sigmoid(_sage(x, src, dst, p["sux_Wl"], p["sux_bl"], p["sux_Wr"]) + _sage(h_N, src, dst, p["suh_Wl"], p["suh_bl"], p["suh_Wr"]))
    h_tilde = jnp.tanh(_sage(x, src, dst, p["scx_Wl"], p["scx_bl"], p["scx_Wr"]) + _sage(r * h_N, src, dst, p["sch_Wl"], p["sch_bl"], p["sch_Wr"]))
    h_new = (1.0 - z) * h_N + z * h_tilde
    return h_new

if __name__ == "__main__":
    import jax
    _d = setup_inputs()
    print(jax.jit(kernel)(*tuple(_d.values())))

</pallas_src>

<mosaic_0001>
#map = affine_map<(d0, d1) -> (0, 0)>
#map1 = affine_map<(d0, d1) -> (0, 0, 0)>
module attributes {stable_mosaic.version = 14 : i64} {
  func.func @degk(%arg0: i32, %arg1: i32, %arg2: memref<2560x128xi32, #tpu.memory_space<hbm>>, %arg3: memref<632x128xf32, #tpu.memory_space<hbm>>, %arg4: memref<128x128xf32, #tpu.memory_space<hbm>>, %arg5: memref<2x10112x128xf32, #tpu.memory_space<hbm>>, %arg6: memref<40x128xi32, #tpu.memory_space<vmem>>, %arg7: memref<128x128xf32, #tpu.memory_space<vmem>>, %arg8: memref<10112x128xf32, #tpu.memory_space<vmem_shared>>, %arg9: memref<!tpu.dma_semaphore, #tpu.memory_space<semaphore_mem>>) attributes {dimension_semantics = [#tpu.dimension_semantics<core_parallel>, #tpu.dimension_semantics<subcore_parallel>], iteration_bounds = array<i64: 2, 16>, scalar_prefetch = 0 : i64, scratch_operands = 4 : i64, tpu.core_type = #tpu.core_type<sc_vector_subcore>, window_params = [{transform_indices = #map}, {transform_indices = #map}, {transform_indices = #map}, {transform_indices = #map1}]} {
    %mul3A = arith.constant 2 : i32
    %mul3A_0 = arith.muli %arg1, %mul3A : i32
    %add3A = arith.addi %mul3A_0, %arg0 : i32
    %mul3A_1 = arith.constant 632 : i32
    %mul3A_2 = arith.muli %arg1, %mul3A_1 : i32
    "tpu.region"() ({
      %run_scoped3A = tpu.sem_alloc : memref<!tpu.dma_semaphore, #tpu.memory_space<semaphore_mem>>
      %dma_start3A = arith.constant 0 : i32
      %dma_start3A_15 = tpu.memref_slice %arg8[%mul3A_2, %dma_start3A] : memref<10112x128xf32, #tpu.memory_space<vmem_shared>> -> memref<632x128xf32, #tpu.memory_space<vmem_shared>>
      tpu.enqueue_dma source(%arg3 : memref<632x128xf32, #tpu.memory_space<hbm>>) target(%dma_start3A_15 : memref<632x128xf32, #tpu.memory_space<vmem_shared>>) target_semaphore(%run_scoped3A : memref<!tpu.dma_semaphore, #tpu.memory_space<semaphore_mem>>)
      %dma_wait3A = arith.constant 0 : i32
      %dma_wait3A_16 = tpu.memref_slice %arg8[%mul3A_2, %dma_wait3A] : memref<10112x128xf32, #tpu.memory_space<vmem_shared>> -> memref<632x128xf32, #tpu.memory_space<vmem_shared>>
      tpu.wait_dma2 semaphore(%run_scoped3A : memref<!tpu.dma_semaphore, #tpu.memory_space<semaphore_mem>>) src(%arg3 : memref<632x128xf32, #tpu.memory_space<hbm>>) dst(%dma_wait3A_16 : memref<632x128xf32, #tpu.memory_space<vmem_shared>>)
      tpu.yield
    }) : () -> ()
    "tpu.region"() ({
      %run_scoped3A = tpu.sem_alloc : memref<!tpu.dma_semaphore, #tpu.memory_space<semaphore_mem>>
      tpu.enqueue_dma source(%arg4 : memref<128x128xf32, #tpu.memory_space<hbm>>) target(%arg7 : memref<128x128xf32, #tpu.memory_space<vmem>>) target_semaphore(%run_scoped3A : memref<!tpu.dma_semaphore, #tpu.memory_space<semaphore_mem>>)
      tpu.wait_dma2 semaphore(%run_scoped3A : memref<!tpu.dma_semaphore, #tpu.memory_space<semaphore_mem>>) src(%arg4 : memref<128x128xf32, #tpu.memory_space<hbm>>) dst(%arg7 : memref<128x128xf32, #tpu.memory_space<vmem>>)
      tpu.yield
    }) : () -> ()
    %mul3A_3 = arith.constant 80 : i32
    %mul3A_4 = arith.muli %add3A, %mul3A_3 : i32
    %barrier3A = arith.constant 0 : index
    tpu.barrier barrier_id(%barrier3A)
    %scan3A = arith.constant 0 : i32
    %scan3A_5 = arith.constant 0 : i32
    %scan3A_6 = arith.constant 2 : i32
    %scan3A_7 = arith.addi %scan3A_5, %scan3A_6 : i32
    %scan3A_8 = arith.constant 1 : i32
    scf.for %scan3A_15 = %scan3A_5 to %scan3A_7 step %scan3A_8  : i32 {
      %mul3A_16 = arith.constant 40 : i32
      %mul3A_17 = arith.muli %scan3A_15, %mul3A_16 : i32
      %add3A_18 = arith.addi %mul3A_4, %mul3A_17 : i32
      "tpu.region"() ({
        %run_scoped3A = tpu.sem_alloc : memref<!tpu.dma_semaphore, #tpu.memory_space<semaphore_mem>>
        %dma_start3A = arith.constant 0 : i32
        %dma_start3A_29 = tpu.memref_slice %arg2[%add3A_18, %dma_start3A] : memref<2560x128xi32, #tpu.memory_space<hbm>> -> memref<40x128xi32, #tpu.memory_space<hbm>>
        %dma_start3A_30 = arith.constant 0 : i32
        %dma_start3A_31 = tpu.memref_slice %arg2[%add3A_18, %dma_start3A_30] : memref<2560x128xi32, #tpu.memory_space<hbm>> -> memref<40x128xi32, #tpu.memory_space<hbm>>
        tpu.enqueue_dma source(%dma_start3A_31 : memref<40x128xi32, #tpu.memory_space<hbm>>) target(%arg6 : memref<40x128xi32, #tpu.memory_space<vmem>>) target_semaphore(%run_scoped3A : memref<!tpu.dma_semaphore, #tpu.memory_space<semaphore_mem>>)
        %dma_wait3A = arith.constant 0 : i32
        %dma_wait3A_32 = tpu.memref_slice %arg2[%add3A_18, %dma_wait3A] : memref<2560x128xi32, #tpu.memory_space<hbm>> -> memref<40x128xi32, #tpu.memory_space<hbm>>
        %dma_wait3A_33 = arith.constant 0 : i32
        %dma_wait3A_34 = tpu.memref_slice %arg2[%add3A_18, %dma_wait3A_33] : memref<2560x128xi32, #tpu.memory_space<hbm>> -> memref<40x128xi32, #tpu.memory_space<hbm>>
        tpu.wait_dma2 semaphore(%run_scoped3A : memref<!tpu.dma_semaphore, #tpu.memory_space<semaphore_mem>>) src(%dma_wait3A_34 : memref<40x128xi32, #tpu.memory_space<hbm>>) dst(%arg6 : memref<40x128xi32, #tpu.memory_space<vmem>>)
        tpu.yield
      }) : () -> ()
      %scan3A_19 = arith.constant 0 : i32
      %scan3A_20 = arith.constant 40 : i32
      %scan3A_21 = arith.addi %scan3A_19, %scan3A_20 : i32
      %scan3A_22 = arith.constant 1 : i32
      scf.for %scan3A_29 = %scan3A_19 to %scan3A_21 step %scan3A_22  : i32 {
        %dma_start3A = arith.constant 0 : i32
        %dma_start3A_30 = tpu.memref_slice %arg6[%scan3A_29, %dma_start3A] : memref<40x128xi32, #tpu.memory_space<vmem>> -> memref<1x128xi32, #tpu.memory_space<vmem>>
        %dma_start3A_31 = tpu.memref_squeeze %dma_start3A_30 : memref<1x128xi32, #tpu.memory_space<vmem>> -> memref<128xi32, #tpu.memory_space<vmem>>
        %dma_start3A_32 = arith.constant 0 : i32
        %dma_start3A_33 = arith.constant 0 : i32
        %dma_start3A_34 = tpu.memref_slice %arg8[%dma_start3A_32, %dma_start3A_33] : memref<10112x128xf32, #tpu.memory_space<vmem_shared>> -> memref<10112x128xf32, #tpu.memory_space<vmem_shared>>
        tpu.enqueue_indirect_dma source(%arg7 : memref<128x128xf32, #tpu.memory_space<vmem>>) target(%dma_start3A_34 : memref<10112x128xf32, #tpu.memory_space<vmem_shared>>) offsets(%dma_start3A_31 : memref<128xi32, #tpu.memory_space<vmem>>) semaphore(%arg9 : memref<!tpu.dma_semaphore, #tpu.memory_space<semaphore_mem>>) {add = true}
      }
      %scan3A_23 = arith.constant 40 : i32
      %scan3A_24 = arith.constant 0 : i32
      %scan3A_25 = arith.constant 40 : i32
      %scan3A_26 = arith.addi %scan3A_24, %scan3A_25 : i32
      %scan3A_27 = arith.constant 1 : i32
      scf.for %scan3A_29 = %scan3A_24 to %scan3A_26 step %scan3A_27  : i32 {
        %dma_wait3A = arith.constant 0 : i32
        %dma_wait3A_30 = tpu.memref_slice %arg6[%scan3A_29, %dma_wait3A] : memref<40x128xi32, #tpu.memory_space<vmem>> -> memref<1x128xi32, #tpu.memory_space<vmem>>
        %dma_wait3A_31 = tpu.memref_squeeze %dma_wait3A_30 : memref<1x128xi32, #tpu.memory_space<vmem>> -> memref<128xi32, #tpu.memory_space<vmem>>
        %dma_wait3A_32 = arith.constant 0 : i32
        %dma_wait3A_33 = arith.constant 0 : i32
        %dma_wait3A_34 = tpu.memref_slice %arg8[%dma_wait3A_32, %dma_wait3A_33] : memref<10112x128xf32, #tpu.memory_space<vmem_shared>> -> memref<10112x128xf32, #tpu.memory_space<vmem_shared>>
        tpu.wait_indirect_dma semaphore(%arg9 : memref<!tpu.dma_semaphore, #tpu.memory_space<semaphore_mem>>) src(%arg7 : memref<128x128xf32, #tpu.memory_space<vmem>>) dst(%dma_wait3A_34 : memref<10112x128xf32, #tpu.memory_space<vmem_shared>>)
      }
      %scan3A_28 = arith.constant 40 : i32
    }
    %scan3A_9 = arith.constant 2 : i32
    %barrier3A_10 = arith.constant 0 : index
    tpu.barrier barrier_id(%barrier3A_10)
    %mul3A_11 = arith.constant 632 : i32
    %mul3A_12 = arith.muli %arg1, %mul3A_11 : i32
    %mul3A_13 = arith.constant 632 : i32
    %mul3A_14 = arith.muli %arg1, %mul3A_13 : i32
    "tpu.region"() ({
      %run_scoped3A = tpu.sem_alloc : memref<!tpu.dma_semaphore, #tpu.memory_space<semaphore_mem>>
      %dma_start3A = arith.constant 0 : i32
      %dma_start3A_15 = tpu.memref_slice %arg5[%arg0, %mul3A_14, %dma_start3A] : memref<2x10112x128xf32, #tpu.memory_space<hbm>> -> memref<1x632x128xf32, #tpu.memory_space<hbm>>
      %dma_start3A_16 = tpu.memref_squeeze %dma_start3A_15 : memref<1x632x128xf32, #tpu.memory_space<hbm>> -> memref<632x128xf32, #tpu.memory_space<hbm>>
      %dma_start3A_17 = arith.constant 0 : i32
      %dma_start3A_18 = tpu.memref_slice %arg8[%mul3A_12, %dma_start3A_17] : memref<10112x128xf32, #tpu.memory_space<vmem_shared>> -> memref<632x128xf32, #tpu.memory_space<vmem_shared>>
      tpu.enqueue_dma source(%dma_start3A_18 : memref<632x128xf32, #tpu.memory_space<vmem_shared>>) target(%dma_start3A_16 : memref<632x128xf32, #tpu.memory_space<hbm>>) target_semaphore(%run_scoped3A : memref<!tpu.dma_semaphore, #tpu.memory_space<semaphore_mem>>)
      %dma_wait3A = arith.constant 0 : i32
      %dma_wait3A_19 = tpu.memref_slice %arg5[%arg0, %mul3A_14, %dma_wait3A] : memref<2x10112x128xf32, #tpu.memory_space<hbm>> -> memref<1x632x128xf32, #tpu.memory_space<hbm>>
      %dma_wait3A_20 = tpu.memref_squeeze %dma_wait3A_19 : memref<1x632x128xf32, #tpu.memory_space<hbm>> -> memref<632x128xf32, #tpu.memory_space<hbm>>
      %dma_wait3A_21 = arith.constant 0 : i32
      %dma_wait3A_22 = tpu.memref_slice %arg8[%mul3A_12, %dma_wait3A_21] : memref<10112x128xf32, #tpu.memory_space<vmem_shared>> -> memref<632x128xf32, #tpu.memory_space<vmem_shared>>
      tpu.wait_dma2 semaphore(%run_scoped3A : memref<!tpu.dma_semaphore, #tpu.memory_space<semaphore_mem>>) src(%dma_wait3A_22 : memref<632x128xf32, #tpu.memory_space<vmem_shared>>) dst(%dma_wait3A_20 : memref<632x128xf32, #tpu.memory_space<hbm>>)
      tpu.yield
    }) : () -> ()
    return
  }
}

#map = affine_map<(d0, d1) -> (0, 0)>
#map1 = affine_map<(d0, d1) -> (0, 0, 0)>
module attributes {stable_mosaic.version = 14 : i64} {
  func.func @seg(%arg0: i32, %arg1: i32, %arg2: memref<10000x128xf32, #tpu.memory_space<hbm>>, %arg3: memref<2560x128xi32, #tpu.memory_space<hbm>>, %arg4: memref<2560x128xi32, #tpu.memory_space<hbm>>, %arg5: memref<632x128xf32, #tpu.memory_space<hbm>>, %arg6: memref<2x10112x128xf32, #tpu.memory_space<hbm>>, %arg7: memref<40x128xi32, #tpu.memory_space<vmem>>, %arg8: memref<40x128xi32, #tpu.memory_space<vmem>>, %arg9: memref<2x128x128xf32, #tpu.memory_space<vmem>>, %arg10: memref<10112x128xf32, #tpu.memory_space<vmem_shared>>, %arg11: memref<!tpu.dma_semaphore, #tpu.memory_space<semaphore_mem>>, %arg12: memref<!tpu.dma_semaphore, #tpu.memory_space<semaphore_mem>>) attributes {dimension_semantics = [#tpu.dimension_semantics<core_parallel>, #tpu.dimension_semantics<subcore_parallel>], iteration_bounds = array<i64: 2, 16>, scalar_prefetch = 0 : i64, scratch_operands = 6 : i64, tpu.core_type = #tpu.core_type<sc_vector_subcore>, window_params = [{transform_indices = #map}, {transform_indices = #map}, {transform_indices = #map}, {transform_indices = #map}, {transform_indices = #map1}]} {
    %mul3A = arith.constant 2 : i32
    %mul3A_0 = arith.muli %arg1, %mul3A : i32
    %add3A = arith.addi %mul3A_0, %arg0 : i32
    %mul3A_1 = arith.constant 632 : i32
    %mul3A_2 = arith.muli %arg1, %mul3A_1 : i32
    "tpu.region"() ({
      %run_scoped3A = tpu.sem_alloc : memref<!tpu.dma_semaphore, #tpu.memory_space<semaphore_mem>>
      %dma_start3A = arith.constant 0 : i32
      %dma_start3A_15 = tpu.memref_slice %arg10[%mul3A_2, %dma_start3A] : memref<10112x128xf32, #tpu.memory_space<vmem_shared>> -> memref<632x128xf32, #tpu.memory_space<vmem_shared>>
      tpu.enqueue_dma source(%arg5 : memref<632x128xf32, #tpu.memory_space<hbm>>) target(%dma_start3A_15 : memref<632x128xf32, #tpu.memory_space<vmem_shared>>) target_semaphore(%run_scoped3A : memref<!tpu.dma_semaphore, #tpu.memory_space<semaphore_mem>>)
      %dma_wait3A = arith.constant 0 : i32
      %dma_wait3A_16 = tpu.memref_slice %arg10[%mul3A_2, %dma_wait3A] : memref<10112x128xf32, #tpu.memory_space<vmem_shared>> -> memref<632x128xf32, #tpu.memory_space<vmem_shared>>
      tpu.wait_dma2 semaphore(%run_scoped3A : memref<!tpu.dma_semaphore, #tpu.memory_space<semaphore_mem>>) src(%arg5 : memref<632x128xf32, #tpu.memory_space<hbm>>) dst(%dma_wait3A_16 : memref<632x128xf32, #tpu.memory_space<vmem_shared>>)
      tpu.yield
    }) : () -> ()
    %mul3A_3 = arith.constant 80 : i32
    %mul3A_4 = arith.muli %add3A, %mul3A_3 : i32
    %barrier3A = arith.constant 0 : index
    tpu.barrier barrier_id(%barrier3A)
    %scan3A = arith.constant 0 : i32
    %scan3A_5 = arith.constant 0 : i32
    %scan3A_6 = arith.constant 2 : i32
    %scan3A_7 = arith.addi %scan3A_5, %scan3A_6 : i32
    %scan3A_8 = arith.constant 1 : i32
    scf.for %scan3A_15 = %scan3A_5 to %scan3A_7 step %scan3A_8  : i32 {
      %mul3A_16 = arith.constant 40 : i32
      %mul3A_17 = arith.muli %scan3A_15, %mul3A_16 : i32
      %add3A_18 = arith.addi %mul3A_4, %mul3A_17 : i32
      "tpu.region"() ({
        %run_scoped3A = tpu.sem_alloc : memref<!tpu.dma_semaphore, #tpu.memory_space<semaphore_mem>>
        %dma_start3A_121 = arith.constant 0 : i32
        %dma_start3A_122 = tpu.memref_slice %arg3[%add3A_18, %dma_start3A_121] : memref<2560x128xi32, #tpu.memory_space<hbm>> -> memref<40x128xi32, #tpu.memory_space<hbm>>
        %dma_start3A_123 = arith.constant 0 : i32
        %dma_start3A_124 = tpu.memref_slice %arg3[%add3A_18, %dma_start3A_123] : memref<2560x128xi32, #tpu.memory_space<hbm>> -> memref<40x128xi32, #tpu.memory_space<hbm>>
        tpu.enqueue_dma source(%dma_start3A_124 : memref<40x128xi32, #tpu.memory_space<hbm>>) target(%arg7 : memref<40x128xi32, #tpu.memory_space<vmem>>) target_semaphore(%run_scoped3A : memref<!tpu.dma_semaphore, #tpu.memory_space<semaphore_mem>>)
        %dma_wait3A_125 = arith.constant 0 : i32
        %dma_wait3A_126 = tpu.memref_slice %arg3[%add3A_18, %dma_wait3A_125] : memref<2560x128xi32, #tpu.memory_space<hbm>> -> memref<40x128xi32, #tpu.memory_space<hbm>>
        %dma_wait3A_127 = arith.constant 0 : i32
        %dma_wait3A_128 = tpu.memref_slice %arg3[%add3A_18, %dma_wait3A_127] : memref<2560x128xi32, #tpu.memory_space<hbm>> -> memref<40x128xi32, #tpu.memory_space<hbm>>
        tpu.wait_dma2 semaphore(%run_scoped3A : memref<!tpu.dma_semaphore, #tpu.memory_space<semaphore_mem>>) src(%dma_wait3A_128 : memref<40x128xi32, #tpu.memory_space<hbm>>) dst(%arg7 : memref<40x128xi32, #tpu.memory_space<vmem>>)
        tpu.yield
      }) : () -> ()
      %mul3A_19 = arith.constant 40 : i32
      %mul3A_20 = arith.muli %scan3A_15, %mul3A_19 : i32
      %add3A_21 = arith.addi %mul3A_4, %mul3A_20 : i32
      "tpu.region"() ({
        %run_scoped3A = tpu.sem_alloc : memref<!tpu.dma_semaphore, #tpu.memory_space<semaphore_mem>>
        %dma_start3A_121 = arith.constant 0 : i32
        %dma_start3A_122 = tpu.memref_slice %arg4[%add3A_21, %dma_start3A_121] : memref<2560x128xi32, #tpu.memory_space<hbm>> -> memref<40x128xi32, #tpu.memory_space<hbm>>
        %dma_start3A_123 = arith.constant 0 : i32
        %dma_start3A_124 = tpu.memref_slice %arg4[%add3A_21, %dma_start3A_123] : memref<2560x128xi32, #tpu.memory_space<hbm>> -> memref<40x128xi32, #tpu.memory_space<hbm>>
        tpu.enqueue_dma source(%dma_start3A_124 : memref<40x128xi32, #tpu.memory_space<hbm>>) target(%arg8 : memref<40x128xi32, #tpu.memory_space<vmem>>) target_semaphore(%run_scoped3A : memref<!tpu.dma_semaphore, #tpu.memory_space<semaphore_mem>>)
        %dma_wait3A_125 = arith.constant 0 : i32
        %dma_wait3A_126 = tpu.memref_slice %arg4[%add3A_21, %dma_wait3A_125] : memref<2560x128xi32, #tpu.memory_space<hbm>> -> memref<40x128xi32, #tpu.memory_space<hbm>>
        %dma_wait3A_127 = arith.constant 0 : i32
        %dma_wait3A_128 = tpu.memref_slice %arg4[%add3A_21, %dma_wait3A_127] : memref<2560x128xi32, #tpu.memory_space<hbm>> -> memref<40x128xi32, #tpu.memory_space<hbm>>
        tpu.wait_dma2 semaphore(%run_scoped3A : memref<!tpu.dma_semaphore, #tpu.memory_space<semaphore_mem>>) src(%dma_wait3A_128 : memref<40x128xi32, #tpu.memory_space<hbm>>) dst(%arg8 : memref<40x128xi32, #tpu.memory_space<vmem>>)
        tpu.yield
      }) : () -> ()
      %dma_start3A = arith.constant 0 : i32
      %dma_start3A_22 = arith.constant 0 : i32
      %dma_start3A_23 = arith.constant 0 : i32
      %dma_start3A_24 = arith.constant 0 : i32
      %dma_start3A_25 = tpu.memref_slice %arg9[%dma_start3A_22, %dma_start3A_23, %dma_start3A_24] : memref<2x128x128xf32, #tpu.memory_space<vmem>> -> memref<1x128x128xf32, #tpu.memory_space<vmem>>
      %dma_start3A_26 = tpu.memref_squeeze %dma_start3A_25 : memref<1x128x128xf32, #tpu.memory_space<vmem>> -> memref<128x128xf32, #tpu.memory_space<vmem>>
      %dma_start3A_27 = arith.constant 0 : i32
      %dma_start3A_28 = tpu.memref_slice %arg7[%dma_start3A, %dma_start3A_27] : memref<40x128xi32, #tpu.memory_space<vmem>> -> memref<1x128xi32, #tpu.memory_space<vmem>>
      %dma_start3A_29 = tpu.memref_squeeze %dma_start3A_28 : memref<1x128xi32, #tpu.memory_space<vmem>> -> memref<128xi32, #tpu.memory_space<vmem>>
      %dma_start3A_30 = arith.constant 0 : i32
      %dma_start3A_31 = arith.constant 0 : i32
      %dma_start3A_32 = tpu.memref_slice %arg2[%dma_start3A_30, %dma_start3A_31] : memref<10000x128xf32, #tpu.memory_space<hbm>> -> memref<10000x128xf32, #tpu.memory_space<hbm>>
      tpu.enqueue_indirect_dma source(%dma_start3A_32 : memref<10000x128xf32, #tpu.memory_space<hbm>>) target(%dma_start3A_26 : memref<128x128xf32, #tpu.memory_space<vmem>>) offsets(%dma_start3A_29 : memref<128xi32, #tpu.memory_space<vmem>>) semaphore(%arg11 : memref<!tpu.dma_semaphore, #tpu.memory_space<semaphore_mem>>)
      %dma_wait3A = arith.constant 0 : i32
      %dma_wait3A_33 = arith.constant 0 : i32
      %dma_wait3A_34 = arith.constant 0 : i32
      %dma_wait3A_35 = arith.constant 0 : i32
      %dma_wait3A_36 = tpu.memref_slice %arg9[%dma_wait3A_33, %dma_wait3A_34, %dma_wait3A_35] : memref<2x128x128xf32, #tpu.memory_space<vmem>> -> memref<1x128x128xf32, #tpu.memory_space<vmem>>
      %dma_wait3A_37 = tpu.memref_squeeze %dma_wait3A_36 : memref<1x128x128xf32, #tpu.memory_space<vmem>> -> memref<128x128xf32, #tpu.memory_space<vmem>>
      %dma_wait3A_38 = arith.constant 0 : i32
      %dma_wait3A_39 = tpu.memref_slice %arg7[%dma_wait3A, %dma_wait3A_38] : memref<40x128xi32, #tpu.memory_space<vmem>> -> memref<1x128xi32, #tpu.memory_space<vmem>>
      %dma_wait3A_40 = tpu.memref_squeeze %dma_wait3A_39 : memref<1x128xi32, #tpu.memory_space<vmem>> -> memref<128xi32, #tpu.memory_space<vmem>>
      %dma_wait3A_41 = arith.constant 0 : i32
      %dma_wait3A_42 = arith.constant 0 : i32
      %dma_wait3A_43 = tpu.memref_slice %arg2[%dma_wait3A_41, %dma_wait3A_42] : memref<10000x128xf32, #tpu.memory_space<hbm>> -> memref<10000x128xf32, #tpu.memory_space<hbm>>
      tpu.wait_indirect_dma semaphore(%arg11 : memref<!tpu.dma_semaphore, #tpu.memory_space<semaphore_mem>>) src(%dma_wait3A_43 : memref<10000x128xf32, #tpu.memory_space<hbm>>) dst(%dma_wait3A_37 : memref<128x128xf32, #tpu.memory_space<vmem>>)
      %dma_start3A_44 = arith.constant 0 : i32
      %dma_start3A_45 = arith.constant 0 : i32
      %dma_start3A_46 = arith.constant 0 : i32
      %dma_start3A_47 = arith.constant 0 : i32
      %dma_start3A_48 = tpu.memref_slice %arg9[%dma_start3A_44, %dma_start3A_46, %dma_start3A_47] : memref<2x128x128xf32, #tpu.memory_space<vmem>> -> memref<1x128x128xf32, #tpu.memory_space<vmem>>
      %dma_start3A_49 = tpu.memref_squeeze %dma_start3A_48 : memref<1x128x128xf32, #tpu.memory_space<vmem>> -> memref<128x128xf32, #tpu.memory_space<vmem>>
      %dma_start3A_50 = arith.constant 0 : i32
      %dma_start3A_51 = tpu.memref_slice %arg8[%dma_start3A_45, %dma_start3A_50] : memref<40x128xi32, #tpu.memory_space<vmem>> -> memref<1x128xi32, #tpu.memory_space<vmem>>
      %dma_start3A_52 = tpu.memref_squeeze %dma_start3A_51 : memref<1x128xi32, #tpu.memory_space<vmem>> -> memref<128xi32, #tpu.memory_space<vmem>>
      %dma_start3A_53 = arith.constant 0 : i32
      %dma_start3A_54 = arith.constant 0 : i32
      %dma_start3A_55 = tpu.memref_slice %arg10[%dma_start3A_53, %dma_start3A_54] : memref<10112x128xf32, #tpu.memory_space<vmem_shared>> -> memref<10112x128xf32, #tpu.memory_space<vmem_shared>>
      tpu.enqueue_indirect_dma source(%dma_start3A_49 : memref<128x128xf32, #tpu.memory_space<vmem>>) target(%dma_start3A_55 : memref<10112x128xf32, #tpu.memory_space<vmem_shared>>) offsets(%dma_start3A_52 : memref<128xi32, #tpu.memory_space<vmem>>) semaphore(%arg12 : memref<!tpu.dma_semaphore, #tpu.memory_space<semaphore_mem>>) {add = true}
      %dma_start3A_56 = arith.constant 1 : i32
      %dma_start3A_57 = arith.constant 1 : i32
      %dma_start3A_58 = arith.constant 0 : i32
      %dma_start3A_59 = arith.constant 0 : i32
      %dma_start3A_60 = tpu.memref_slice %arg9[%dma_start3A_57, %dma_start3A_58, %dma_start3A_59] : memref<2x128x128xf32, #tpu.memory_space<vmem>> -> memref<1x128x128xf32, #tpu.memory_space<vmem>>
      %dma_start3A_61 = tpu.memref_squeeze %dma_start3A_60 : memref<1x128x128xf32, #tpu.memory_space<vmem>> -> memref<128x128xf32, #tpu.memory_space<vmem>>
      %dma_start3A_62 = arith.constant 0 : i32
      %dma_start3A_63 = tpu.memref_slice %arg7[%dma_start3A_56, %dma_start3A_62] : memref<40x128xi32, #tpu.memory_space<vmem>> -> memref<1x128xi32, #tpu.memory_space<vmem>>
      %dma_start3A_64 = tpu.memref_squeeze %dma_start3A_63 : memref<1x128xi32, #tpu.memory_space<vmem>> -> memref<128xi32, #tpu.memory_space<vmem>>
      %dma_start3A_65 = arith.constant 0 : i32
      %dma_start3A_66 = arith.constant 0 : i32
      %dma_start3A_67 = tpu.memref_slice %arg2[%dma_start3A_65, %dma_start3A_66] : memref<10000x128xf32, #tpu.memory_space<hbm>> -> memref<10000x128xf32, #tpu.memory_space<hbm>>
      tpu.enqueue_indirect_dma source(%dma_start3A_67 : memref<10000x128xf32, #tpu.memory_space<hbm>>) target(%dma_start3A_61 : memref<128x128xf32, #tpu.memory_space<vmem>>) offsets(%dma_start3A_64 : memref<128xi32, #tpu.memory_space<vmem>>) semaphore(%arg11 : memref<!tpu.dma_semaphore, #tpu.memory_space<semaphore_mem>>)
      %scan3A_68 = arith.constant 1 : i32
      %scan3A_69 = arith.constant 38 : i32
      %scan3A_70 = arith.addi %scan3A_68, %scan3A_69 : i32
      %scan3A_71 = arith.constant 1 : i32
      scf.for %scan3A_121 = %scan3A_68 to %scan3A_70 step %scan3A_71  : i32 {
        %jit3A = arith.constant 2 : i32
        %eq3A = arith.constant 0 : i32
        %eq3A_122 = arith.cmpi eq, %jit3A, %eq3A : i32
        %jit3A_123 = arith.constant 1 : i32
        %select_n3A = arith.select %eq3A_122, %jit3A_123, %jit3A : i32
        %rem3A = arith.remsi %scan3A_121, %select_n3A : i32
        %ne3A = arith.constant 0 : i32
        %ne3A_124 = arith.cmpi ne, %rem3A, %ne3A : i32
        %lt3A = arith.constant 0 : i32
        %lt3A_125 = arith.cmpi slt, %rem3A, %lt3A : i32
        %lt3A_126 = arith.constant 0 : i32
        %lt3A_127 = arith.cmpi slt, %select_n3A, %lt3A_126 : i32
        %ne3A_128 = arith.xori %lt3A_125, %lt3A_127 : i1
        %and3A = arith.andi %ne3A_128, %ne3A_124 : i1
        %add3A_129 = arith.addi %rem3A, %select_n3A : i32
        %select_n3A_130 = arith.select %and3A, %add3A_129, %rem3A : i32
        %dma_wait3A_131 = arith.constant 0 : i32
        %dma_wait3A_132 = arith.constant 0 : i32
        %dma_wait3A_133 = tpu.memref_slice %arg9[%select_n3A_130, %dma_wait3A_131, %dma_wait3A_132] : memref<2x128x128xf32, #tpu.memory_space<vmem>> -> memref<1x128x128xf32, #tpu.memory_space<vmem>>
        %dma_wait3A_134 = tpu.memref_squeeze %dma_wait3A_133 : memref<1x128x128xf32, #tpu.memory_space<vmem>> -> memref<128x128xf32, #tpu.memory_space<vmem>>
        %dma_wait3A_135 = arith.constant 0 : i32
        %dma_wait3A_136 = tpu.memref_slice %arg7[%scan3A_121, %dma_wait3A_135] : memref<40x128xi32, #tpu.memory_space<vmem>> -> memref<1x128xi32, #tpu.memory_space<vmem>>
        %dma_wait3A_137 = tpu.memref_squeeze %dma_wait3A_136 : memref<1x128xi32, #tpu.memory_space<vmem>> -> memref<128xi32, #tpu.memory_space<vmem>>
        %dma_wait3A_138 = arith.constant 0 : i32
        %dma_wait3A_139 = arith.constant 0 : i32
        %dma_wait3A_140 = tpu.memref_slice %arg2[%dma_wait3A_138, %dma_wait3A_139] : memref<10000x128xf32, #tpu.memory_space<hbm>> -> memref<10000x128xf32, #tpu.memory_space<hbm>>
        tpu.wait_indirect_dma semaphore(%arg11 : memref<!tpu.dma_semaphore, #tpu.memory_space<semaphore_mem>>) src(%dma_wait3A_140 : memref<10000x128xf32, #tpu.memory_space<hbm>>) dst(%dma_wait3A_134 : memref<128x128xf32, #tpu.memory_space<vmem>>)
        %dma_start3A_141 = arith.constant 0 : i32
        %dma_start3A_142 = arith.constant 0 : i32
        %dma_start3A_143 = tpu.memref_slice %arg9[%select_n3A_130, %dma_start3A_141, %dma_start3A_142] : memref<2x128x128xf32, #tpu.memory_space<vmem>> -> memref<1x128x128xf32, #tpu.memory_space<vmem>>
        %dma_start3A_144 = tpu.memref_squeeze %dma_start3A_143 : memref<1x128x128xf32, #tpu.memory_space<vmem>> -> memref<128x128xf32, #tpu.memory_space<vmem>>
        %dma_start3A_145 = arith.constant 0 : i32
        %dma_start3A_146 = tpu.memref_slice %arg8[%scan3A_121, %dma_start3A_145] : memref<40x128xi32, #tpu.memory_space<vmem>> -> memref<1x128xi32, #tpu.memory_space<vmem>>
        %dma_start3A_147 = tpu.memref_squeeze %dma_start3A_146 : memref<1x128xi32, #tpu.memory_space<vmem>> -> memref<128xi32, #tpu.memory_space<vmem>>
        %dma_start3A_148 = arith.constant 0 : i32
        %dma_start3A_149 = arith.constant 0 : i32
        %dma_start3A_150 = tpu.memref_slice %arg10[%dma_start3A_148, %dma_start3A_149] : memref<10112x128xf32, #tpu.memory_space<vmem_shared>> -> memref<10112x128xf32, #tpu.memory_space<vmem_shared>>
        tpu.enqueue_indirect_dma source(%dma_start3A_144 : memref<128x128xf32, #tpu.memory_space<vmem>>) target(%dma_start3A_150 : memref<10112x128xf32, #tpu.memory_space<vmem_shared>>) offsets(%dma_start3A_147 : memref<128xi32, #tpu.memory_space<vmem>>) semaphore(%arg12 : memref<!tpu.dma_semaphore, #tpu.memory_space<semaphore_mem>>) {add = true}
        %sub3A = arith.constant 1 : i32
        %sub3A_151 = arith.subi %scan3A_121, %sub3A : i32
        %sub3A_152 = arith.constant 1 : i32
        %sub3A_153 = arith.subi %sub3A_152, %select_n3A_130 : i32
        %dma_wait3A_154 = arith.constant 0 : i32
        %dma_wait3A_155 = arith.constant 0 : i32
        %dma_wait3A_156 = tpu.memref_slice %arg9[%sub3A_153, %dma_wait3A_154, %dma_wait3A_155] : memref<2x128x128xf32, #tpu.memory_space<vmem>> -> memref<1x128x128xf32, #tpu.memory_space<vmem>>
        %dma_wait3A_157 = tpu.memref_squeeze %dma_wait3A_156 : memref<1x128x128xf32, #tpu.memory_space<vmem>> -> memref<128x128xf32, #tpu.memory_space<vmem>>
        %dma_wait3A_158 = arith.constant 0 : i32
        %dma_wait3A_159 = tpu.memref_slice %arg8[%sub3A_151, %dma_wait3A_158] : memref<40x128xi32, #tpu.memory_space<vmem>> -> memref<1x128xi32, #tpu.memory_space<vmem>>
        %dma_wait3A_160 = tpu.memref_squeeze %dma_wait3A_159 : memref<1x128xi32, #tpu.memory_space<vmem>> -> memref<128xi32, #tpu.memory_space<vmem>>
        %dma_wait3A_161 = arith.constant 0 : i32
        %dma_wait3A_162 = arith.constant 0 : i32
        %dma_wait3A_163 = tpu.memref_slice %arg10[%dma_wait3A_161, %dma_wait3A_162] : memref<10112x128xf32, #tpu.memory_space<vmem_shared>> -> memref<10112x128xf32, #tpu.memory_space<vmem_shared>>
        tpu.wait_indirect_dma semaphore(%arg12 : memref<!tpu.dma_semaphore, #tpu.memory_space<semaphore_mem>>) src(%dma_wait3A_157 : memref<128x128xf32, #tpu.memory_space<vmem>>) dst(%dma_wait3A_163 : memref<10112x128xf32, #tpu.memory_space<vmem_shared>>)
        %add3A_164 = arith.constant 1 : i32
        %add3A_165 = arith.addi %scan3A_121, %add3A_164 : i32
        %sub3A_166 = arith.constant 1 : i32
        %sub3A_167 = arith.subi %sub3A_166, %select_n3A_130 : i32
        %dma_start3A_168 = arith.constant 0 : i32
        %dma_start3A_169 = arith.constant 0 : i32
        %dma_start3A_170 = tpu.memref_slice %arg9[%sub3A_167, %dma_start3A_168, %dma_start3A_169] : memref<2x128x128xf32, #tpu.memory_space<vmem>> -> memref<1x128x128xf32, #tpu.memory_space<vmem>>
        %dma_start3A_171 = tpu.memref_squeeze %dma_start3A_170 : memref<1x128x128xf32, #tpu.memory_space<vmem>> -> memref<128x128xf32, #tpu.memory_space<vmem>>
        %dma_start3A_172 = arith.constant 0 : i32
        %dma_start3A_173 = tpu.memref_slice %arg7[%add3A_165, %dma_start3A_172] : memref<40x128xi32, #tpu.memory_space<vmem>> -> memref<1x128xi32, #tpu.memory_space<vmem>>
        %dma_start3A_174 = tpu.memref_squeeze %dma_start3A_173 : memref<1x128xi32, #tpu.memory_space<vmem>> -> memref<128xi32, #tpu.memory_space<vmem>>
        %dma_start3A_175 = arith.constant 0 : i32
        %dma_start3A_176 = arith.constant 0 : i32
        %dma_start3A_177 = tpu.memref_slice %arg2[%dma_start3A_175, %dma_start3A_176] : memref<10000x128xf32, #tpu.memory_space<hbm>> -> memref<10000x128xf32, #tpu.memory_space<hbm>>
        tpu.enqueue_indirect_dma source(%dma_start3A_177 : memref<10000x128xf32, #tpu.memory_space<hbm>>) target(%dma_start3A_171 : memref<128x128xf32, #tpu.memory_space<vmem>>) offsets(%dma_start3A_174 : memref<128xi32, #tpu.memory_space<vmem>>) semaphore(%arg11 : memref<!tpu.dma_semaphore, #tpu.memory_space<semaphore_mem>>)
      }
      %scan3A_72 = arith.constant 38 : i32
      %dma_wait3A_73 = arith.constant 39 : i32
      %dma_wait3A_74 = arith.constant 1 : i32
      %dma_wait3A_75 = arith.constant 0 : i32
      %dma_wait3A_76 = arith.constant 0 : i32
      %dma_wait3A_77 = tpu.memref_slice %arg9[%dma_wait3A_74, %dma_wait3A_75, %dma_wait3A_76] : memref<2x128x128xf32, #tpu.memory_space<vmem>> -> memref<1x128x128xf32, #tpu.memory_space<vmem>>
      %dma_wait3A_78 = tpu.memref_squeeze %dma_wait3A_77 : memref<1x128x128xf32, #tpu.memory_space<vmem>> -> memref<128x128xf32, #tpu.memory_space<vmem>>
      %dma_wait3A_79 = arith.constant 0 : i32
      %dma_wait3A_80 = tpu.memref_slice %arg7[%dma_wait3A_73, %dma_wait3A_79] : memref<40x128xi32, #tpu.memory_space<vmem>> -> memref<1x128xi32, #tpu.memory_space<vmem>>
      %dma_wait3A_81 = tpu.memref_squeeze %dma_wait3A_80 : memref<1x128xi32, #tpu.memory_space<vmem>> -> memref<128xi32, #tpu.memory_space<vmem>>
      %dma_wait3A_82 = arith.constant 0 : i32
      %dma_wait3A_83 = arith.constant 0 : i32
      %dma_wait3A_84 = tpu.memref_slice %arg2[%dma_wait3A_82, %dma_wait3A_83] : memref<10000x128xf32, #tpu.memory_space<hbm>> -> memref<10000x128xf32, #tpu.memory_space<hbm>>
      tpu.wait_indirect_dma semaphore(%arg11 : memref<!tpu.dma_semaphore, #tpu.memory_space<semaphore_mem>>) src(%dma_wait3A_84 : memref<10000x128xf32, #tpu.memory_space<hbm>>) dst(%dma_wait3A_78 : memref<128x128xf32, #tpu.memory_space<vmem>>)
      %dma_start3A_85 = arith.constant 1 : i32
      %dma_start3A_86 = arith.constant 39 : i32
      %dma_start3A_87 = arith.constant 0 : i32
      %dma_start3A_88 = arith.constant 0 : i32
      %dma_start3A_89 = tpu.memref_slice %arg9[%dma_start3A_85, %dma_start3A_87, %dma_start3A_88] : memref<2x128x128xf32, #tpu.memory_space<vmem>> -> memref<1x128x128xf32, #tpu.memory_space<vmem>>
      %dma_start3A_90 = tpu.memref_squeeze %dma_start3A_89 : memref<1x128x128xf32, #tpu.memory_space<vmem>> -> memref<128x128xf32, #tpu.memory_space<vmem>>
      %dma_start3A_91 = arith.constant 0 : i32
      %dma_start3A_92 = tpu.memref_slice %arg8[%dma_start3A_86, %dma_start3A_91] : memref<40x128xi32, #tpu.memory_space<vmem>> -> memref<1x128xi32, #tpu.memory_space<vmem>>
      %dma_start3A_93 = tpu.memref_squeeze %dma_start3A_92 : memref<1x128xi32, #tpu.memory_space<vmem>> -> memref<128xi32, #tpu.memory_space<vmem>>
      %dma_start3A_94 = arith.constant 0 : i32
      %dma_start3A_95 = arith.constant 0 : i32
      %dma_start3A_96 = tpu.memref_slice %arg10[%dma_start3A_94, %dma_start3A_95] : memref<10112x128xf32, #tpu.memory_space<vmem_shared>> -> memref<10112x128xf32, #tpu.memory_space<vmem_shared>>
      tpu.enqueue_indirect_dma source(%dma_start3A_90 : memref<128x128xf32, #tpu.memory_space<vmem>>) target(%dma_start3A_96 : memref<10112x128xf32, #tpu.memory_space<vmem_shared>>) offsets(%dma_start3A_93 : memref<128xi32, #tpu.memory_space<vmem>>) semaphore(%arg12 : memref<!tpu.dma_semaphore, #tpu.memory_space<semaphore_mem>>) {add = true}
      %dma_wait3A_97 = arith.constant 0 : i32
      %dma_wait3A_98 = arith.constant 38 : i32
      %dma_wait3A_99 = arith.constant 0 : i32
      %dma_wait3A_100 = arith.constant 0 : i32
      %dma_wait3A_101 = tpu.memref_slice %arg9[%dma_wait3A_97, %dma_wait3A_99, %dma_wait3A_100] : memref<2x128x128xf32, #tpu.memory_space<vmem>> -> memref<1x128x128xf32, #tpu.memory_space<vmem>>
      %dma_wait3A_102 = tpu.memref_squeeze %dma_wait3A_101 : memref<1x128x128xf32, #tpu.memory_space<vmem>> -> memref<128x128xf32, #tpu.memory_space<vmem>>
      %dma_wait3A_103 = arith.constant 0 : i32
      %dma_wait3A_104 = tpu.memref_slice %arg8[%dma_wait3A_98, %dma_wait3A_103] : memref<40x128xi32, #tpu.memory_space<vmem>> -> memref<1x128xi32, #tpu.memory_space<vmem>>
      %dma_wait3A_105 = tpu.memref_squeeze %dma_wait3A_104 : memref<1x128xi32, #tpu.memory_space<vmem>> -> memref<128xi32, #tpu.memory_space<vmem>>
      %dma_wait3A_106 = arith.constant 0 : i32
      %dma_wait3A_107 = arith.constant 0 : i32
      %dma_wait3A_108 = tpu.memref_slice %arg10[%dma_wait3A_106, %dma_wait3A_107] : memref<10112x128xf32, #tpu.memory_space<vmem_shared>> -> memref<10112x128xf32, #tpu.memory_space<vmem_shared>>
      tpu.wait_indirect_dma semaphore(%arg12 : memref<!tpu.dma_semaphore, #tpu.memory_space<semaphore_mem>>) src(%dma_wait3A_102 : memref<128x128xf32, #tpu.memory_space<vmem>>) dst(%dma_wait3A_108 : memref<10112x128xf32, #tpu.memory_space<vmem_shared>>)
      %dma_wait3A_109 = arith.constant 1 : i32
      %dma_wait3A_110 = arith.constant 39 : i32
      %dma_wait3A_111 = arith.constant 0 : i32
      %dma_wait3A_112 = arith.constant 0 : i32
      %dma_wait3A_113 = tpu.memref_slice %arg9[%dma_wait3A_109, %dma_wait3A_111, %dma_wait3A_112] : memref<2x128x128xf32, #tpu.memory_space<vmem>> -> memref<1x128x128xf32, #tpu.memory_space<vmem>>
      %dma_wait3A_114 = tpu.memref_squeeze %dma_wait3A_113 : memref<1x128x128xf32, #tpu.memory_space<vmem>> -> memref<128x128xf32, #tpu.memory_space<vmem>>
      %dma_wait3A_115 = arith.constant 0 : i32
      %dma_wait3A_116 = tpu.memref_slice %arg8[%dma_wait3A_110, %dma_wait3A_115] : memref<40x128xi32, #tpu.memory_space<vmem>> -> memref<1x128xi32, #tpu.memory_space<vmem>>
      %dma_wait3A_117 = tpu.memref_squeeze %dma_wait3A_116 : memref<1x128xi32, #tpu.memory_space<vmem>> -> memref<128xi32, #tpu.memory_space<vmem>>
      %dma_wait3A_118 = arith.constant 0 : i32
      %dma_wait3A_119 = arith.constant 0 : i32
      %dma_wait3A_120 = tpu.memref_slice %arg10[%dma_wait3A_118, %dma_wait3A_119] : memref<10112x128xf32, #tpu.memory_space<vmem_shared>> -> memref<10112x128xf32, #tpu.memory_space<vmem_shared>>
      tpu.wait_indirect_dma semaphore(%arg12 : memref<!tpu.dma_semaphore, #tpu.memory_space<semaphore_mem>>) src(%dma_wait3A_114 : memref<128x128xf32, #tpu.memory_space<vmem>>) dst(%dma_wait3A_120 : memref<10112x128xf32, #tpu.memory_space<vmem_shared>>)
    }
    %scan3A_9 = arith.constant 2 : i32
    %barrier3A_10 = arith.constant 0 : index
    tpu.barrier barrier_id(%barrier3A_10)
    %mul3A_11 = arith.constant 632 : i32
    %mul3A_12 = arith.muli %arg1, %mul3A_11 : i32
    %mul3A_13 = arith.constant 632 : i32
    %mul3A_14 = arith.muli %arg1, %mul3A_13 : i32
    "tpu.region"() ({
      %run_scoped3A = tpu.sem_alloc : memref<!tpu.dma_semaphore, #tpu.memory_space<semaphore_mem>>
      %dma_start3A = arith.constant 0 : i32
      %dma_start3A_15 = tpu.memref_slice %arg6[%arg0, %mul3A_14, %dma_start3A] : memref<2x10112x128xf32, #tpu.memory_space<hbm>> -> memref<1x632x128xf32, #tpu.memory_space<hbm>>
      %dma_start3A_16 = tpu.memref_squeeze %dma_start3A_15 : memref<1x632x128xf32, #tpu.memory_space<hbm>> -> memref<632x128xf32, #tpu.memory_space<hbm>>
      %dma_start3A_17 = arith.constant 0 : i32
      %dma_start3A_18 = tpu.memref_slice %arg10[%mul3A_12, %dma_start3A_17] : memref<10112x128xf32, #tpu.memory_space<vmem_shared>> -> memref<632x128xf32, #tpu.memory_space<vmem_shared>>
      tpu.enqueue_dma source(%dma_start3A_18 : memref<632x128xf32, #tpu.memory_space<vmem_shared>>) target(%dma_start3A_16 : memref<632x128xf32, #tpu.memory_space<hbm>>) target_semaphore(%run_scoped3A : memref<!tpu.dma_semaphore, #tpu.memory_space<semaphore_mem>>)
      %dma_wait3A = arith.constant 0 : i32
      %dma_wait3A_19 = tpu.memref_slice %arg6[%arg0, %mul3A_14, %dma_wait3A] : memref<2x10112x128xf32, #tpu.memory_space<hbm>> -> memref<1x632x128xf32, #tpu.memory_space<hbm>>
      %dma_wait3A_20 = tpu.memref_squeeze %dma_wait3A_19 : memref<1x632x128xf32, #tpu.memory_space<hbm>> -> memref<632x128xf32, #tpu.memory_space<hbm>>
      %dma_wait3A_21 = arith.constant 0 : i32
      %dma_wait3A_22 = tpu.memref_slice %arg10[%mul3A_12, %dma_wait3A_21] : memref<10112x128xf32, #tpu.memory_space<vmem_shared>> -> memref<632x128xf32, #tpu.memory_space<vmem_shared>>
      tpu.wait_dma2 semaphore(%run_scoped3A : memref<!tpu.dma_semaphore, #tpu.memory_space<semaphore_mem>>) src(%dma_wait3A_22 : memref<632x128xf32, #tpu.memory_space<vmem_shared>>) dst(%dma_wait3A_20 : memref<632x128xf32, #tpu.memory_space<hbm>>)
      tpu.yield
    }) : () -> ()
    return
  }
}

#map = affine_map<(d0, d1) -> (0, 0)>
#map1 = affine_map<(d0, d1) -> (0, 0, 0)>
module attributes {stable_mosaic.version = 14 : i64} {
  func.func @seg(%arg0: i32, %arg1: i32, %arg2: memref<10000x128xf32, #tpu.memory_space<hbm>>, %arg3: memref<2560x128xi32, #tpu.memory_space<hbm>>, %arg4: memref<2560x128xi32, #tpu.memory_space<hbm>>, %arg5: memref<632x128xf32, #tpu.memory_space<hbm>>, %arg6: memref<2x10112x128xf32, #tpu.memory_space<hbm>>, %arg7: memref<40x128xi32, #tpu.memory_space<vmem>>, %arg8: memref<40x128xi32, #tpu.memory_space<vmem>>, %arg9: memref<2x128x128xf32, #tpu.memory_space<vmem>>, %arg10: memref<10112x128xf32, #tpu.memory_space<vmem_shared>>, %arg11: memref<!tpu.dma_semaphore, #tpu.memory_space<semaphore_mem>>, %arg12: memref<!tpu.dma_semaphore, #tpu.memory_space<semaphore_mem>>) attributes {dimension_semantics = [#tpu.dimension_semantics<core_parallel>, #tpu.dimension_semantics<subcore_parallel>], iteration_bounds = array<i64: 2, 16>, scalar_prefetch = 0 : i64, scratch_operands = 6 : i64, tpu.core_type = #tpu.core_type<sc_vector_subcore>, window_params = [{transform_indices = #map}, {transform_indices = #map}, {transform_indices = #map}, {transform_indices = #map}, {transform_indices = #map1}]} {
    %mul3A = arith.constant 2 : i32
    %mul3A_0 = arith.muli %arg1, %mul3A : i32
    %add3A = arith.addi %mul3A_0, %arg0 : i32
    %mul3A_1 = arith.constant 632 : i32
    %mul3A_2 = arith.muli %arg1, %mul3A_1 : i32
    "tpu.region"() ({
      %run_scoped3A = tpu.sem_alloc : memref<!tpu.dma_semaphore, #tpu.memory_space<semaphore_mem>>
      %dma_start3A = arith.constant 0 : i32
      %dma_start3A_15 = tpu.memref_slice %arg10[%mul3A_2, %dma_start3A] : memref<10112x128xf32, #tpu.memory_space<vmem_shared>> -> memref<632x128xf32, #tpu.memory_space<vmem_shared>>
      tpu.enqueue_dma source(%arg5 : memref<632x128xf32, #tpu.memory_space<hbm>>) target(%dma_start3A_15 : memref<632x128xf32, #tpu.memory_space<vmem_shared>>) target_semaphore(%run_scoped3A : memref<!tpu.dma_semaphore, #tpu.memory_space<semaphore_mem>>)
      %dma_wait3A = arith.constant 0 : i32
      %dma_wait3A_16 = tpu.memref_slice %arg10[%mul3A_2, %dma_wait3A] : memref<10112x128xf32, #tpu.memory_space<vmem_shared>> -> memref<632x128xf32, #tpu.memory_space<vmem_shared>>
      tpu.wait_dma2 semaphore(%run_scoped3A : memref<!tpu.dma_semaphore, #tpu.memory_space<semaphore_mem>>) src(%arg5 : memref<632x128xf32, #tpu.memory_space<hbm>>) dst(%dma_wait3A_16 : memref<632x128xf32, #tpu.memory_space<vmem_shared>>)
      tpu.yield
    }) : () -> ()
    %mul3A_3 = arith.constant 80 : i32
    %mul3A_4 = arith.muli %add3A, %mul3A_3 : i32
    %barrier3A = arith.constant 0 : index
    tpu.barrier barrier_id(%barrier3A)
    %scan3A = arith.constant 0 : i32
    %scan3A_5 = arith.constant 0 : i32
    %scan3A_6 = arith.constant 2 : i32
    %scan3A_7 = arith.addi %scan3A_5, %scan3A_6 : i32
    %scan3A_8 = arith.constant 1 : i32
    scf.for %scan3A_15 = %scan3A_5 to %scan3A_7 step %scan3A_8  : i32 {
      %mul3A_16 = arith.constant 40 : i32
      %mul3A_17 = arith.muli %scan3A_15, %mul3A_16 : i32
      %add3A_18 = arith.addi %mul3A_4, %mul3A_17 : i32
      "tpu.region"() ({
        %run_scoped3A = tpu.sem_alloc : memref<!tpu.dma_semaphore, #tpu.memory_space<semaphore_mem>>
        %dma_start3A_121 = arith.constant 0 : i32
        %dma_start3A_122 = tpu.memref_slice %arg3[%add3A_18, %dma_start3A_121] : memref<2560x128xi32, #tpu.memory_space<hbm>> -> memref<40x128xi32, #tpu.memory_space<hbm>>
        %dma_start3A_123 = arith.constant 0 : i32
        %dma_start3A_124 = tpu.memref_slice %arg3[%add3A_18, %dma_start3A_123] : memref<2560x128xi32, #tpu.memory_space<hbm>> -> memref<40x128xi32, #tpu.memory_space<hbm>>
        tpu.enqueue_dma source(%dma_start3A_124 : memref<40x128xi32, #tpu.memory_space<hbm>>) target(%arg7 : memref<40x128xi32, #tpu.memory_space<vmem>>) target_semaphore(%run_scoped3A : memref<!tpu.dma_semaphore, #tpu.memory_space<semaphore_mem>>)
        %dma_wait3A_125 = arith.constant 0 : i32
        %dma_wait3A_126 = tpu.memref_slice %arg3[%add3A_18, %dma_wait3A_125] : memref<2560x128xi32, #tpu.memory_space<hbm>> -> memref<40x128xi32, #tpu.memory_space<hbm>>
        %dma_wait3A_127 = arith.constant 0 : i32
        %dma_wait3A_128 = tpu.memref_slice %arg3[%add3A_18, %dma_wait3A_127] : memref<2560x128xi32, #tpu.memory_space<hbm>> -> memref<40x128xi32, #tpu.memory_space<hbm>>
        tpu.wait_dma2 semaphore(%run_scoped3A : memref<!tpu.dma_semaphore, #tpu.memory_space<semaphore_mem>>) src(%dma_wait3A_128 : memref<40x128xi32, #tpu.memory_space<hbm>>) dst(%arg7 : memref<40x128xi32, #tpu.memory_space<vmem>>)
        tpu.yield
      }) : () -> ()
      %mul3A_19 = arith.constant 40 : i32
      %mul3A_20 = arith.muli %scan3A_15, %mul3A_19 : i32
      %add3A_21 = arith.addi %mul3A_4, %mul3A_20 : i32
      "tpu.region"() ({
        %run_scoped3A = tpu.sem_alloc : memref<!tpu.dma_semaphore, #tpu.memory_space<semaphore_mem>>
        %dma_start3A_121 = arith.constant 0 : i32
        %dma_start3A_122 = tpu.memref_slice %arg4[%add3A_21, %dma_start3A_121] : memref<2560x128xi32, #tpu.memory_space<hbm>> -> memref<40x128xi32, #tpu.memory_space<hbm>>
        %dma_start3A_123 = arith.constant 0 : i32
        %dma_start3A_124 = tpu.memref_slice %arg4[%add3A_21, %dma_start3A_123] : memref<2560x128xi32, #tpu.memory_space<hbm>> -> memref<40x128xi32, #tpu.memory_space<hbm>>
        tpu.enqueue_dma source(%dma_start3A_124 : memref<40x128xi32, #tpu.memory_space<hbm>>) target(%arg8 : memref<40x128xi32, #tpu.memory_space<vmem>>) target_semaphore(%run_scoped3A : memref<!tpu.dma_semaphore, #tpu.memory_space<semaphore_mem>>)
        %dma_wait3A_125 = arith.constant 0 : i32
        %dma_wait3A_126 = tpu.memref_slice %arg4[%add3A_21, %dma_wait3A_125] : memref<2560x128xi32, #tpu.memory_space<hbm>> -> memref<40x128xi32, #tpu.memory_space<hbm>>
        %dma_wait3A_127 = arith.constant 0 : i32
        %dma_wait3A_128 = tpu.memref_slice %arg4[%add3A_21, %dma_wait3A_127] : memref<2560x128xi32, #tpu.memory_space<hbm>> -> memref<40x128xi32, #tpu.memory_space<hbm>>
        tpu.wait_dma2 semaphore(%run_scoped3A : memref<!tpu.dma_semaphore, #tpu.memory_space<semaphore_mem>>) src(%dma_wait3A_128 : memref<40x128xi32, #tpu.memory_space<hbm>>) dst(%arg8 : memref<40x128xi32, #tpu.memory_space<vmem>>)
        tpu.yield
      }) : () -> ()
      %dma_start3A = arith.constant 0 : i32
      %dma_start3A_22 = arith.constant 0 : i32
      %dma_start3A_23 = arith.constant 0 : i32
      %dma_start3A_24 = arith.constant 0 : i32
      %dma_start3A_25 = tpu.memref_slice %arg9[%dma_start3A_22, %dma_start3A_23, %dma_start3A_24] : memref<2x128x128xf32, #tpu.memory_space<vmem>> -> memref<1x128x128xf32, #tpu.memory_space<vmem>>
      %dma_start3A_26 = tpu.memref_squeeze %dma_start3A_25 : memref<1x128x128xf32, #tpu.memory_space<vmem>> -> memref<128x128xf32, #tpu.memory_space<vmem>>
      %dma_start3A_27 = arith.constant 0 : i32
      %dma_start3A_28 = tpu.memref_slice %arg7[%dma_start3A, %dma_start3A_27] : memref<40x128xi32, #tpu.memory_space<vmem>> -> memref<1x128xi32, #tpu.memory_space<vmem>>
      %dma_start3A_29 = tpu.memref_squeeze %dma_start3A_28 : memref<1x128xi32, #tpu.memory_space<vmem>> -> memref<128xi32, #tpu.memory_space<vmem>>
      %dma_start3A_30 = arith.constant 0 : i32
      %dma_start3A_31 = arith.constant 0 : i32
      %dma_start3A_32 = tpu.memref_slice %arg2[%dma_start3A_30, %dma_start3A_31] : memref<10000x128xf32, #tpu.memory_space<hbm>> -> memref<10000x128xf32, #tpu.memory_space<hbm>>
      tpu.enqueue_indirect_dma source(%dma_start3A_32 : memref<10000x128xf32, #tpu.memory_space<hbm>>) target(%dma_start3A_26 : memref<128x128xf32, #tpu.memory_space<vmem>>) offsets(%dma_start3A_29 : memref<128xi32, #tpu.memory_space<vmem>>) semaphore(%arg11 : memref<!tpu.dma_semaphore, #tpu.memory_space<semaphore_mem>>)
      %dma_wait3A = arith.constant 0 : i32
      %dma_wait3A_33 = arith.constant 0 : i32
      %dma_wait3A_34 = arith.constant 0 : i32
      %dma_wait3A_35 = arith.constant 0 : i32
      %dma_wait3A_36 = tpu.memref_slice %arg9[%dma_wait3A_33, %dma_wait3A_34, %dma_wait3A_35] : memref<2x128x128xf32, #tpu.memory_space<vmem>> -> memref<1x128x128xf32, #tpu.memory_space<vmem>>
      %dma_wait3A_37 = tpu.memref_squeeze %dma_wait3A_36 : memref<1x128x128xf32, #tpu.memory_space<vmem>> -> memref<128x128xf32, #tpu.memory_space<vmem>>
      %dma_wait3A_38 = arith.constant 0 : i32
      %dma_wait3A_39 = tpu.memref_slice %arg7[%dma_wait3A, %dma_wait3A_38] : memref<40x128xi32, #tpu.memory_space<vmem>> -> memref<1x128xi32, #tpu.memory_space<vmem>>
      %dma_wait3A_40 = tpu.memref_squeeze %dma_wait3A_39 : memref<1x128xi32, #tpu.memory_space<vmem>> -> memref<128xi32, #tpu.memory_space<vmem>>
      %dma_wait3A_41 = arith.constant 0 : i32
      %dma_wait3A_42 = arith.constant 0 : i32
      %dma_wait3A_43 = tpu.memref_slice %arg2[%dma_wait3A_41, %dma_wait3A_42] : memref<10000x128xf32, #tpu.memory_space<hbm>> -> memref<10000x128xf32, #tpu.memory_space<hbm>>
      tpu.wait_indirect_dma semaphore(%arg11 : memref<!tpu.dma_semaphore, #tpu.memory_space<semaphore_mem>>) src(%dma_wait3A_43 : memref<10000x128xf32, #tpu.memory_space<hbm>>) dst(%dma_wait3A_37 : memref<128x128xf32, #tpu.memory_space<vmem>>)
      %dma_start3A_44 = arith.constant 0 : i32
      %dma_start3A_45 = arith.constant 0 : i32
      %dma_start3A_46 = arith.constant 0 : i32
      %dma_start3A_47 = arith.constant 0 : i32
      %dma_start3A_48 = tpu.memref_slice %arg9[%dma_start3A_44, %dma_start3A_46, %dma_start3A_47] : memref<2x128x128xf32, #tpu.memory_space<vmem>> -> memref<1x128x128xf32, #tpu.memory_space<vmem>>
      %dma_start3A_49 = tpu.memref_squeeze %dma_start3A_48 : memref<1x128x128xf32, #tpu.memory_space<vmem>> -> memref<128x128xf32, #tpu.memory_space<vmem>>
      %dma_start3A_50 = arith.constant 0 : i32
      %dma_start3A_51 = tpu.memref_slice %arg8[%dma_start3A_45, %dma_start3A_50] : memref<40x128xi32, #tpu.memory_space<vmem>> -> memref<1x128xi32, #tpu.memory_space<vmem>>
      %dma_start3A_52 = tpu.memref_squeeze %dma_start3A_51 : memref<1x128xi32, #tpu.memory_space<vmem>> -> memref<128xi32, #tpu.memory_space<vmem>>
      %dma_start3A_53 = arith.constant 0 : i32
      %dma_start3A_54 = arith.constant 0 : i32
      %dma_start3A_55 = tpu.memref_slice %arg10[%dma_start3A_53, %dma_start3A_54] : memref<10112x128xf32, #tpu.memory_space<vmem_shared>> -> memref<10112x128xf32, #tpu.memory_space<vmem_shared>>
      tpu.enqueue_indirect_dma source(%dma_start3A_49 : memref<128x128xf32, #tpu.memory_space<vmem>>) target(%dma_start3A_55 : memref<10112x128xf32, #tpu.memory_space<vmem_shared>>) offsets(%dma_start3A_52 : memref<128xi32, #tpu.memory_space<vmem>>) semaphore(%arg12 : memref<!tpu.dma_semaphore, #tpu.memory_space<semaphore_mem>>) {add = true}
      %dma_start3A_56 = arith.constant 1 : i32
      %dma_start3A_57 = arith.constant 1 : i32
      %dma_start3A_58 = arith.constant 0 : i32
      %dma_start3A_59 = arith.constant 0 : i32
      %dma_start3A_60 = tpu.memref_slice %arg9[%dma_start3A_57, %dma_start3A_58, %dma_start3A_59] : memref<2x128x128xf32, #tpu.memory_space<vmem>> -> memref<1x128x128xf32, #tpu.memory_space<vmem>>
      %dma_start3A_61 = tpu.memref_squeeze %dma_start3A_60 : memref<1x128x128xf32, #tpu.memory_space<vmem>> -> memref<128x128xf32, #tpu.memory_space<vmem>>
      %dma_start3A_62 = arith.constant 0 : i32
      %dma_start3A_63 = tpu.memref_slice %arg7[%dma_start3A_56, %dma_start3A_62] : memref<40x128xi32, #tpu.memory_space<vmem>> -> memref<1x128xi32, #tpu.memory_space<vmem>>
      %dma_start3A_64 = tpu.memref_squeeze %dma_start3A_63 : memref<1x128xi32, #tpu.memory_space<vmem>> -> memref<128xi32, #tpu.memory_space<vmem>>
      %dma_start3A_65 = arith.constant 0 : i32
      %dma_start3A_66 = arith.constant 0 : i32
      %dma_start3A_67 = tpu.memref_slice %arg2[%dma_start3A_65, %dma_start3A_66] : memref<10000x128xf32, #tpu.memory_space<hbm>> -> memref<10000x128xf32, #tpu.memory_space<hbm>>
      tpu.enqueue_indirect_dma source(%dma_start3A_67 : memref<10000x128xf32, #tpu.memory_space<hbm>>) target(%dma_start3A_61 : memref<128x128xf32, #tpu.memory_space<vmem>>) offsets(%dma_start3A_64 : memref<128xi32, #tpu.memory_space<vmem>>) semaphore(%arg11 : memref<!tpu.dma_semaphore, #tpu.memory_space<semaphore_mem>>)
      %scan3A_68 = arith.constant 1 : i32
      %scan3A_69 = arith.constant 38 : i32
      %scan3A_70 = arith.addi %scan3A_68, %scan3A_69 : i32
      %scan3A_71 = arith.constant 1 : i32
      scf.for %scan3A_121 = %scan3A_68 to %scan3A_70 step %scan3A_71  : i32 {
        %jit3A = arith.constant 2 : i32
        %eq3A = arith.constant 0 : i32
        %eq3A_122 = arith.cmpi eq, %jit3A, %eq3A : i32
        %jit3A_123 = arith.constant 1 : i32
        %select_n3A = arith.select %eq3A_122, %jit3A_123, %jit3A : i32
        %rem3A = arith.remsi %scan3A_121, %select_n3A : i32
        %ne3A = arith.constant 0 : i32
        %ne3A_124 = arith.cmpi ne, %rem3A, %ne3A : i32
        %lt3A = arith.constant 0 : i32
        %lt3A_125 = arith.cmpi slt, %rem3A, %lt3A : i32
        %lt3A_126 = arith.constant 0 : i32
        %lt3A_127 = arith.cmpi slt, %select_n3A, %lt3A_126 : i32
        %ne3A_128 = arith.xori %lt3A_125, %lt3A_127 : i1
        %and3A = arith.andi %ne3A_128, %ne3A_124 : i1
        %add3A_129 = arith.addi %rem3A, %select_n3A : i32
        %select_n3A_130 = arith.select %and3A, %add3A_129, %rem3A : i32
        %dma_wait3A_131 = arith.constant 0 : i32
        %dma_wait3A_132 = arith.constant 0 : i32
        %dma_wait3A_133 = tpu.memref_slice %arg9[%select_n3A_130, %dma_wait3A_131, %dma_wait3A_132] : memref<2x128x128xf32, #tpu.memory_space<vmem>> -> memref<1x128x128xf32, #tpu.memory_space<vmem>>
        %dma_wait3A_134 = tpu.memref_squeeze %dma_wait3A_133 : memref<1x128x128xf32, #tpu.memory_space<vmem>> -> memref<128x128xf32, #tpu.memory_space<vmem>>
        %dma_wait3A_135 = arith.constant 0 : i32
        %dma_wait3A_136 = tpu.memref_slice %arg7[%scan3A_121, %dma_wait3A_135] : memref<40x128xi32, #tpu.memory_space<vmem>> -> memref<1x128xi32, #tpu.memory_space<vmem>>
        %dma_wait3A_137 = tpu.memref_squeeze %dma_wait3A_136 : memref<1x128xi32, #tpu.memory_space<vmem>> -> memref<128xi32, #tpu.memory_space<vmem>>
        %dma_wait3A_138 = arith.constant 0 : i32
        %dma_wait3A_139 = arith.constant 0 : i32
        %dma_wait3A_140 = tpu.memref_slice %arg2[%dma_wait3A_138, %dma_wait3A_139] : memref<10000x128xf32, #tpu.memory_space<hbm>> -> memref<10000x128xf32, #tpu.memory_space<hbm>>
        tpu.wait_indirect_dma semaphore(%arg11 : memref<!tpu.dma_semaphore, #tpu.memory_space<semaphore_mem>>) src(%dma_wait3A_140 : memref<10000x128xf32, #tpu.memory_space<hbm>>) dst(%dma_wait3A_134 : memref<128x128xf32, #tpu.memory_space<vmem>>)
        %dma_start3A_141 = arith.constant 0 : i32
        %dma_start3A_142 = arith.constant 0 : i32
        %dma_start3A_143 = tpu.memref_slice %arg9[%select_n3A_130, %dma_start3A_141, %dma_start3A_142] : memref<2x128x128xf32, #tpu.memory_space<vmem>> -> memref<1x128x128xf32, #tpu.memory_space<vmem>>
        %dma_start3A_144 = tpu.memref_squeeze %dma_start3A_143 : memref<1x128x128xf32, #tpu.memory_space<vmem>> -> memref<128x128xf32, #tpu.memory_space<vmem>>
        %dma_start3A_145 = arith.constant 0 : i32
        %dma_start3A_146 = tpu.memref_slice %arg8[%scan3A_121, %dma_start3A_145] : memref<40x128xi32, #tpu.memory_space<vmem>> -> memref<1x128xi32, #tpu.memory_space<vmem>>
        %dma_start3A_147 = tpu.memref_squeeze %dma_start3A_146 : memref<1x128xi32, #tpu.memory_space<vmem>> -> memref<128xi32, #tpu.memory_space<vmem>>
        %dma_start3A_148 = arith.constant 0 : i32
        %dma_start3A_149 = arith.constant 0 : i32
        %dma_start3A_150 = tpu.memref_slice %arg10[%dma_start3A_148, %dma_start3A_149] : memref<10112x128xf32, #tpu.memory_space<vmem_shared>> -> memref<10112x128xf32, #tpu.memory_space<vmem_shared>>
        tpu.enqueue_indirect_dma source(%dma_start3A_144 : memref<128x128xf32, #tpu.memory_space<vmem>>) target(%dma_start3A_150 : memref<10112x128xf32, #tpu.memory_space<vmem_shared>>) offsets(%dma_start3A_147 : memref<128xi32, #tpu.memory_space<vmem>>) semaphore(%arg12 : memref<!tpu.dma_semaphore, #tpu.memory_space<semaphore_mem>>) {add = true}
        %sub3A = arith.constant 1 : i32
        %sub3A_151 = arith.subi %scan3A_121, %sub3A : i32
        %sub3A_152 = arith.constant 1 : i32
        %sub3A_153 = arith.subi %sub3A_152, %select_n3A_130 : i32
        %dma_wait3A_154 = arith.constant 0 : i32
        %dma_wait3A_155 = arith.constant 0 : i32
        %dma_wait3A_156 = tpu.memref_slice %arg9[%sub3A_153, %dma_wait3A_154, %dma_wait3A_155] : memref<2x128x128xf32, #tpu.memory_space<vmem>> -> memref<1x128x128xf32, #tpu.memory_space<vmem>>
        %dma_wait3A_157 = tpu.memref_squeeze %dma_wait3A_156 : memref<1x128x128xf32, #tpu.memory_space<vmem>> -> memref<128x128xf32, #tpu.memory_space<vmem>>
        %dma_wait3A_158 = arith.constant 0 : i32
        %dma_wait3A_159 = tpu.memref_slice %arg8[%sub3A_151, %dma_wait3A_158] : memref<40x128xi32, #tpu.memory_space<vmem>> -> memref<1x128xi32, #tpu.memory_space<vmem>>
        %dma_wait3A_160 = tpu.memref_squeeze %dma_wait3A_159 : memref<1x128xi32, #tpu.memory_space<vmem>> -> memref<128xi32, #tpu.memory_space<vmem>>
        %dma_wait3A_161 = arith.constant 0 : i32
        %dma_wait3A_162 = arith.constant 0 : i32
        %dma_wait3A_163 = tpu.memref_slice %arg10[%dma_wait3A_161, %dma_wait3A_162] : memref<10112x128xf32, #tpu.memory_space<vmem_shared>> -> memref<10112x128xf32, #tpu.memory_space<vmem_shared>>
        tpu.wait_indirect_dma semaphore(%arg12 : memref<!tpu.dma_semaphore, #tpu.memory_space<semaphore_mem>>) src(%dma_wait3A_157 : memref<128x128xf32, #tpu.memory_space<vmem>>) dst(%dma_wait3A_163 : memref<10112x128xf32, #tpu.memory_space<vmem_shared>>)
        %add3A_164 = arith.constant 1 : i32
        %add3A_165 = arith.addi %scan3A_121, %add3A_164 : i32
        %sub3A_166 = arith.constant 1 : i32
        %sub3A_167 = arith.subi %sub3A_166, %select_n3A_130 : i32
        %dma_start3A_168 = arith.constant 0 : i32
        %dma_start3A_169 = arith.constant 0 : i32
        %dma_start3A_170 = tpu.memref_slice %arg9[%sub3A_167, %dma_start3A_168, %dma_start3A_169] : memref<2x128x128xf32, #tpu.memory_space<vmem>> -> memref<1x128x128xf32, #tpu.memory_space<vmem>>
        %dma_start3A_171 = tpu.memref_squeeze %dma_start3A_170 : memref<1x128x128xf32, #tpu.memory_space<vmem>> -> memref<128x128xf32, #tpu.memory_space<vmem>>
        %dma_start3A_172 = arith.constant 0 : i32
        %dma_start3A_173 = tpu.memref_slice %arg7[%add3A_165, %dma_start3A_172] : memref<40x128xi32, #tpu.memory_space<vmem>> -> memref<1x128xi32, #tpu.memory_space<vmem>>
        %dma_start3A_174 = tpu.memref_squeeze %dma_start3A_173 : memref<1x128xi32, #tpu.memory_space<vmem>> -> memref<128xi32, #tpu.memory_space<vmem>>
        %dma_start3A_175 = arith.constant 0 : i32
        %dma_start3A_176 = arith.constant 0 : i32
        %dma_start3A_177 = tpu.memref_slice %arg2[%dma_start3A_175, %dma_start3A_176] : memref<10000x128xf32, #tpu.memory_space<hbm>> -> memref<10000x128xf32, #tpu.memory_space<hbm>>
        tpu.enqueue_indirect_dma source(%dma_start3A_177 : memref<10000x128xf32, #tpu.memory_space<hbm>>) target(%dma_start3A_171 : memref<128x128xf32, #tpu.memory_space<vmem>>) offsets(%dma_start3A_174 : memref<128xi32, #tpu.memory_space<vmem>>) semaphore(%arg11 : memref<!tpu.dma_semaphore, #tpu.memory_space<semaphore_mem>>)
      }
      %scan3A_72 = arith.constant 38 : i32
      %dma_wait3A_73 = arith.constant 39 : i32
      %dma_wait3A_74 = arith.constant 1 : i32
      %dma_wait3A_75 = arith.constant 0 : i32
      %dma_wait3A_76 = arith.constant 0 : i32
      %dma_wait3A_77 = tpu.memref_slice %arg9[%dma_wait3A_74, %dma_wait3A_75, %dma_wait3A_76] : memref<2x128x128xf32, #tpu.memory_space<vmem>> -> memref<1x128x128xf32, #tpu.memory_space<vmem>>
      %dma_wait3A_78 = tpu.memref_squeeze %dma_wait3A_77 : memref<1x128x128xf32, #tpu.memory_space<vmem>> -> memref<128x128xf32, #tpu.memory_space<vmem>>
      %dma_wait3A_79 = arith.constant 0 : i32
      %dma_wait3A_80 = tpu.memref_slice %arg7[%dma_wait3A_73, %dma_wait3A_79] : memref<40x128xi32, #tpu.memory_space<vmem>> -> memref<1x128xi32, #tpu.memory_space<vmem>>
      %dma_wait3A_81 = tpu.memref_squeeze %dma_wait3A_80 : memref<1x128xi32, #tpu.memory_space<vmem>> -> memref<128xi32, #tpu.memory_space<vmem>>
      %dma_wait3A_82 = arith.constant 0 : i32
      %dma_wait3A_83 = arith.constant 0 : i32
      %dma_wait3A_84 = tpu.memref_slice %arg2[%dma_wait3A_82, %dma_wait3A_83] : memref<10000x128xf32, #tpu.memory_space<hbm>> -> memref<10000x128xf32, #tpu.memory_space<hbm>>
      tpu.wait_indirect_dma semaphore(%arg11 : memref<!tpu.dma_semaphore, #tpu.memory_space<semaphore_mem>>) src(%dma_wait3A_84 : memref<10000x128xf32, #tpu.memory_space<hbm>>) dst(%dma_wait3A_78 : memref<128x128xf32, #tpu.memory_space<vmem>>)
      %dma_start3A_85 = arith.constant 1 : i32
      %dma_start3A_86 = arith.constant 39 : i32
      %dma_start3A_87 = arith.constant 0 : i32
      %dma_start3A_88 = arith.constant 0 : i32
      %dma_start3A_89 = tpu.memref_slice %arg9[%dma_start3A_85, %dma_start3A_87, %dma_start3A_88] : memref<2x128x128xf32, #tpu.memory_space<vmem>> -> memref<1x128x128xf32, #tpu.memory_space<vmem>>
      %dma_start3A_90 = tpu.memref_squeeze %dma_start3A_89 : memref<1x128x128xf32, #tpu.memory_space<vmem>> -> memref<128x128xf32, #tpu.memory_space<vmem>>
      %dma_start3A_91 = arith.constant 0 : i32
      %dma_start3A_92 = tpu.memref_slice %arg8[%dma_start3A_86, %dma_start3A_91] : memref<40x128xi32, #tpu.memory_space<vmem>> -> memref<1x128xi32, #tpu.memory_space<vmem>>
      %dma_start3A_93 = tpu.memref_squeeze %dma_start3A_92 : memref<1x128xi32, #tpu.memory_space<vmem>> -> memref<128xi32, #tpu.memory_space<vmem>>
      %dma_start3A_94 = arith.constant 0 : i32
      %dma_start3A_95 = arith.constant 0 : i32
      %dma_start3A_96 = tpu.memref_slice %arg10[%dma_start3A_94, %dma_start3A_95] : memref<10112x128xf32, #tpu.memory_space<vmem_shared>> -> memref<10112x128xf32, #tpu.memory_space<vmem_shared>>
      tpu.enqueue_indirect_dma source(%dma_start3A_90 : memref<128x128xf32, #tpu.memory_space<vmem>>) target(%dma_start3A_96 : memref<10112x128xf32, #tpu.memory_space<vmem_shared>>) offsets(%dma_start3A_93 : memref<128xi32, #tpu.memory_space<vmem>>) semaphore(%arg12 : memref<!tpu.dma_semaphore, #tpu.memory_space<semaphore_mem>>) {add = true}
      %dma_wait3A_97 = arith.constant 0 : i32
      %dma_wait3A_98 = arith.constant 38 : i32
      %dma_wait3A_99 = arith.constant 0 : i32
      %dma_wait3A_100 = arith.constant 0 : i32
      %dma_wait3A_101 = tpu.memref_slice %arg9[%dma_wait3A_97, %dma_wait3A_99, %dma_wait3A_100] : memref<2x128x128xf32, #tpu.memory_space<vmem>> -> memref<1x128x128xf32, #tpu.memory_space<vmem>>
      %dma_wait3A_102 = tpu.memref_squeeze %dma_wait3A_101 : memref<1x128x128xf32, #tpu.memory_space<vmem>> -> memref<128x128xf32, #tpu.memory_space<vmem>>
      %dma_wait3A_103 = arith.constant 0 : i32
      %dma_wait3A_104 = tpu.memref_slice %arg8[%dma_wait3A_98, %dma_wait3A_103] : memref<40x128xi32, #tpu.memory_space<vmem>> -> memref<1x128xi32, #tpu.memory_space<vmem>>
      %dma_wait3A_105 = tpu.memref_squeeze %dma_wait3A_104 : memref<1x128xi32, #tpu.memory_space<vmem>> -> memref<128xi32, #tpu.memory_space<vmem>>
      %dma_wait3A_106 = arith.constant 0 : i32
      %dma_wait3A_107 = arith.constant 0 : i32
      %dma_wait3A_108 = tpu.memref_slice %arg10[%dma_wait3A_106, %dma_wait3A_107] : memref<10112x128xf32, #tpu.memory_space<vmem_shared>> -> memref<10112x128xf32, #tpu.memory_space<vmem_shared>>
      tpu.wait_indirect_dma semaphore(%arg12 : memref<!tpu.dma_semaphore, #tpu.memory_space<semaphore_mem>>) src(%dma_wait3A_102 : memref<128x128xf32, #tpu.memory_space<vmem>>) dst(%dma_wait3A_108 : memref<10112x128xf32, #tpu.memory_space<vmem_shared>>)
      %dma_wait3A_109 = arith.constant 1 : i32
      %dma_wait3A_110 = arith.constant 39 : i32
      %dma_wait3A_111 = arith.constant 0 : i32
      %dma_wait3A_112 = arith.constant 0 : i32
      %dma_wait3A_113 = tpu.memref_slice %arg9[%dma_wait3A_109, %dma_wait3A_111, %dma_wait3A_112] : memref<2x128x128xf32, #tpu.memory_space<vmem>> -> memref<1x128x128xf32, #tpu.memory_space<vmem>>
      %dma_wait3A_114 = tpu.memref_squeeze %dma_wait3A_113 : memref<1x128x128xf32, #tpu.memory_space<vmem>> -> memref<128x128xf32, #tpu.memory_space<vmem>>
      %dma_wait3A_115 = arith.constant 0 : i32
      %dma_wait3A_116 = tpu.memref_slice %arg8[%dma_wait3A_110, %dma_wait3A_115] : memref<40x128xi32, #tpu.memory_space<vmem>> -> memref<1x128xi32, #tpu.memory_space<vmem>>
      %dma_wait3A_117 = tpu.memref_squeeze %dma_wait3A_116 : memref<1x128xi32, #tpu.memory_space<vmem>> -> memref<128xi32, #tpu.memory_space<vmem>>
      %dma_wait3A_118 = arith.constant 0 : i32
      %dma_wait3A_119 = arith.constant 0 : i32
      %dma_wait3A_120 = tpu.memref_slice %arg10[%dma_wait3A_118, %dma_wait3A_119] : memref<10112x128xf32, #tpu.memory_space<vmem_shared>> -> memref<10112x128xf32, #tpu.memory_space<vmem_shared>>
      tpu.wait_indirect_dma semaphore(%arg12 : memref<!tpu.dma_semaphore, #tpu.memory_space<semaphore_mem>>) src(%dma_wait3A_114 : memref<128x128xf32, #tpu.memory_space<vmem>>) dst(%dma_wait3A_120 : memref<10112x128xf32, #tpu.memory_space<vmem_shared>>)
    }
    %scan3A_9 = arith.constant 2 : i32
    %barrier3A_10 = arith.constant 0 : index
    tpu.barrier barrier_id(%barrier3A_10)
    %mul3A_11 = arith.constant 632 : i32
    %mul3A_12 = arith.muli %arg1, %mul3A_11 : i32
    %mul3A_13 = arith.constant 632 : i32
    %mul3A_14 = arith.muli %arg1, %mul3A_13 : i32
    "tpu.region"() ({
      %run_scoped3A = tpu.sem_alloc : memref<!tpu.dma_semaphore, #tpu.memory_space<semaphore_mem>>
      %dma_start3A = arith.constant 0 : i32
      %dma_start3A_15 = tpu.memref_slice %arg6[%arg0, %mul3A_14, %dma_start3A] : memref<2x10112x128xf32, #tpu.memory_space<hbm>> -> memref<1x632x128xf32, #tpu.memory_space<hbm>>
      %dma_start3A_16 = tpu.memref_squeeze %dma_start3A_15 : memref<1x632x128xf32, #tpu.memory_space<hbm>> -> memref<632x128xf32, #tpu.memory_space<hbm>>
      %dma_start3A_17 = arith.constant 0 : i32
      %dma_start3A_18 = tpu.memref_slice %arg10[%mul3A_12, %dma_start3A_17] : memref<10112x128xf32, #tpu.memory_space<vmem_shared>> -> memref<632x128xf32, #tpu.memory_space<vmem_shared>>
      tpu.enqueue_dma source(%dma_start3A_18 : memref<632x128xf32, #tpu.memory_space<vmem_shared>>) target(%dma_start3A_16 : memref<632x128xf32, #tpu.memory_space<hbm>>) target_semaphore(%run_scoped3A : memref<!tpu.dma_semaphore, #tpu.memory_space<semaphore_mem>>)
      %dma_wait3A = arith.constant 0 : i32
      %dma_wait3A_19 = tpu.memref_slice %arg6[%arg0, %mul3A_14, %dma_wait3A] : memref<2x10112x128xf32, #tpu.memory_space<hbm>> -> memref<1x632x128xf32, #tpu.memory_space<hbm>>
      %dma_wait3A_20 = tpu.memref_squeeze %dma_wait3A_19 : memref<1x632x128xf32, #tpu.memory_space<hbm>> -> memref<632x128xf32, #tpu.memory_space<hbm>>
      %dma_wait3A_21 = arith.constant 0 : i32
      %dma_wait3A_22 = tpu.memref_slice %arg10[%mul3A_12, %dma_wait3A_21] : memref<10112x128xf32, #tpu.memory_space<vmem_shared>> -> memref<632x128xf32, #tpu.memory_space<vmem_shared>>
      tpu.wait_dma2 semaphore(%run_scoped3A : memref<!tpu.dma_semaphore, #tpu.memory_space<semaphore_mem>>) src(%dma_wait3A_22 : memref<632x128xf32, #tpu.memory_space<vmem_shared>>) dst(%dma_wait3A_20 : memref<632x128xf32, #tpu.memory_space<hbm>>)
      tpu.yield
    }) : () -> ()
    return
  }
}

#map = affine_map<(d0, d1) -> (0, 0)>
#map1 = affine_map<(d0, d1) -> (0, 0, 0)>
module attributes {stable_mosaic.version = 14 : i64} {
  func.func @seg(%arg0: i32, %arg1: i32, %arg2: memref<10000x128xf32, #tpu.memory_space<hbm>>, %arg3: memref<2560x128xi32, #tpu.memory_space<hbm>>, %arg4: memref<2560x128xi32, #tpu.memory_space<hbm>>, %arg5: memref<632x128xf32, #tpu.memory_space<hbm>>, %arg6: memref<2x10112x128xf32, #tpu.memory_space<hbm>>, %arg7: memref<40x128xi32, #tpu.memory_space<vmem>>, %arg8: memref<40x128xi32, #tpu.memory_space<vmem>>, %arg9: memref<2x128x128xf32, #tpu.memory_space<vmem>>, %arg10: memref<10112x128xf32, #tpu.memory_space<vmem_shared>>, %arg11: memref<!tpu.dma_semaphore, #tpu.memory_space<semaphore_mem>>, %arg12: memref<!tpu.dma_semaphore, #tpu.memory_space<semaphore_mem>>) attributes {dimension_semantics = [#tpu.dimension_semantics<core_parallel>, #tpu.dimension_semantics<subcore_parallel>], iteration_bounds = array<i64: 2, 16>, scalar_prefetch = 0 : i64, scratch_operands = 6 : i64, tpu.core_type = #tpu.core_type<sc_vector_subcore>, window_params = [{transform_indices = #map}, {transform_indices = #map}, {transform_indices = #map}, {transform_indices = #map}, {transform_indices = #map1}]} {
    %mul3A = arith.constant 2 : i32
    %mul3A_0 = arith.muli %arg1, %mul3A : i32
    %add3A = arith.addi %mul3A_0, %arg0 : i32
    %mul3A_1 = arith.constant 632 : i32
    %mul3A_2 = arith.muli %arg1, %mul3A_1 : i32
    "tpu.region"() ({
      %run_scoped3A = tpu.sem_alloc : memref<!tpu.dma_semaphore, #tpu.memory_space<semaphore_mem>>
      %dma_start3A = arith.constant 0 : i32
      %dma_start3A_15 = tpu.memref_slice %arg10[%mul3A_2, %dma_start3A] : memref<10112x128xf32, #tpu.memory_space<vmem_shared>> -> memref<632x128xf32, #tpu.memory_space<vmem_shared>>
      tpu.enqueue_dma source(%arg5 : memref<632x128xf32, #tpu.memory_space<hbm>>) target(%dma_start3A_15 : memref<632x128xf32, #tpu.memory_space<vmem_shared>>) target_semaphore(%run_scoped3A : memref<!tpu.dma_semaphore, #tpu.memory_space<semaphore_mem>>)
      %dma_wait3A = arith.constant 0 : i32
      %dma_wait3A_16 = tpu.memref_slice %arg10[%mul3A_2, %dma_wait3A] : memref<10112x128xf32, #tpu.memory_space<vmem_shared>> -> memref<632x128xf32, #tpu.memory_space<vmem_shared>>
      tpu.wait_dma2 semaphore(%run_scoped3A : memref<!tpu.dma_semaphore, #tpu.memory_space<semaphore_mem>>) src(%arg5 : memref<632x128xf32, #tpu.memory_space<hbm>>) dst(%dma_wait3A_16 : memref<632x128xf32, #tpu.memory_space<vmem_shared>>)
      tpu.yield
    }) : () -> ()
    %mul3A_3 = arith.constant 80 : i32
    %mul3A_4 = arith.muli %add3A, %mul3A_3 : i32
    %barrier3A = arith.constant 0 : index
    tpu.barrier barrier_id(%barrier3A)
    %scan3A = arith.constant 0 : i32
    %scan3A_5 = arith.constant 0 : i32
    %scan3A_6 = arith.constant 2 : i32
    %scan3A_7 = arith.addi %scan3A_5, %scan3A_6 : i32
    %scan3A_8 = arith.constant 1 : i32
    scf.for %scan3A_15 = %scan3A_5 to %scan3A_7 step %scan3A_8  : i32 {
      %mul3A_16 = arith.constant 40 : i32
      %mul3A_17 = arith.muli %scan3A_15, %mul3A_16 : i32
      %add3A_18 = arith.addi %mul3A_4, %mul3A_17 : i32
      "tpu.region"() ({
        %run_scoped3A = tpu.sem_alloc : memref<!tpu.dma_semaphore, #tpu.memory_space<semaphore_mem>>
        %dma_start3A_121 = arith.constant 0 : i32
        %dma_start3A_122 = tpu.memref_slice %arg3[%add3A_18, %dma_start3A_121] : memref<2560x128xi32, #tpu.memory_space<hbm>> -> memref<40x128xi32, #tpu.memory_space<hbm>>
        %dma_start3A_123 = arith.constant 0 : i32
        %dma_start3A_124 = tpu.memref_slice %arg3[%add3A_18, %dma_start3A_123] : memref<2560x128xi32, #tpu.memory_space<hbm>> -> memref<40x128xi32, #tpu.memory_space<hbm>>
        tpu.enqueue_dma source(%dma_start3A_124 : memref<40x128xi32, #tpu.memory_space<hbm>>) target(%arg7 : memref<40x128xi32, #tpu.memory_space<vmem>>) target_semaphore(%run_scoped3A : memref<!tpu.dma_semaphore, #tpu.memory_space<semaphore_mem>>)
        %dma_wait3A_125 = arith.constant 0 : i32
        %dma_wait3A_126 = tpu.memref_slice %arg3[%add3A_18, %dma_wait3A_125] : memref<2560x128xi32, #tpu.memory_space<hbm>> -> memref<40x128xi32, #tpu.memory_space<hbm>>
        %dma_wait3A_127 = arith.constant 0 : i32
        %dma_wait3A_128 = tpu.memref_slice %arg3[%add3A_18, %dma_wait3A_127] : memref<2560x128xi32, #tpu.memory_space<hbm>> -> memref<40x128xi32, #tpu.memory_space<hbm>>
        tpu.wait_dma2 semaphore(%run_scoped3A : memref<!tpu.dma_semaphore, #tpu.memory_space<semaphore_mem>>) src(%dma_wait3A_128 : memref<40x128xi32, #tpu.memory_space<hbm>>) dst(%arg7 : memref<40x128xi32, #tpu.memory_space<vmem>>)
        tpu.yield
      }) : () -> ()
      %mul3A_19 = arith.constant 40 : i32
      %mul3A_20 = arith.muli %scan3A_15, %mul3A_19 : i32
      %add3A_21 = arith.addi %mul3A_4, %mul3A_20 : i32
      "tpu.region"() ({
        %run_scoped3A = tpu.sem_alloc : memref<!tpu.dma_semaphore, #tpu.memory_space<semaphore_mem>>
        %dma_start3A_121 = arith.constant 0 : i32
        %dma_start3A_122 = tpu.memref_slice %arg4[%add3A_21, %dma_start3A_121] : memref<2560x128xi32, #tpu.memory_space<hbm>> -> memref<40x128xi32, #tpu.memory_space<hbm>>
        %dma_start3A_123 = arith.constant 0 : i32
        %dma_start3A_124 = tpu.memref_slice %arg4[%add3A_21, %dma_start3A_123] : memref<2560x128xi32, #tpu.memory_space<hbm>> -> memref<40x128xi32, #tpu.memory_space<hbm>>
        tpu.enqueue_dma source(%dma_start3A_124 : memref<40x128xi32, #tpu.memory_space<hbm>>) target(%arg8 : memref<40x128xi32, #tpu.memory_space<vmem>>) target_semaphore(%run_scoped3A : memref<!tpu.dma_semaphore, #tpu.memory_space<semaphore_mem>>)
        %dma_wait3A_125 = arith.constant 0 : i32
        %dma_wait3A_126 = tpu.memref_slice %arg4[%add3A_21, %dma_wait3A_125] : memref<2560x128xi32, #tpu.memory_space<hbm>> -> memref<40x128xi32, #tpu.memory_space<hbm>>
        %dma_wait3A_127 = arith.constant 0 : i32
        %dma_wait3A_128 = tpu.memref_slice %arg4[%add3A_21, %dma_wait3A_127] : memref<2560x128xi32, #tpu.memory_space<hbm>> -> memref<40x128xi32, #tpu.memory_space<hbm>>
        tpu.wait_dma2 semaphore(%run_scoped3A : memref<!tpu.dma_semaphore, #tpu.memory_space<semaphore_mem>>) src(%dma_wait3A_128 : memref<40x128xi32, #tpu.memory_space<hbm>>) dst(%arg8 : memref<40x128xi32, #tpu.memory_space<vmem>>)
        tpu.yield
      }) : () -> ()
      %dma_start3A = arith.constant 0 : i32
      %dma_start3A_22 = arith.constant 0 : i32
      %dma_start3A_23 = arith.constant 0 : i32
      %dma_start3A_24 = arith.constant 0 : i32
      %dma_start3A_25 = tpu.memref_slice %arg9[%dma_start3A_22, %dma_start3A_23, %dma_start3A_24] : memref<2x128x128xf32, #tpu.memory_space<vmem>> -> memref<1x128x128xf32, #tpu.memory_space<vmem>>
      %dma_start3A_26 = tpu.memref_squeeze %dma_start3A_25 : memref<1x128x128xf32, #tpu.memory_space<vmem>> -> memref<128x128xf32, #tpu.memory_space<vmem>>
      %dma_start3A_27 = arith.constant 0 : i32
      %dma_start3A_28 = tpu.memref_slice %arg7[%dma_start3A, %dma_start3A_27] : memref<40x128xi32, #tpu.memory_space<vmem>> -> memref<1x128xi32, #tpu.memory_space<vmem>>
      %dma_start3A_29 = tpu.memref_squeeze %dma_start3A_28 : memref<1x128xi32, #tpu.memory_space<vmem>> -> memref<128xi32, #tpu.memory_space<vmem>>
      %dma_start3A_30 = arith.constant 0 : i32
      %dma_start3A_31 = arith.constant 0 : i32
      %dma_start3A_32 = tpu.memref_slice %arg2[%dma_start3A_30, %dma_start3A_31] : memref<10000x128xf32, #tpu.memory_space<hbm>> -> memref<10000x128xf32, #tpu.memory_space<hbm>>
      tpu.enqueue_indirect_dma source(%dma_start3A_32 : memref<10000x128xf32, #tpu.memory_space<hbm>>) target(%dma_start3A_26 : memref<128x128xf32, #tpu.memory_space<vmem>>) offsets(%dma_start3A_29 : memref<128xi32, #tpu.memory_space<vmem>>) semaphore(%arg11 : memref<!tpu.dma_semaphore, #tpu.memory_space<semaphore_mem>>)
      %dma_wait3A = arith.constant 0 : i32
      %dma_wait3A_33 = arith.constant 0 : i32
      %dma_wait3A_34 = arith.constant 0 : i32
      %dma_wait3A_35 = arith.constant 0 : i32
      %dma_wait3A_36 = tpu.memref_slice %arg9[%dma_wait3A_33, %dma_wait3A_34, %dma_wait3A_35] : memref<2x128x128xf32, #tpu.memory_space<vmem>> -> memref<1x128x128xf32, #tpu.memory_space<vmem>>
      %dma_wait3A_37 = tpu.memref_squeeze %dma_wait3A_36 : memref<1x128x128xf32, #tpu.memory_space<vmem>> -> memref<128x128xf32, #tpu.memory_space<vmem>>
      %dma_wait3A_38 = arith.constant 0 : i32
      %dma_wait3A_39 = tpu.memref_slice %arg7[%dma_wait3A, %dma_wait3A_38] : memref<40x128xi32, #tpu.memory_space<vmem>> -> memref<1x128xi32, #tpu.memory_space<vmem>>
      %dma_wait3A_40 = tpu.memref_squeeze %dma_wait3A_39 : memref<1x128xi32, #tpu.memory_space<vmem>> -> memref<128xi32, #tpu.memory_space<vmem>>
      %dma_wait3A_41 = arith.constant 0 : i32
      %dma_wait3A_42 = arith.constant 0 : i32
      %dma_wait3A_43 = tpu.memref_slice %arg2[%dma_wait3A_41, %dma_wait3A_42] : memref<10000x128xf32, #tpu.memory_space<hbm>> -> memref<10000x128xf32, #tpu.memory_space<hbm>>
      tpu.wait_indirect_dma semaphore(%arg11 : memref<!tpu.dma_semaphore, #tpu.memory_space<semaphore_mem>>) src(%dma_wait3A_43 : memref<10000x128xf32, #tpu.memory_space<hbm>>) dst(%dma_wait3A_37 : memref<128x128xf32, #tpu.memory_space<vmem>>)
      %dma_start3A_44 = arith.constant 0 : i32
      %dma_start3A_45 = arith.constant 0 : i32
      %dma_start3A_46 = arith.constant 0 : i32
      %dma_start3A_47 = arith.constant 0 : i32
      %dma_start3A_48 = tpu.memref_slice %arg9[%dma_start3A_44, %dma_start3A_46, %dma_start3A_47] : memref<2x128x128xf32, #tpu.memory_space<vmem>> -> memref<1x128x128xf32, #tpu.memory_space<vmem>>
      %dma_start3A_49 = tpu.memref_squeeze %dma_start3A_48 : memref<1x128x128xf32, #tpu.memory_space<vmem>> -> memref<128x128xf32, #tpu.memory_space<vmem>>
      %dma_start3A_50 = arith.constant 0 : i32
      %dma_start3A_51 = tpu.memref_slice %arg8[%dma_start3A_45, %dma_start3A_50] : memref<40x128xi32, #tpu.memory_space<vmem>> -> memref<1x128xi32, #tpu.memory_space<vmem>>
      %dma_start3A_52 = tpu.memref_squeeze %dma_start3A_51 : memref<1x128xi32, #tpu.memory_space<vmem>> -> memref<128xi32, #tpu.memory_space<vmem>>
      %dma_start3A_53 = arith.constant 0 : i32
      %dma_start3A_54 = arith.constant 0 : i32
      %dma_start3A_55 = tpu.memref_slice %arg10[%dma_start3A_53, %dma_start3A_54] : memref<10112x128xf32, #tpu.memory_space<vmem_shared>> -> memref<10112x128xf32, #tpu.memory_space<vmem_shared>>
      tpu.enqueue_indirect_dma source(%dma_start3A_49 : memref<128x128xf32, #tpu.memory_space<vmem>>) target(%dma_start3A_55 : memref<10112x128xf32, #tpu.memory_space<vmem_shared>>) offsets(%dma_start3A_52 : memref<128xi32, #tpu.memory_space<vmem>>) semaphore(%arg12 : memref<!tpu.dma_semaphore, #tpu.memory_space<semaphore_mem>>) {add = true}
      %dma_start3A_56 = arith.constant 1 : i32
      %dma_start3A_57 = arith.constant 1 : i32
      %dma_start3A_58 = arith.constant 0 : i32
      %dma_start3A_59 = arith.constant 0 : i32
      %dma_start3A_60 = tpu.memref_slice %arg9[%dma_start3A_57, %dma_start3A_58, %dma_start3A_59] : memref<2x128x128xf32, #tpu.memory_space<vmem>> -> memref<1x128x128xf32, #tpu.memory_space<vmem>>
      %dma_start3A_61 = tpu.memref_squeeze %dma_start3A_60 : memref<1x128x128xf32, #tpu.memory_space<vmem>> -> memref<128x128xf32, #tpu.memory_space<vmem>>
      %dma_start3A_62 = arith.constant 0 : i32
      %dma_start3A_63 = tpu.memref_slice %arg7[%dma_start3A_56, %dma_start3A_62] : memref<40x128xi32, #tpu.memory_space<vmem>> -> memref<1x128xi32, #tpu.memory_space<vmem>>
      %dma_start3A_64 = tpu.memref_squeeze %dma_start3A_63 : memref<1x128xi32, #tpu.memory_space<vmem>> -> memref<128xi32, #tpu.memory_space<vmem>>
      %dma_start3A_65 = arith.constant 0 : i32
      %dma_start3A_66 = arith.constant 0 : i32
      %dma_start3A_67 = tpu.memref_slice %arg2[%dma_start3A_65, %dma_start3A_66] : memref<10000x128xf32, #tpu.memory_space<hbm>> -> memref<10000x128xf32, #tpu.memory_space<hbm>>
      tpu.enqueue_indirect_dma source(%dma_start3A_67 : memref<10000x128xf32, #tpu.memory_space<hbm>>) target(%dma_start3A_61 : memref<128x128xf32, #tpu.memory_space<vmem>>) offsets(%dma_start3A_64 : memref<128xi32, #tpu.memory_space<vmem>>) semaphore(%arg11 : memref<!tpu.dma_semaphore, #tpu.memory_space<semaphore_mem>>)
      %scan3A_68 = arith.constant 1 : i32
      %scan3A_69 = arith.constant 38 : i32
      %scan3A_70 = arith.addi %scan3A_68, %scan3A_69 : i32
      %scan3A_71 = arith.constant 1 : i32
      scf.for %scan3A_121 = %scan3A_68 to %scan3A_70 step %scan3A_71  : i32 {
        %jit3A = arith.constant 2 : i32
        %eq3A = arith.constant 0 : i32
        %eq3A_122 = arith.cmpi eq, %jit3A, %eq3A : i32
        %jit3A_123 = arith.constant 1 : i32
        %select_n3A = arith.select %eq3A_122, %jit3A_123, %jit3A : i32
        %rem3A = arith.remsi %scan3A_121, %select_n3A : i32
        %ne3A = arith.constant 0 : i32
        %ne3A_124 = arith.cmpi ne, %rem3A, %ne3A : i32
        %lt3A = arith.constant 0 : i32
        %lt3A_125 = arith.cmpi slt, %rem3A, %lt3A : i32
        %lt3A_126 = arith.constant 0 : i32
        %lt3A_127 = arith.cmpi slt, %select_n3A, %lt3A_126 : i32
        %ne3A_128 = arith.xori %lt3A_125, %lt3A_127 : i1
        %and3A = arith.andi %ne3A_128, %ne3A_124 : i1
        %add3A_129 = arith.addi %rem3A, %select_n3A : i32
        %select_n3A_130 = arith.select %and3A, %add3A_129, %rem3A : i32
        %dma_wait3A_131 = arith.constant 0 : i32
        %dma_wait3A_132 = arith.constant 0 : i32
        %dma_wait3A_133 = tpu.memref_slice %arg9[%select_n3A_130, %dma_wait3A_131, %dma_wait3A_132] : memref<2x128x128xf32, #tpu.memory_space<vmem>> -> memref<1x128x128xf32, #tpu.memory_space<vmem>>
        %dma_wait3A_134 = tpu.memref_squeeze %dma_wait3A_133 : memref<1x128x128xf32, #tpu.memory_space<vmem>> -> memref<128x128xf32, #tpu.memory_space<vmem>>
        %dma_wait3A_135 = arith.constant 0 : i32
        %dma_wait3A_136 = tpu.memref_slice %arg7[%scan3A_121, %dma_wait3A_135] : memref<40x128xi32, #tpu.memory_space<vmem>> -> memref<1x128xi32, #tpu.memory_space<vmem>>
        %dma_wait3A_137 = tpu.memref_squeeze %dma_wait3A_136 : memref<1x128xi32, #tpu.memory_space<vmem>> -> memref<128xi32, #tpu.memory_space<vmem>>
        %dma_wait3A_138 = arith.constant 0 : i32
        %dma_wait3A_139 = arith.constant 0 : i32
        %dma_wait3A_140 = tpu.memref_slice %arg2[%dma_wait3A_138, %dma_wait3A_139] : memref<10000x128xf32, #tpu.memory_space<hbm>> -> memref<10000x128xf32, #tpu.memory_space<hbm>>
        tpu.wait_indirect_dma semaphore(%arg11 : memref<!tpu.dma_semaphore, #tpu.memory_space<semaphore_mem>>) src(%dma_wait3A_140 : memref<10000x128xf32, #tpu.memory_space<hbm>>) dst(%dma_wait3A_134 : memref<128x128xf32, #tpu.memory_space<vmem>>)
        %dma_start3A_141 = arith.constant 0 : i32
        %dma_start3A_142 = arith.constant 0 : i32
        %dma_start3A_143 = tpu.memref_slice %arg9[%select_n3A_130, %dma_start3A_141, %dma_start3A_142] : memref<2x128x128xf32, #tpu.memory_space<vmem>> -> memref<1x128x128xf32, #tpu.memory_space<vmem>>
        %dma_start3A_144 = tpu.memref_squeeze %dma_start3A_143 : memref<1x128x128xf32, #tpu.memory_space<vmem>> -> memref<128x128xf32, #tpu.memory_space<vmem>>
        %dma_start3A_145 = arith.constant 0 : i32
        %dma_start3A_146 = tpu.memref_slice %arg8[%scan3A_121, %dma_start3A_145] : memref<40x128xi32, #tpu.memory_space<vmem>> -> memref<1x128xi32, #tpu.memory_space<vmem>>
        %dma_start3A_147 = tpu.memref_squeeze %dma_start3A_146 : memref<1x128xi32, #tpu.memory_space<vmem>> -> memref<128xi32, #tpu.memory_space<vmem>>
        %dma_start3A_148 = arith.constant 0 : i32
        %dma_start3A_149 = arith.constant 0 : i32
        %dma_start3A_150 = tpu.memref_slice %arg10[%dma_start3A_148, %dma_start3A_149] : memref<10112x128xf32, #tpu.memory_space<vmem_shared>> -> memref<10112x128xf32, #tpu.memory_space<vmem_shared>>
        tpu.enqueue_indirect_dma source(%dma_start3A_144 : memref<128x128xf32, #tpu.memory_space<vmem>>) target(%dma_start3A_150 : memref<10112x128xf32, #tpu.memory_space<vmem_shared>>) offsets(%dma_start3A_147 : memref<128xi32, #tpu.memory_space<vmem>>) semaphore(%arg12 : memref<!tpu.dma_semaphore, #tpu.memory_space<semaphore_mem>>) {add = true}
        %sub3A = arith.constant 1 : i32
        %sub3A_151 = arith.subi %scan3A_121, %sub3A : i32
        %sub3A_152 = arith.constant 1 : i32
        %sub3A_153 = arith.subi %sub3A_152, %select_n3A_130 : i32
        %dma_wait3A_154 = arith.constant 0 : i32
        %dma_wait3A_155 = arith.constant 0 : i32
        %dma_wait3A_156 = tpu.memref_slice %arg9[%sub3A_153, %dma_wait3A_154, %dma_wait3A_155] : memref<2x128x128xf32, #tpu.memory_space<vmem>> -> memref<1x128x128xf32, #tpu.memory_space<vmem>>
        %dma_wait3A_157 = tpu.memref_squeeze %dma_wait3A_156 : memref<1x128x128xf32, #tpu.memory_space<vmem>> -> memref<128x128xf32, #tpu.memory_space<vmem>>
        %dma_wait3A_158 = arith.constant 0 : i32
        %dma_wait3A_159 = tpu.memref_slice %arg8[%sub3A_151, %dma_wait3A_158] : memref<40x128xi32, #tpu.memory_space<vmem>> -> memref<1x128xi32, #tpu.memory_space<vmem>>
        %dma_wait3A_160 = tpu.memref_squeeze %dma_wait3A_159 : memref<1x128xi32, #tpu.memory_space<vmem>> -> memref<128xi32, #tpu.memory_space<vmem>>
        %dma_wait3A_161 = arith.constant 0 : i32
        %dma_wait3A_162 = arith.constant 0 : i32
        %dma_wait3A_163 = tpu.memref_slice %arg10[%dma_wait3A_161, %dma_wait3A_162] : memref<10112x128xf32, #tpu.memory_space<vmem_shared>> -> memref<10112x128xf32, #tpu.memory_space<vmem_shared>>
        tpu.wait_indirect_dma semaphore(%arg12 : memref<!tpu.dma_semaphore, #tpu.memory_space<semaphore_mem>>) src(%dma_wait3A_157 : memref<128x128xf32, #tpu.memory_space<vmem>>) dst(%dma_wait3A_163 : memref<10112x128xf32, #tpu.memory_space<vmem_shared>>)
        %add3A_164 = arith.constant 1 : i32
        %add3A_165 = arith.addi %scan3A_121, %add3A_164 : i32
        %sub3A_166 = arith.constant 1 : i32
        %sub3A_167 = arith.subi %sub3A_166, %select_n3A_130 : i32
        %dma_start3A_168 = arith.constant 0 : i32
        %dma_start3A_169 = arith.constant 0 : i32
        %dma_start3A_170 = tpu.memref_slice %arg9[%sub3A_167, %dma_start3A_168, %dma_start3A_169] : memref<2x128x128xf32, #tpu.memory_space<vmem>> -> memref<1x128x128xf32, #tpu.memory_space<vmem>>
        %dma_start3A_171 = tpu.memref_squeeze %dma_start3A_170 : memref<1x128x128xf32, #tpu.memory_space<vmem>> -> memref<128x128xf32, #tpu.memory_space<vmem>>
        %dma_start3A_172 = arith.constant 0 : i32
        %dma_start3A_173 = tpu.memref_slice %arg7[%add3A_165, %dma_start3A_172] : memref<40x128xi32, #tpu.memory_space<vmem>> -> memref<1x128xi32, #tpu.memory_space<vmem>>
        %dma_start3A_174 = tpu.memref_squeeze %dma_start3A_173 : memref<1x128xi32, #tpu.memory_space<vmem>> -> memref<128xi32, #tpu.memory_space<vmem>>
        %dma_start3A_175 = arith.constant 0 : i32
        %dma_start3A_176 = arith.constant 0 : i32
        %dma_start3A_177 = tpu.memref_slice %arg2[%dma_start3A_175, %dma_start3A_176] : memref<10000x128xf32, #tpu.memory_space<hbm>> -> memref<10000x128xf32, #tpu.memory_space<hbm>>
        tpu.enqueue_indirect_dma source(%dma_start3A_177 : memref<10000x128xf32, #tpu.memory_space<hbm>>) target(%dma_start3A_171 : memref<128x128xf32, #tpu.memory_space<vmem>>) offsets(%dma_start3A_174 : memref<128xi32, #tpu.memory_space<vmem>>) semaphore(%arg11 : memref<!tpu.dma_semaphore, #tpu.memory_space<semaphore_mem>>)
      }
      %scan3A_72 = arith.constant 38 : i32
      %dma_wait3A_73 = arith.constant 39 : i32
      %dma_wait3A_74 = arith.constant 1 : i32
      %dma_wait3A_75 = arith.constant 0 : i32
      %dma_wait3A_76 = arith.constant 0 : i32
      %dma_wait3A_77 = tpu.memref_slice %arg9[%dma_wait3A_74, %dma_wait3A_75, %dma_wait3A_76] : memref<2x128x128xf32, #tpu.memory_space<vmem>> -> memref<1x128x128xf32, #tpu.memory_space<vmem>>
      %dma_wait3A_78 = tpu.memref_squeeze %dma_wait3A_77 : memref<1x128x128xf32, #tpu.memory_space<vmem>> -> memref<128x128xf32, #tpu.memory_space<vmem>>
      %dma_wait3A_79 = arith.constant 0 : i32
      %dma_wait3A_80 = tpu.memref_slice %arg7[%dma_wait3A_73, %dma_wait3A_79] : memref<40x128xi32, #tpu.memory_space<vmem>> -> memref<1x128xi32, #tpu.memory_space<vmem>>
      %dma_wait3A_81 = tpu.memref_squeeze %dma_wait3A_80 : memref<1x128xi32, #tpu.memory_space<vmem>> -> memref<128xi32, #tpu.memory_space<vmem>>
      %dma_wait3A_82 = arith.constant 0 : i32
      %dma_wait3A_83 = arith.constant 0 : i32
      %dma_wait3A_84 = tpu.memref_slice %arg2[%dma_wait3A_82, %dma_wait3A_83] : memref<10000x128xf32, #tpu.memory_space<hbm>> -> memref<10000x128xf32, #tpu.memory_space<hbm>>
      tpu.wait_indirect_dma semaphore(%arg11 : memref<!tpu.dma_semaphore, #tpu.memory_space<semaphore_mem>>) src(%dma_wait3A_84 : memref<10000x128xf32, #tpu.memory_space<hbm>>) dst(%dma_wait3A_78 : memref<128x128xf32, #tpu.memory_space<vmem>>)
      %dma_start3A_85 = arith.constant 1 : i32
      %dma_start3A_86 = arith.constant 39 : i32
      %dma_start3A_87 = arith.constant 0 : i32
      %dma_start3A_88 = arith.constant 0 : i32
      %dma_start3A_89 = tpu.memref_slice %arg9[%dma_start3A_85, %dma_start3A_87, %dma_start3A_88] : memref<2x128x128xf32, #tpu.memory_space<vmem>> -> memref<1x128x128xf32, #tpu.memory_space<vmem>>
      %dma_start3A_90 = tpu.memref_squeeze %dma_start3A_89 : memref<1x128x128xf32, #tpu.memory_space<vmem>> -> memref<128x128xf32, #tpu.memory_space<vmem>>
      %dma_start3A_91 = arith.constant 0 : i32
      %dma_start3A_92 = tpu.memref_slice %arg8[%dma_start3A_86, %dma_start3A_91] : memref<40x128xi32, #tpu.memory_space<vmem>> -> memref<1x128xi32, #tpu.memory_space<vmem>>
      %dma_start3A_93 = tpu.memref_squeeze %dma_start3A_92 : memref<1x128xi32, #tpu.memory_space<vmem>> -> memref<128xi32, #tpu.memory_space<vmem>>
      %dma_start3A_94 = arith.constant 0 : i32
      %dma_start3A_95 = arith.constant 0 : i32
      %dma_start3A_96 = tpu.memref_slice %arg10[%dma_start3A_94, %dma_start3A_95] : memref<10112x128xf32, #tpu.memory_space<vmem_shared>> -> memref<10112x128xf32, #tpu.memory_space<vmem_shared>>
      tpu.enqueue_indirect_dma source(%dma_start3A_90 : memref<128x128xf32, #tpu.memory_space<vmem>>) target(%dma_start3A_96 : memref<10112x128xf32, #tpu.memory_space<vmem_shared>>) offsets(%dma_start3A_93 : memref<128xi32, #tpu.memory_space<vmem>>) semaphore(%arg12 : memref<!tpu.dma_semaphore, #tpu.memory_space<semaphore_mem>>) {add = true}
      %dma_wait3A_97 = arith.constant 0 : i32
      %dma_wait3A_98 = arith.constant 38 : i32
      %dma_wait3A_99 = arith.constant 0 : i32
      %dma_wait3A_100 = arith.constant 0 : i32
      %dma_wait3A_101 = tpu.memref_slice %arg9[%dma_wait3A_97, %dma_wait3A_99, %dma_wait3A_100] : memref<2x128x128xf32, #tpu.memory_space<vmem>> -> memref<1x128x128xf32, #tpu.memory_space<vmem>>
      %dma_wait3A_102 = tpu.memref_squeeze %dma_wait3A_101 : memref<1x128x128xf32, #tpu.memory_space<vmem>> -> memref<128x128xf32, #tpu.memory_space<vmem>>
      %dma_wait3A_103 = arith.constant 0 : i32
      %dma_wait3A_104 = tpu.memref_slice %arg8[%dma_wait3A_98, %dma_wait3A_103] : memref<40x128xi32, #tpu.memory_space<vmem>> -> memref<1x128xi32, #tpu.memory_space<vmem>>
      %dma_wait3A_105 = tpu.memref_squeeze %dma_wait3A_104 : memref<1x128xi32, #tpu.memory_space<vmem>> -> memref<128xi32, #tpu.memory_space<vmem>>
      %dma_wait3A_106 = arith.constant 0 : i32
      %dma_wait3A_107 = arith.constant 0 : i32
      %dma_wait3A_108 = tpu.memref_slice %arg10[%dma_wait3A_106, %dma_wait3A_107] : memref<10112x128xf32, #tpu.memory_space<vmem_shared>> -> memref<10112x128xf32, #tpu.memory_space<vmem_shared>>
      tpu.wait_indirect_dma semaphore(%arg12 : memref<!tpu.dma_semaphore, #tpu.memory_space<semaphore_mem>>) src(%dma_wait3A_102 : memref<128x128xf32, #tpu.memory_space<vmem>>) dst(%dma_wait3A_108 : memref<10112x128xf32, #tpu.memory_space<vmem_shared>>)
      %dma_wait3A_109 = arith.constant 1 : i32
      %dma_wait3A_110 = arith.constant 39 : i32
      %dma_wait3A_111 = arith.constant 0 : i32
      %dma_wait3A_112 = arith.constant 0 : i32
      %dma_wait3A_113 = tpu.memref_slice %arg9[%dma_wait3A_109, %dma_wait3A_111, %dma_wait3A_112] : memref<2x128x128xf32, #tpu.memory_space<vmem>> -> memref<1x128x128xf32, #tpu.memory_space<vmem>>
      %dma_wait3A_114 = tpu.memref_squeeze %dma_wait3A_113 : memref<1x128x128xf32, #tpu.memory_space<vmem>> -> memref<128x128xf32, #tpu.memory_space<vmem>>
      %dma_wait3A_115 = arith.constant 0 : i32
      %dma_wait3A_116 = tpu.memref_slice %arg8[%dma_wait3A_110, %dma_wait3A_115] : memref<40x128xi32, #tpu.memory_space<vmem>> -> memref<1x128xi32, #tpu.memory_space<vmem>>
      %dma_wait3A_117 = tpu.memref_squeeze %dma_wait3A_116 : memref<1x128xi32, #tpu.memory_space<vmem>> -> memref<128xi32, #tpu.memory_space<vmem>>
      %dma_wait3A_118 = arith.constant 0 : i32
      %dma_wait3A_119 = arith.constant 0 : i32
      %dma_wait3A_120 = tpu.memref_slice %arg10[%dma_wait3A_118, %dma_wait3A_119] : memref<10112x128xf32, #tpu.memory_space<vmem_shared>> -> memref<10112x128xf32, #tpu.memory_space<vmem_shared>>
      tpu.wait_indirect_dma semaphore(%arg12 : memref<!tpu.dma_semaphore, #tpu.memory_space<semaphore_mem>>) src(%dma_wait3A_114 : memref<128x128xf32, #tpu.memory_space<vmem>>) dst(%dma_wait3A_120 : memref<10112x128xf32, #tpu.memory_space<vmem_shared>>)
    }
    %scan3A_9 = arith.constant 2 : i32
    %barrier3A_10 = arith.constant 0 : index
    tpu.barrier barrier_id(%barrier3A_10)
    %mul3A_11 = arith.constant 632 : i32
    %mul3A_12 = arith.muli %arg1, %mul3A_11 : i32
    %mul3A_13 = arith.constant 632 : i32
    %mul3A_14 = arith.muli %arg1, %mul3A_13 : i32
    "tpu.region"() ({
      %run_scoped3A = tpu.sem_alloc : memref<!tpu.dma_semaphore, #tpu.memory_space<semaphore_mem>>
      %dma_start3A = arith.constant 0 : i32
      %dma_start3A_15 = tpu.memref_slice %arg6[%arg0, %mul3A_14, %dma_start3A] : memref<2x10112x128xf32, #tpu.memory_space<hbm>> -> memref<1x632x128xf32, #tpu.memory_space<hbm>>
      %dma_start3A_16 = tpu.memref_squeeze %dma_start3A_15 : memref<1x632x128xf32, #tpu.memory_space<hbm>> -> memref<632x128xf32, #tpu.memory_space<hbm>>
      %dma_start3A_17 = arith.constant 0 : i32
      %dma_start3A_18 = tpu.memref_slice %arg10[%mul3A_12, %dma_start3A_17] : memref<10112x128xf32, #tpu.memory_space<vmem_shared>> -> memref<632x128xf32, #tpu.memory_space<vmem_shared>>
      tpu.enqueue_dma source(%dma_start3A_18 : memref<632x128xf32, #tpu.memory_space<vmem_shared>>) target(%dma_start3A_16 : memref<632x128xf32, #tpu.memory_space<hbm>>) target_semaphore(%run_scoped3A : memref<!tpu.dma_semaphore, #tpu.memory_space<semaphore_mem>>)
      %dma_wait3A = arith.constant 0 : i32
      %dma_wait3A_19 = tpu.memref_slice %arg6[%arg0, %mul3A_14, %dma_wait3A] : memref<2x10112x128xf32, #tpu.memory_space<hbm>> -> memref<1x632x128xf32, #tpu.memory_space<hbm>>
      %dma_wait3A_20 = tpu.memref_squeeze %dma_wait3A_19 : memref<1x632x128xf32, #tpu.memory_space<hbm>> -> memref<632x128xf32, #tpu.memory_space<hbm>>
      %dma_wait3A_21 = arith.constant 0 : i32
      %dma_wait3A_22 = tpu.memref_slice %arg10[%mul3A_12, %dma_wait3A_21] : memref<10112x128xf32, #tpu.memory_space<vmem_shared>> -> memref<632x128xf32, #tpu.memory_space<vmem_shared>>
      tpu.wait_dma2 semaphore(%run_scoped3A : memref<!tpu.dma_semaphore, #tpu.memory_space<semaphore_mem>>) src(%dma_wait3A_22 : memref<632x128xf32, #tpu.memory_space<vmem_shared>>) dst(%dma_wait3A_20 : memref<632x128xf32, #tpu.memory_space<hbm>>)
      tpu.yield
    }) : () -> ()
    return
  }
}

#map = affine_map<(d0, d1) -> (0, 0)>
#map1 = affine_map<(d0, d1) -> (0, 0, 0)>
module attributes {stable_mosaic.version = 14 : i64} {
  func.func @seg(%arg0: i32, %arg1: i32, %arg2: memref<10000x128xf32, #tpu.memory_space<hbm>>, %arg3: memref<2560x128xi32, #tpu.memory_space<hbm>>, %arg4: memref<2560x128xi32, #tpu.memory_space<hbm>>, %arg5: memref<632x128xf32, #tpu.memory_space<hbm>>, %arg6: memref<2x10112x128xf32, #tpu.memory_space<hbm>>, %arg7: memref<40x128xi32, #tpu.memory_space<vmem>>, %arg8: memref<40x128xi32, #tpu.memory_space<vmem>>, %arg9: memref<2x128x128xf32, #tpu.memory_space<vmem>>, %arg10: memref<10112x128xf32, #tpu.memory_space<vmem_shared>>, %arg11: memref<!tpu.dma_semaphore, #tpu.memory_space<semaphore_mem>>, %arg12: memref<!tpu.dma_semaphore, #tpu.memory_space<semaphore_mem>>) attributes {dimension_semantics = [#tpu.dimension_semantics<core_parallel>, #tpu.dimension_semantics<subcore_parallel>], iteration_bounds = array<i64: 2, 16>, scalar_prefetch = 0 : i64, scratch_operands = 6 : i64, tpu.core_type = #tpu.core_type<sc_vector_subcore>, window_params = [{transform_indices = #map}, {transform_indices = #map}, {transform_indices = #map}, {transform_indices = #map}, {transform_indices = #map1}]} {
    %mul3A = arith.constant 2 : i32
    %mul3A_0 = arith.muli %arg1, %mul3A : i32
    %add3A = arith.addi %mul3A_0, %arg0 : i32
    %mul3A_1 = arith.constant 632 : i32
    %mul3A_2 = arith.muli %arg1, %mul3A_1 : i32
    "tpu.region"() ({
      %run_scoped3A = tpu.sem_alloc : memref<!tpu.dma_semaphore, #tpu.memory_space<semaphore_mem>>
      %dma_start3A = arith.constant 0 : i32
      %dma_start3A_15 = tpu.memref_slice %arg10[%mul3A_2, %dma_start3A] : memref<10112x128xf32, #tpu.memory_space<vmem_shared>> -> memref<632x128xf32, #tpu.memory_space<vmem_shared>>
      tpu.enqueue_dma source(%arg5 : memref<632x128xf32, #tpu.memory_space<hbm>>) target(%dma_start3A_15 : memref<632x128xf32, #tpu.memory_space<vmem_shared>>) target_semaphore(%run_scoped3A : memref<!tpu.dma_semaphore, #tpu.memory_space<semaphore_mem>>)
      %dma_wait3A = arith.constant 0 : i32
      %dma_wait3A_16 = tpu.memref_slice %arg10[%mul3A_2, %dma_wait3A] : memref<10112x128xf32, #tpu.memory_space<vmem_shared>> -> memref<632x128xf32, #tpu.memory_space<vmem_shared>>
      tpu.wait_dma2 semaphore(%run_scoped3A : memref<!tpu.dma_semaphore, #tpu.memory_space<semaphore_mem>>) src(%arg5 : memref<632x128xf32, #tpu.memory_space<hbm>>) dst(%dma_wait3A_16 : memref<632x128xf32, #tpu.memory_space<vmem_shared>>)
      tpu.yield
    }) : () -> ()
    %mul3A_3 = arith.constant 80 : i32
    %mul3A_4 = arith.muli %add3A, %mul3A_3 : i32
    %barrier3A = arith.constant 0 : index
    tpu.barrier barrier_id(%barrier3A)
    %scan3A = arith.constant 0 : i32
    %scan3A_5 = arith.constant 0 : i32
    %scan3A_6 = arith.constant 2 : i32
    %scan3A_7 = arith.addi %scan3A_5, %scan3A_6 : i32
    %scan3A_8 = arith.constant 1 : i32
    scf.for %scan3A_15 = %scan3A_5 to %scan3A_7 step %scan3A_8  : i32 {
      %mul3A_16 = arith.constant 40 : i32
      %mul3A_17 = arith.muli %scan3A_15, %mul3A_16 : i32
      %add3A_18 = arith.addi %mul3A_4, %mul3A_17 : i32
      "tpu.region"() ({
        %run_scoped3A = tpu.sem_alloc : memref<!tpu.dma_semaphore, #tpu.memory_space<semaphore_mem>>
        %dma_start3A_121 = arith.constant 0 : i32
        %dma_start3A_122 = tpu.memref_slice %arg3[%add3A_18, %dma_start3A_121] : memref<2560x128xi32, #tpu.memory_space<hbm>> -> memref<40x128xi32, #tpu.memory_space<hbm>>
        %dma_start3A_123 = arith.constant 0 : i32
        %dma_start3A_124 = tpu.memref_slice %arg3[%add3A_18, %dma_start3A_123] : memref<2560x128xi32, #tpu.memory_space<hbm>> -> memref<40x128xi32, #tpu.memory_space<hbm>>
        tpu.enqueue_dma source(%dma_start3A_124 : memref<40x128xi32, #tpu.memory_space<hbm>>) target(%arg7 : memref<40x128xi32, #tpu.memory_space<vmem>>) target_semaphore(%run_scoped3A : memref<!tpu.dma_semaphore, #tpu.memory_space<semaphore_mem>>)
        %dma_wait3A_125 = arith.constant 0 : i32
        %dma_wait3A_126 = tpu.memref_slice %arg3[%add3A_18, %dma_wait3A_125] : memref<2560x128xi32, #tpu.memory_space<hbm>> -> memref<40x128xi32, #tpu.memory_space<hbm>>
        %dma_wait3A_127 = arith.constant 0 : i32
        %dma_wait3A_128 = tpu.memref_slice %arg3[%add3A_18, %dma_wait3A_127] : memref<2560x128xi32, #tpu.memory_space<hbm>> -> memref<40x128xi32, #tpu.memory_space<hbm>>
        tpu.wait_dma2 semaphore(%run_scoped3A : memref<!tpu.dma_semaphore, #tpu.memory_space<semaphore_mem>>) src(%dma_wait3A_128 : memref<40x128xi32, #tpu.memory_space<hbm>>) dst(%arg7 : memref<40x128xi32, #tpu.memory_space<vmem>>)
        tpu.yield
      }) : () -> ()
      %mul3A_19 = arith.constant 40 : i32
      %mul3A_20 = arith.muli %scan3A_15, %mul3A_19 : i32
      %add3A_21 = arith.addi %mul3A_4, %mul3A_20 : i32
      "tpu.region"() ({
        %run_scoped3A = tpu.sem_alloc : memref<!tpu.dma_semaphore, #tpu.memory_space<semaphore_mem>>
        %dma_start3A_121 = arith.constant 0 : i32
        %dma_start3A_122 = tpu.memref_slice %arg4[%add3A_21, %dma_start3A_121] : memref<2560x128xi32, #tpu.memory_space<hbm>> -> memref<40x128xi32, #tpu.memory_space<hbm>>
        %dma_start3A_123 = arith.constant 0 : i32
        %dma_start3A_124 = tpu.memref_slice %arg4[%add3A_21, %dma_start3A_123] : memref<2560x128xi32, #tpu.memory_space<hbm>> -> memref<40x128xi32, #tpu.memory_space<hbm>>
        tpu.enqueue_dma source(%dma_start3A_124 : memref<40x128xi32, #tpu.memory_space<hbm>>) target(%arg8 : memref<40x128xi32, #tpu.memory_space<vmem>>) target_semaphore(%run_scoped3A : memref<!tpu.dma_semaphore, #tpu.memory_space<semaphore_mem>>)
        %dma_wait3A_125 = arith.constant 0 : i32
        %dma_wait3A_126 = tpu.memref_slice %arg4[%add3A_21, %dma_wait3A_125] : memref<2560x128xi32, #tpu.memory_space<hbm>> -> memref<40x128xi32, #tpu.memory_space<hbm>>
        %dma_wait3A_127 = arith.constant 0 : i32
        %dma_wait3A_128 = tpu.memref_slice %arg4[%add3A_21, %dma_wait3A_127] : memref<2560x128xi32, #tpu.memory_space<hbm>> -> memref<40x128xi32, #tpu.memory_space<hbm>>
        tpu.wait_dma2 semaphore(%run_scoped3A : memref<!tpu.dma_semaphore, #tpu.memory_space<semaphore_mem>>) src(%dma_wait3A_128 : memref<40x128xi32, #tpu.memory_space<hbm>>) dst(%arg8 : memref<40x128xi32, #tpu.memory_space<vmem>>)
        tpu.yield
      }) : () -> ()
      %dma_start3A = arith.constant 0 : i32
      %dma_start3A_22 = arith.constant 0 : i32
      %dma_start3A_23 = arith.constant 0 : i32
      %dma_start3A_24 = arith.constant 0 : i32
      %dma_start3A_25 = tpu.memref_slice %arg9[%dma_start3A_22, %dma_start3A_23, %dma_start3A_24] : memref<2x128x128xf32, #tpu.memory_space<vmem>> -> memref<1x128x128xf32, #tpu.memory_space<vmem>>
      %dma_start3A_26 = tpu.memref_squeeze %dma_start3A_25 : memref<1x128x128xf32, #tpu.memory_space<vmem>> -> memref<128x128xf32, #tpu.memory_space<vmem>>
      %dma_start3A_27 = arith.constant 0 : i32
      %dma_start3A_28 = tpu.memref_slice %arg7[%dma_start3A, %dma_start3A_27] : memref<40x128xi32, #tpu.memory_space<vmem>> -> memref<1x128xi32, #tpu.memory_space<vmem>>
      %dma_start3A_29 = tpu.memref_squeeze %dma_start3A_28 : memref<1x128xi32, #tpu.memory_space<vmem>> -> memref<128xi32, #tpu.memory_space<vmem>>
      %dma_start3A_30 = arith.constant 0 : i32
      %dma_start3A_31 = arith.constant 0 : i32
      %dma_start3A_32 = tpu.memref_slice %arg2[%dma_start3A_30, %dma_start3A_31] : memref<10000x128xf32, #tpu.memory_space<hbm>> -> memref<10000x128xf32, #tpu.memory_space<hbm>>
      tpu.enqueue_indirect_dma source(%dma_start3A_32 : memref<10000x128xf32, #tpu.memory_space<hbm>>) target(%dma_start3A_26 : memref<128x128xf32, #tpu.memory_space<vmem>>) offsets(%dma_start3A_29 : memref<128xi32, #tpu.memory_space<vmem>>) semaphore(%arg11 : memref<!tpu.dma_semaphore, #tpu.memory_space<semaphore_mem>>)
      %dma_wait3A = arith.constant 0 : i32
      %dma_wait3A_33 = arith.constant 0 : i32
      %dma_wait3A_34 = arith.constant 0 : i32
      %dma_wait3A_35 = arith.constant 0 : i32
      %dma_wait3A_36 = tpu.memref_slice %arg9[%dma_wait3A_33, %dma_wait3A_34, %dma_wait3A_35] : memref<2x128x128xf32, #tpu.memory_space<vmem>> -> memref<1x128x128xf32, #tpu.memory_space<vmem>>
      %dma_wait3A_37 = tpu.memref_squeeze %dma_wait3A_36 : memref<1x128x128xf32, #tpu.memory_space<vmem>> -> memref<128x128xf32, #tpu.memory_space<vmem>>
      %dma_wait3A_38 = arith.constant 0 : i32
      %dma_wait3A_39 = tpu.memref_slice %arg7[%dma_wait3A, %dma_wait3A_38] : memref<40x128xi32, #tpu.memory_space<vmem>> -> memref<1x128xi32, #tpu.memory_space<vmem>>
      %dma_wait3A_40 = tpu.memref_squeeze %dma_wait3A_39 : memref<1x128xi32, #tpu.memory_space<vmem>> -> memref<128xi32, #tpu.memory_space<vmem>>
      %dma_wait3A_41 = arith.constant 0 : i32
      %dma_wait3A_42 = arith.constant 0 : i32
      %dma_wait3A_43 = tpu.memref_slice %arg2[%dma_wait3A_41, %dma_wait3A_42] : memref<10000x128xf32, #tpu.memory_space<hbm>> -> memref<10000x128xf32, #tpu.memory_space<hbm>>
      tpu.wait_indirect_dma semaphore(%arg11 : memref<!tpu.dma_semaphore, #tpu.memory_space<semaphore_mem>>) src(%dma_wait3A_43 : memref<10000x128xf32, #tpu.memory_space<hbm>>) dst(%dma_wait3A_37 : memref<128x128xf32, #tpu.memory_space<vmem>>)
      %dma_start3A_44 = arith.constant 0 : i32
      %dma_start3A_45 = arith.constant 0 : i32
      %dma_start3A_46 = arith.constant 0 : i32
      %dma_start3A_47 = arith.constant 0 : i32
      %dma_start3A_48 = tpu.memref_slice %arg9[%dma_start3A_44, %dma_start3A_46, %dma_start3A_47] : memref<2x128x128xf32, #tpu.memory_space<vmem>> -> memref<1x128x128xf32, #tpu.memory_space<vmem>>
      %dma_start3A_49 = tpu.memref_squeeze %dma_start3A_48 : memref<1x128x128xf32, #tpu.memory_space<vmem>> -> memref<128x128xf32, #tpu.memory_space<vmem>>
      %dma_start3A_50 = arith.constant 0 : i32
      %dma_start3A_51 = tpu.memref_slice %arg8[%dma_start3A_45, %dma_start3A_50] : memref<40x128xi32, #tpu.memory_space<vmem>> -> memref<1x128xi32, #tpu.memory_space<vmem>>
      %dma_start3A_52 = tpu.memref_squeeze %dma_start3A_51 : memref<1x128xi32, #tpu.memory_space<vmem>> -> memref<128xi32, #tpu.memory_space<vmem>>
      %dma_start3A_53 = arith.constant 0 : i32
      %dma_start3A_54 = arith.constant 0 : i32
      %dma_start3A_55 = tpu.memref_slice %arg10[%dma_start3A_53, %dma_start3A_54] : memref<10112x128xf32, #tpu.memory_space<vmem_shared>> -> memref<10112x128xf32, #tpu.memory_space<vmem_shared>>
      tpu.enqueue_indirect_dma source(%dma_start3A_49 : memref<128x128xf32, #tpu.memory_space<vmem>>) target(%dma_start3A_55 : memref<10112x128xf32, #tpu.memory_space<vmem_shared>>) offsets(%dma_start3A_52 : memref<128xi32, #tpu.memory_space<vmem>>) semaphore(%arg12 : memref<!tpu.dma_semaphore, #tpu.memory_space<semaphore_mem>>) {add = true}
      %dma_start3A_56 = arith.constant 1 : i32
      %dma_start3A_57 = arith.constant 1 : i32
      %dma_start3A_58 = arith.constant 0 : i32
      %dma_start3A_59 = arith.constant 0 : i32
      %dma_start3A_60 = tpu.memref_slice %arg9[%dma_start3A_57, %dma_start3A_58, %dma_start3A_59] : memref<2x128x128xf32, #tpu.memory_space<vmem>> -> memref<1x128x128xf32, #tpu.memory_space<vmem>>
      %dma_start3A_61 = tpu.memref_squeeze %dma_start3A_60 : memref<1x128x128xf32, #tpu.memory_space<vmem>> -> memref<128x128xf32, #tpu.memory_space<vmem>>
      %dma_start3A_62 = arith.constant 0 : i32
      %dma_start3A_63 = tpu.memref_slice %arg7[%dma_start3A_56, %dma_start3A_62] : memref<40x128xi32, #tpu.memory_space<vmem>> -> memref<1x128xi32, #tpu.memory_space<vmem>>
      %dma_start3A_64 = tpu.memref_squeeze %dma_start3A_63 : memref<1x128xi32, #tpu.memory_space<vmem>> -> memref<128xi32, #tpu.memory_space<vmem>>
      %dma_start3A_65 = arith.constant 0 : i32
      %dma_start3A_66 = arith.constant 0 : i32
      %dma_start3A_67 = tpu.memref_slice %arg2[%dma_start3A_65, %dma_start3A_66] : memref<10000x128xf32, #tpu.memory_space<hbm>> -> memref<10000x128xf32, #tpu.memory_space<hbm>>
      tpu.enqueue_indirect_dma source(%dma_start3A_67 : memref<10000x128xf32, #tpu.memory_space<hbm>>) target(%dma_start3A_61 : memref<128x128xf32, #tpu.memory_space<vmem>>) offsets(%dma_start3A_64 : memref<128xi32, #tpu.memory_space<vmem>>) semaphore(%arg11 : memref<!tpu.dma_semaphore, #tpu.memory_space<semaphore_mem>>)
      %scan3A_68 = arith.constant 1 : i32
      %scan3A_69 = arith.constant 38 : i32
      %scan3A_70 = arith.addi %scan3A_68, %scan3A_69 : i32
      %scan3A_71 = arith.constant 1 : i32
      scf.for %scan3A_121 = %scan3A_68 to %scan3A_70 step %scan3A_71  : i32 {
        %jit3A = arith.constant 2 : i32
        %eq3A = arith.constant 0 : i32
        %eq3A_122 = arith.cmpi eq, %jit3A, %eq3A : i32
        %jit3A_123 = arith.constant 1 : i32
        %select_n3A = arith.select %eq3A_122, %jit3A_123, %jit3A : i32
        %rem3A = arith.remsi %scan3A_121, %select_n3A : i32
        %ne3A = arith.constant 0 : i32
        %ne3A_124 = arith.cmpi ne, %rem3A, %ne3A : i32
        %lt3A = arith.constant 0 : i32
        %lt3A_125 = arith.cmpi slt, %rem3A, %lt3A : i32
        %lt3A_126 = arith.constant 0 : i32
        %lt3A_127 = arith.cmpi slt, %select_n3A, %lt3A_126 : i32
        %ne3A_128 = arith.xori %lt3A_125, %lt3A_127 : i1
        %and3A = arith.andi %ne3A_128, %ne3A_124 : i1
        %add3A_129 = arith.addi %rem3A, %select_n3A : i32
        %select_n3A_130 = arith.select %and3A, %add3A_129, %rem3A : i32
        %dma_wait3A_131 = arith.constant 0 : i32
        %dma_wait3A_132 = arith.constant 0 : i32
        %dma_wait3A_133 = tpu.memref_slice %arg9[%select_n3A_130, %dma_wait3A_131, %dma_wait3A_132] : memref<2x128x128xf32, #tpu.memory_space<vmem>> -> memref<1x128x128xf32, #tpu.memory_space<vmem>>
        %dma_wait3A_134 = tpu.memref_squeeze %dma_wait3A_133 : memref<1x128x128xf32, #tpu.memory_space<vmem>> -> memref<128x128xf32, #tpu.memory_space<vmem>>
        %dma_wait3A_135 = arith.constant 0 : i32
        %dma_wait3A_136 = tpu.memref_slice %arg7[%scan3A_121, %dma_wait3A_135] : memref<40x128xi32, #tpu.memory_space<vmem>> -> memref<1x128xi32, #tpu.memory_space<vmem>>
        %dma_wait3A_137 = tpu.memref_squeeze %dma_wait3A_136 : memref<1x128xi32, #tpu.memory_space<vmem>> -> memref<128xi32, #tpu.memory_space<vmem>>
        %dma_wait3A_138 = arith.constant 0 : i32
        %dma_wait3A_139 = arith.constant 0 : i32
        %dma_wait3A_140 = tpu.memref_slice %arg2[%dma_wait3A_138, %dma_wait3A_139] : memref<10000x128xf32, #tpu.memory_space<hbm>> -> memref<10000x128xf32, #tpu.memory_space<hbm>>
        tpu.wait_indirect_dma semaphore(%arg11 : memref<!tpu.dma_semaphore, #tpu.memory_space<semaphore_mem>>) src(%dma_wait3A_140 : memref<10000x128xf32, #tpu.memory_space<hbm>>) dst(%dma_wait3A_134 : memref<128x128xf32, #tpu.memory_space<vmem>>)
        %dma_start3A_141 = arith.constant 0 : i32
        %dma_start3A_142 = arith.constant 0 : i32
        %dma_start3A_143 = tpu.memref_slice %arg9[%select_n3A_130, %dma_start3A_141, %dma_start3A_142] : memref<2x128x128xf32, #tpu.memory_space<vmem>> -> memref<1x128x128xf32, #tpu.memory_space<vmem>>
        %dma_start3A_144 = tpu.memref_squeeze %dma_start3A_143 : memref<1x128x128xf32, #tpu.memory_space<vmem>> -> memref<128x128xf32, #tpu.memory_space<vmem>>
        %dma_start3A_145 = arith.constant 0 : i32
        %dma_start3A_146 = tpu.memref_slice %arg8[%scan3A_121, %dma_start3A_145] : memref<40x128xi32, #tpu.memory_space<vmem>> -> memref<1x128xi32, #tpu.memory_space<vmem>>
        %dma_start3A_147 = tpu.memref_squeeze %dma_start3A_146 : memref<1x128xi32, #tpu.memory_space<vmem>> -> memref<128xi32, #tpu.memory_space<vmem>>
        %dma_start3A_148 = arith.constant 0 : i32
        %dma_start3A_149 = arith.constant 0 : i32
        %dma_start3A_150 = tpu.memref_slice %arg10[%dma_start3A_148, %dma_start3A_149] : memref<10112x128xf32, #tpu.memory_space<vmem_shared>> -> memref<10112x128xf32, #tpu.memory_space<vmem_shared>>
        tpu.enqueue_indirect_dma source(%dma_start3A_144 : memref<128x128xf32, #tpu.memory_space<vmem>>) target(%dma_start3A_150 : memref<10112x128xf32, #tpu.memory_space<vmem_shared>>) offsets(%dma_start3A_147 : memref<128xi32, #tpu.memory_space<vmem>>) semaphore(%arg12 : memref<!tpu.dma_semaphore, #tpu.memory_space<semaphore_mem>>) {add = true}
        %sub3A = arith.constant 1 : i32
        %sub3A_151 = arith.subi %scan3A_121, %sub3A : i32
        %sub3A_152 = arith.constant 1 : i32
        %sub3A_153 = arith.subi %sub3A_152, %select_n3A_130 : i32
        %dma_wait3A_154 = arith.constant 0 : i32
        %dma_wait3A_155 = arith.constant 0 : i32
        %dma_wait3A_156 = tpu.memref_slice %arg9[%sub3A_153, %dma_wait3A_154, %dma_wait3A_155] : memref<2x128x128xf32, #tpu.memory_space<vmem>> -> memref<1x128x128xf32, #tpu.memory_space<vmem>>
        %dma_wait3A_157 = tpu.memref_squeeze %dma_wait3A_156 : memref<1x128x128xf32, #tpu.memory_space<vmem>> -> memref<128x128xf32, #tpu.memory_space<vmem>>
        %dma_wait3A_158 = arith.constant 0 : i32
        %dma_wait3A_159 = tpu.memref_slice %arg8[%sub3A_151, %dma_wait3A_158] : memref<40x128xi32, #tpu.memory_space<vmem>> -> memref<1x128xi32, #tpu.memory_space<vmem>>
        %dma_wait3A_160 = tpu.memref_squeeze %dma_wait3A_159 : memref<1x128xi32, #tpu.memory_space<vmem>> -> memref<128xi32, #tpu.memory_space<vmem>>
        %dma_wait3A_161 = arith.constant 0 : i32
        %dma_wait3A_162 = arith.constant 0 : i32
        %dma_wait3A_163 = tpu.memref_slice %arg10[%dma_wait3A_161, %dma_wait3A_162] : memref<10112x128xf32, #tpu.memory_space<vmem_shared>> -> memref<10112x128xf32, #tpu.memory_space<vmem_shared>>
        tpu.wait_indirect_dma semaphore(%arg12 : memref<!tpu.dma_semaphore, #tpu.memory_space<semaphore_mem>>) src(%dma_wait3A_157 : memref<128x128xf32, #tpu.memory_space<vmem>>) dst(%dma_wait3A_163 : memref<10112x128xf32, #tpu.memory_space<vmem_shared>>)
        %add3A_164 = arith.constant 1 : i32
        %add3A_165 = arith.addi %scan3A_121, %add3A_164 : i32
        %sub3A_166 = arith.constant 1 : i32
        %sub3A_167 = arith.subi %sub3A_166, %select_n3A_130 : i32
        %dma_start3A_168 = arith.constant 0 : i32
        %dma_start3A_169 = arith.constant 0 : i32
        %dma_start3A_170 = tpu.memref_slice %arg9[%sub3A_167, %dma_start3A_168, %dma_start3A_169] : memref<2x128x128xf32, #tpu.memory_space<vmem>> -> memref<1x128x128xf32, #tpu.memory_space<vmem>>
        %dma_start3A_171 = tpu.memref_squeeze %dma_start3A_170 : memref<1x128x128xf32, #tpu.memory_space<vmem>> -> memref<128x128xf32, #tpu.memory_space<vmem>>
        %dma_start3A_172 = arith.constant 0 : i32
        %dma_start3A_173 = tpu.memref_slice %arg7[%add3A_165, %dma_start3A_172] : memref<40x128xi32, #tpu.memory_space<vmem>> -> memref<1x128xi32, #tpu.memory_space<vmem>>
        %dma_start3A_174 = tpu.memref_squeeze %dma_start3A_173 : memref<1x128xi32, #tpu.memory_space<vmem>> -> memref<128xi32, #tpu.memory_space<vmem>>
        %dma_start3A_175 = arith.constant 0 : i32
        %dma_start3A_176 = arith.constant 0 : i32
        %dma_start3A_177 = tpu.memref_slice %arg2[%dma_start3A_175, %dma_start3A_176] : memref<10000x128xf32, #tpu.memory_space<hbm>> -> memref<10000x128xf32, #tpu.memory_space<hbm>>
        tpu.enqueue_indirect_dma source(%dma_start3A_177 : memref<10000x128xf32, #tpu.memory_space<hbm>>) target(%dma_start3A_171 : memref<128x128xf32, #tpu.memory_space<vmem>>) offsets(%dma_start3A_174 : memref<128xi32, #tpu.memory_space<vmem>>) semaphore(%arg11 : memref<!tpu.dma_semaphore, #tpu.memory_space<semaphore_mem>>)
      }
      %scan3A_72 = arith.constant 38 : i32
      %dma_wait3A_73 = arith.constant 39 : i32
      %dma_wait3A_74 = arith.constant 1 : i32
      %dma_wait3A_75 = arith.constant 0 : i32
      %dma_wait3A_76 = arith.constant 0 : i32
      %dma_wait3A_77 = tpu.memref_slice %arg9[%dma_wait3A_74, %dma_wait3A_75, %dma_wait3A_76] : memref<2x128x128xf32, #tpu.memory_space<vmem>> -> memref<1x128x128xf32, #tpu.memory_space<vmem>>
      %dma_wait3A_78 = tpu.memref_squeeze %dma_wait3A_77 : memref<1x128x128xf32, #tpu.memory_space<vmem>> -> memref<128x128xf32, #tpu.memory_space<vmem>>
      %dma_wait3A_79 = arith.constant 0 : i32
      %dma_wait3A_80 = tpu.memref_slice %arg7[%dma_wait3A_73, %dma_wait3A_79] : memref<40x128xi32, #tpu.memory_space<vmem>> -> memref<1x128xi32, #tpu.memory_space<vmem>>
      %dma_wait3A_81 = tpu.memref_squeeze %dma_wait3A_80 : memref<1x128xi32, #tpu.memory_space<vmem>> -> memref<128xi32, #tpu.memory_space<vmem>>
      %dma_wait3A_82 = arith.constant 0 : i32
      %dma_wait3A_83 = arith.constant 0 : i32
      %dma_wait3A_84 = tpu.memref_slice %arg2[%dma_wait3A_82, %dma_wait3A_83] : memref<10000x128xf32, #tpu.memory_space<hbm>> -> memref<10000x128xf32, #tpu.memory_space<hbm>>
      tpu.wait_indirect_dma semaphore(%arg11 : memref<!tpu.dma_semaphore, #tpu.memory_space<semaphore_mem>>) src(%dma_wait3A_84 : memref<10000x128xf32, #tpu.memory_space<hbm>>) dst(%dma_wait3A_78 : memref<128x128xf32, #tpu.memory_space<vmem>>)
      %dma_start3A_85 = arith.constant 1 : i32
      %dma_start3A_86 = arith.constant 39 : i32
      %dma_start3A_87 = arith.constant 0 : i32
      %dma_start3A_88 = arith.constant 0 : i32
      %dma_start3A_89 = tpu.memref_slice %arg9[%dma_start3A_85, %dma_start3A_87, %dma_start3A_88] : memref<2x128x128xf32, #tpu.memory_space<vmem>> -> memref<1x128x128xf32, #tpu.memory_space<vmem>>
      %dma_start3A_90 = tpu.memref_squeeze %dma_start3A_89 : memref<1x128x128xf32, #tpu.memory_space<vmem>> -> memref<128x128xf32, #tpu.memory_space<vmem>>
      %dma_start3A_91 = arith.constant 0 : i32
      %dma_start3A_92 = tpu.memref_slice %arg8[%dma_start3A_86, %dma_start3A_91] : memref<40x128xi32, #tpu.memory_space<vmem>> -> memref<1x128xi32, #tpu.memory_space<vmem>>
      %dma_start3A_93 = tpu.memref_squeeze %dma_start3A_92 : memref<1x128xi32, #tpu.memory_space<vmem>> -> memref<128xi32, #tpu.memory_space<vmem>>
      %dma_start3A_94 = arith.constant 0 : i32
      %dma_start3A_95 = arith.constant 0 : i32
      %dma_start3A_96 = tpu.memref_slice %arg10[%dma_start3A_94, %dma_start3A_95] : memref<10112x128xf32, #tpu.memory_space<vmem_shared>> -> memref<10112x128xf32, #tpu.memory_space<vmem_shared>>
      tpu.enqueue_indirect_dma source(%dma_start3A_90 : memref<128x128xf32, #tpu.memory_space<vmem>>) target(%dma_start3A_96 : memref<10112x128xf32, #tpu.memory_space<vmem_shared>>) offsets(%dma_start3A_93 : memref<128xi32, #tpu.memory_space<vmem>>) semaphore(%arg12 : memref<!tpu.dma_semaphore, #tpu.memory_space<semaphore_mem>>) {add = true}
      %dma_wait3A_97 = arith.constant 0 : i32
      %dma_wait3A_98 = arith.constant 38 : i32
      %dma_wait3A_99 = arith.constant 0 : i32
      %dma_wait3A_100 = arith.constant 0 : i32
      %dma_wait3A_101 = tpu.memref_slice %arg9[%dma_wait3A_97, %dma_wait3A_99, %dma_wait3A_100] : memref<2x128x128xf32, #tpu.memory_space<vmem>> -> memref<1x128x128xf32, #tpu.memory_space<vmem>>
      %dma_wait3A_102 = tpu.memref_squeeze %dma_wait3A_101 : memref<1x128x128xf32, #tpu.memory_space<vmem>> -> memref<128x128xf32, #tpu.memory_space<vmem>>
      %dma_wait3A_103 = arith.constant 0 : i32
      %dma_wait3A_104 = tpu.memref_slice %arg8[%dma_wait3A_98, %dma_wait3A_103] : memref<40x128xi32, #tpu.memory_space<vmem>> -> memref<1x128xi32, #tpu.memory_space<vmem>>
      %dma_wait3A_105 = tpu.memref_squeeze %dma_wait3A_104 : memref<1x128xi32, #tpu.memory_space<vmem>> -> memref<128xi32, #tpu.memory_space<vmem>>
      %dma_wait3A_106 = arith.constant 0 : i32
      %dma_wait3A_107 = arith.constant 0 : i32
      %dma_wait3A_108 = tpu.memref_slice %arg10[%dma_wait3A_106, %dma_wait3A_107] : memref<10112x128xf32, #tpu.memory_space<vmem_shared>> -> memref<10112x128xf32, #tpu.memory_space<vmem_shared>>
      tpu.wait_indirect_dma semaphore(%arg12 : memref<!tpu.dma_semaphore, #tpu.memory_space<semaphore_mem>>) src(%dma_wait3A_102 : memref<128x128xf32, #tpu.memory_space<vmem>>) dst(%dma_wait3A_108 : memref<10112x128xf32, #tpu.memory_space<vmem_shared>>)
      %dma_wait3A_109 = arith.constant 1 : i32
      %dma_wait3A_110 = arith.constant 39 : i32
      %dma_wait3A_111 = arith.constant 0 : i32
      %dma_wait3A_112 = arith.constant 0 : i32
      %dma_wait3A_113 = tpu.memref_slice %arg9[%dma_wait3A_109, %dma_wait3A_111, %dma_wait3A_112] : memref<2x128x128xf32, #tpu.memory_space<vmem>> -> memref<1x128x128xf32, #tpu.memory_space<vmem>>
      %dma_wait3A_114 = tpu.memref_squeeze %dma_wait3A_113 : memref<1x128x128xf32, #tpu.memory_space<vmem>> -> memref<128x128xf32, #tpu.memory_space<vmem>>
      %dma_wait3A_115 = arith.constant 0 : i32
      %dma_wait3A_116 = tpu.memref_slice %arg8[%dma_wait3A_110, %dma_wait3A_115] : memref<40x128xi32, #tpu.memory_space<vmem>> -> memref<1x128xi32, #tpu.memory_space<vmem>>
      %dma_wait3A_117 = tpu.memref_squeeze %dma_wait3A_116 : memref<1x128xi32, #tpu.memory_space<vmem>> -> memref<128xi32, #tpu.memory_space<vmem>>
      %dma_wait3A_118 = arith.constant 0 : i32
      %dma_wait3A_119 = arith.constant 0 : i32
      %dma_wait3A_120 = tpu.memref_slice %arg10[%dma_wait3A_118, %dma_wait3A_119] : memref<10112x128xf32, #tpu.memory_space<vmem_shared>> -> memref<10112x128xf32, #tpu.memory_space<vmem_shared>>
      tpu.wait_indirect_dma semaphore(%arg12 : memref<!tpu.dma_semaphore, #tpu.memory_space<semaphore_mem>>) src(%dma_wait3A_114 : memref<128x128xf32, #tpu.memory_space<vmem>>) dst(%dma_wait3A_120 : memref<10112x128xf32, #tpu.memory_space<vmem_shared>>)
    }
    %scan3A_9 = arith.constant 2 : i32
    %barrier3A_10 = arith.constant 0 : index
    tpu.barrier barrier_id(%barrier3A_10)
    %mul3A_11 = arith.constant 632 : i32
    %mul3A_12 = arith.muli %arg1, %mul3A_11 : i32
    %mul3A_13 = arith.constant 632 : i32
    %mul3A_14 = arith.muli %arg1, %mul3A_13 : i32
    "tpu.region"() ({
      %run_scoped3A = tpu.sem_alloc : memref<!tpu.dma_semaphore, #tpu.memory_space<semaphore_mem>>
      %dma_start3A = arith.constant 0 : i32
      %dma_start3A_15 = tpu.memref_slice %arg6[%arg0, %mul3A_14, %dma_start3A] : memref<2x10112x128xf32, #tpu.memory_space<hbm>> -> memref<1x632x128xf32, #tpu.memory_space<hbm>>
      %dma_start3A_16 = tpu.memref_squeeze %dma_start3A_15 : memref<1x632x128xf32, #tpu.memory_space<hbm>> -> memref<632x128xf32, #tpu.memory_space<hbm>>
      %dma_start3A_17 = arith.constant 0 : i32
      %dma_start3A_18 = tpu.memref_slice %arg10[%mul3A_12, %dma_start3A_17] : memref<10112x128xf32, #tpu.memory_space<vmem_shared>> -> memref<632x128xf32, #tpu.memory_space<vmem_shared>>
      tpu.enqueue_dma source(%dma_start3A_18 : memref<632x128xf32, #tpu.memory_space<vmem_shared>>) target(%dma_start3A_16 : memref<632x128xf32, #tpu.memory_space<hbm>>) target_semaphore(%run_scoped3A : memref<!tpu.dma_semaphore, #tpu.memory_space<semaphore_mem>>)
      %dma_wait3A = arith.constant 0 : i32
      %dma_wait3A_19 = tpu.memref_slice %arg6[%arg0, %mul3A_14, %dma_wait3A] : memref<2x10112x128xf32, #tpu.memory_space<hbm>> -> memref<1x632x128xf32, #tpu.memory_space<hbm>>
      %dma_wait3A_20 = tpu.memref_squeeze %dma_wait3A_19 : memref<1x632x128xf32, #tpu.memory_space<hbm>> -> memref<632x128xf32, #tpu.memory_space<hbm>>
      %dma_wait3A_21 = arith.constant 0 : i32
      %dma_wait3A_22 = tpu.memref_slice %arg10[%mul3A_12, %dma_wait3A_21] : memref<10112x128xf32, #tpu.memory_space<vmem_shared>> -> memref<632x128xf32, #tpu.memory_space<vmem_shared>>
      tpu.wait_dma2 semaphore(%run_scoped3A : memref<!tpu.dma_semaphore, #tpu.memory_space<semaphore_mem>>) src(%dma_wait3A_22 : memref<632x128xf32, #tpu.memory_space<vmem_shared>>) dst(%dma_wait3A_20 : memref<632x128xf32, #tpu.memory_space<hbm>>)
      tpu.yield
    }) : () -> ()
    return
  }
}

module attributes {stable_mosaic.version = 14 : i64} {
  func.func @body(%arg0: i32, %arg1: memref<2000x128xf32, #tpu.memory_space<vmem>>, %arg2: memref<1x2000x128xf32, #tpu.memory_space<vmem>>, %arg3: memref<1x2000x128xf32, #tpu.memory_space<vmem>>, %arg4: memref<2000x1xf32, #tpu.memory_space<vmem>>, %arg5: memref<2000x1xf32, #tpu.memory_space<vmem>>, %arg6: memref<128x128xf32, #tpu.memory_space<vmem>>, %arg7: memref<1x128xf32, #tpu.memory_space<vmem>>, %arg8: memref<128x128xf32, #tpu.memory_space<vmem>>, %arg9: memref<128x128xf32, #tpu.memory_space<vmem>>, %arg10: memref<1x128xf32, #tpu.memory_space<vmem>>, %arg11: memref<128x128xf32, #tpu.memory_space<vmem>>, %arg12: memref<1x128xf32, #tpu.memory_space<vmem>>, %arg13: memref<2000x128xf32, #tpu.memory_space<vmem>>, %arg14: memref<2000x1xf32, #tpu.memory_space<vmem>>) attributes {dimension_semantics = [#tpu.dimension_semantics<arbitrary>], iteration_bounds = array<i64: 5>, scalar_prefetch = 0 : i64, scratch_operands = 0 : i64, tpu.core_type = #tpu.core_type<tc>, window_params = [{transform_indices = @transform_0, window_bounds = array<i64: 2000, 128>}, {transform_indices = @transform_1, window_bounds = array<i64: 1, 2000, 128>}, {transform_indices = @transform_2, window_bounds = array<i64: 1, 2000, 128>}, {transform_indices = @transform_3, window_bounds = array<i64: 2000, 1>}, {transform_indices = @transform_4, window_bounds = array<i64: 2000, 1>}, {pipeline_mode = #tpu.pipeline_mode<synchronous>, transform_indices = @transform_5, window_bounds = array<i64: 128, 128>}, {pipeline_mode = #tpu.pipeline_mode<synchronous>, transform_indices = @transform_6, window_bounds = array<i64: 1, 128>}, {pipeline_mode = #tpu.pipeline_mode<synchronous>, transform_indices = @transform_7, window_bounds = array<i64: 128, 128>}, {pipeline_mode = #tpu.pipeline_mode<synchronous>, transform_indices = @transform_8, window_bounds = array<i64: 128, 128>}, {pipeline_mode = #tpu.pipeline_mode<synchronous>, transform_indices = @transform_9, window_bounds = array<i64: 1, 128>}, {pipeline_mode = #tpu.pipeline_mode<synchronous>, transform_indices = @transform_10, window_bounds = array<i64: 128, 128>}, {pipeline_mode = #tpu.pipeline_mode<synchronous>, transform_indices = @transform_11, window_bounds = array<i64: 1, 128>}, {transform_indices = @transform_12, window_bounds = array<i64: 2000, 128>}, {transform_indices = @transform_13, window_bounds = array<i64: 2000, 1>}]} {
    %get3A = arith.constant 0 : index
    %get3A_0 = arith.constant 0 : index
    %get3A_1 = vector.load %arg4[%get3A, %get3A_0] : memref<2000x1xf32, #tpu.memory_space<vmem>>, vector<2000x1xf32>
    %get3A_2 = arith.constant 0 : index
    %get3A_3 = arith.constant 0 : index
    %get3A_4 = vector.load %arg5[%get3A_2, %get3A_3] : memref<2000x1xf32, #tpu.memory_space<vmem>>, vector<2000x1xf32>
    %add3A = arith.addf %get3A_1, %get3A_4 : vector<2000x1xf32>
    %max3A = arith.constant 1.000000e+00 : f32
    %max3A_5 = vector.broadcast %max3A : f32 to vector<2000x1xf32>
    %max3A_6 = arith.maximumf %add3A, %max3A_5 : vector<2000x1xf32>
    %div3A = arith.constant 1.000000e+00 : f32
    %div3A_7 = vector.broadcast %div3A : f32 to vector<2000x1xf32>
    %div3A_8 = arith.divf %div3A_7, %max3A_6 : vector<2000x1xf32>
    %get3A_9 = arith.constant 0 : index
    %get3A_10 = arith.constant 0 : index
    %get3A_11 = arith.constant 0 : index
    %get3A_12 = vector.load %arg2[%get3A_9, %get3A_10, %get3A_11] : memref<1x2000x128xf32, #tpu.memory_space<vmem>>, vector<1x2000x128xf32>
    %get3A_13 = vector.shape_cast %get3A_12 : vector<1x2000x128xf32> to vector<2000x128xf32>
    %get3A_14 = arith.constant 0 : index
    %get3A_15 = arith.constant 0 : index
    %get3A_16 = arith.constant 0 : index
    %get3A_17 = vector.load %arg3[%get3A_14, %get3A_15, %get3A_16] : memref<1x2000x128xf32, #tpu.memory_space<vmem>>, vector<1x2000x128xf32>
    %get3A_18 = vector.shape_cast %get3A_17 : vector<1x2000x128xf32> to vector<2000x128xf32>
    %add3A_19 = arith.addf %get3A_13, %get3A_18 : vector<2000x128xf32>
    %mul3A = vector.broadcast %div3A_8 : vector<2000x1xf32> to vector<2000x128xf32>
    %mul3A_20 = arith.mulf %add3A_19, %mul3A : vector<2000x128xf32>
    %get3A_21 = arith.constant 0 : index
    %get3A_22 = arith.constant 0 : index
    %get3A_23 = vector.load %arg1[%get3A_21, %get3A_22] : memref<2000x128xf32, #tpu.memory_space<vmem>>, vector<2000x128xf32>
    %get3A_24 = arith.constant 0 : index
    %get3A_25 = arith.constant 0 : index
    %get3A_26 = vector.load %arg6[%get3A_24, %get3A_25] : memref<128x128xf32, #tpu.memory_space<vmem>>, vector<128x128xf32>
    %dot_general3A = arith.constant dense<0.000000e+00> : vector<2000x128xf32>
    %dot_general3A_27 = tpu.matmul %mul3A_20, %get3A_26, %dot_general3A {dimension_numbers = #tpu.dot_dimension_numbers<[1], [1], [0], [0], [0, 0, 1, 0], [], []>, transpose_lhs_hint = false} : vector<2000x128xf32>, vector<128x128xf32>, vector<2000x128xf32> -> vector<2000x128xf32>
    %get3A_28 = arith.constant 0 : index
    %get3A_29 = arith.constant 0 : index
    %get3A_30 = vector.load %arg7[%get3A_28, %get3A_29] : memref<1x128xf32, #tpu.memory_space<vmem>>, vector<1x128xf32>
    %add3A_31 = vector.broadcast %get3A_30 : vector<1x128xf32> to vector<2000x128xf32>
    %add3A_32 = arith.addf %dot_general3A_27, %add3A_31 : vector<2000x128xf32>
    %get3A_33 = arith.constant 0 : index
    %get3A_34 = arith.constant 0 : index
    %get3A_35 = vector.load %arg8[%get3A_33, %get3A_34] : memref<128x128xf32, #tpu.memory_space<vmem>>, vector<128x128xf32>
    %dot_general3A_36 = arith.constant dense<0.000000e+00> : vector<2000x128xf32>
    %dot_general3A_37 = tpu.matmul %get3A_23, %get3A_35, %dot_general3A_36 {dimension_numbers = #tpu.dot_dimension_numbers<[1], [1], [0], [0], [0, 0, 1, 0], [], []>, transpose_lhs_hint = false} : vector<2000x128xf32>, vector<128x128xf32>, vector<2000x128xf32> -> vector<2000x128xf32>
    %add3A_38 = arith.addf %add3A_32, %dot_general3A_37 : vector<2000x128xf32>
    %get3A_39 = arith.constant 0 : index
    %get3A_40 = arith.constant 0 : index
    %get3A_41 = vector.load %arg9[%get3A_39, %get3A_40] : memref<128x128xf32, #tpu.memory_space<vmem>>, vector<128x128xf32>
    %dot_general3A_42 = arith.constant dense<0.000000e+00> : vector<2000x128xf32>
    %dot_general3A_43 = tpu.matmul %get3A_23, %get3A_41, %dot_general3A_42 {dimension_numbers = #tpu.dot_dimension_numbers<[1], [1], [0], [0], [0, 0, 1, 0], [], []>, transpose_lhs_hint = false} : vector<2000x128xf32>, vector<128x128xf32>, vector<2000x128xf32> -> vector<2000x128xf32>
    %get3A_44 = arith.constant 0 : index
    %get3A_45 = arith.constant 0 : index
    %get3A_46 = vector.load %arg10[%get3A_44, %get3A_45] : memref<1x128xf32, #tpu.memory_space<vmem>>, vector<1x128xf32>
    %add3A_47 = vector.broadcast %get3A_46 : vector<1x128xf32> to vector<2000x128xf32>
    %add3A_48 = arith.addf %dot_general3A_43, %add3A_47 : vector<2000x128xf32>
    %get3A_49 = arith.constant 0 : index
    %get3A_50 = arith.constant 0 : index
    %get3A_51 = vector.load %arg11[%get3A_49, %get3A_50] : memref<128x128xf32, #tpu.memory_space<vmem>>, vector<128x128xf32>
    %dot_general3A_52 = arith.constant dense<0.000000e+00> : vector<2000x128xf32>
    %dot_general3A_53 = tpu.matmul %add3A_38, %get3A_51, %dot_general3A_52 {dimension_numbers = #tpu.dot_dimension_numbers<[1], [1], [0], [0], [0, 0, 1, 0], [], []>, transpose_lhs_hint = false} : vector<2000x128xf32>, vector<128x128xf32>, vector<2000x128xf32> -> vector<2000x128xf32>
    %add3A_54 = arith.addf %add3A_48, %dot_general3A_53 : vector<2000x128xf32>
    %get3A_55 = arith.constant 0 : index
    %get3A_56 = arith.constant 0 : index
    %get3A_57 = vector.load %arg12[%get3A_55, %get3A_56] : memref<1x128xf32, #tpu.memory_space<vmem>>, vector<1x128xf32>
    %add3A_58 = vector.broadcast %get3A_57 : vector<1x128xf32> to vector<2000x128xf32>
    %add3A_59 = arith.addf %add3A_54, %add3A_58 : vector<2000x128xf32>
    %tanh3A = math.tanh %add3A_59 : vector<2000x128xf32>
    %add3A_60 = arith.addf %get3A_23, %tanh3A : vector<2000x128xf32>
    %swap3A = arith.constant 0 : index
    %swap3A_61 = arith.constant 0 : index
    %swap3A_62 = vector.load %arg13[%swap3A, %swap3A_61] : memref<2000x128xf32, #tpu.memory_space<vmem>>, vector<2000x128xf32>
    tpu.vector_store %arg13[%swap3A, %swap3A_61], %add3A_60 {strides = array<i32>} : memref<2000x128xf32, #tpu.memory_space<vmem>>, vector<2000x128xf32>,
    %swap3A_63 = arith.constant 0 : index
    %swap3A_64 = arith.constant 0 : index
    %swap3A_65 = vector.load %arg14[%swap3A_63, %swap3A_64] : memref<2000x1xf32, #tpu.memory_space<vmem>>, vector<2000x1xf32>
    tpu.vector_store %arg14[%swap3A_63, %swap3A_64], %div3A_8 {strides = array<i32>} : memref<2000x1xf32, #tpu.memory_space<vmem>>, vector<2000x1xf32>,
    return
  }
  func.func @transform_0(%arg0: i32) -> (i32, i32) {
    %c0_i32 = arith.constant 0 : i32
    %c0_i32_0 = arith.constant 0 : i32
    return %arg0, %c0_i32 : i32, i32
  }
  func.func @transform_1(%arg0: i32) -> (i32, i32, i32) {
    %c0_i32 = arith.constant 0 : i32
    %c0_i32_0 = arith.constant 0 : i32
    %c0_i32_1 = arith.constant 0 : i32
    return %c0_i32, %arg0, %c0_i32_0 : i32, i32, i32
  }
  func.func @transform_2(%arg0: i32) -> (i32, i32, i32) {
    %c1_i32 = arith.constant 1 : i32
    %c0_i32 = arith.constant 0 : i32
    %c0_i32_0 = arith.constant 0 : i32
    return %c1_i32, %arg0, %c0_i32 : i32, i32, i32
  }
  func.func @transform_3(%arg0: i32) -> (i32, i32) {
    %c0_i32 = arith.constant 0 : i32
    %c0_i32_0 = arith.constant 0 : i32
    return %arg0, %c0_i32 : i32, i32
  }
  func.func @transform_4(%arg0: i32) -> (i32, i32) {
    %c0_i32 = arith.constant 0 : i32
    %c0_i32_0 = arith.constant 0 : i32
    return %arg0, %c0_i32 : i32, i32
  }
  func.func @transform_5(%arg0: i32) -> (i32, i32) {
    %c0_i32 = arith.constant 0 : i32
    %c0_i32_0 = arith.constant 0 : i32
    %c0_i32_1 = arith.constant 0 : i32
    return %c0_i32, %c0_i32_0 : i32, i32
  }
  func.func @transform_6(%arg0: i32) -> (i32, i32) {
    %c0_i32 = arith.constant 0 : i32
    %c0_i32_0 = arith.constant 0 : i32
    %c0_i32_1 = arith.constant 0 : i32
    return %c0_i32, %c0_i32_0 : i32, i32
  }
  func.func @transform_7(%arg0: i32) -> (i32, i32) {
    %c0_i32 = arith.constant 0 : i32
    %c0_i32_0 = arith.constant 0 : i32
    %c0_i32_1 = arith.constant 0 : i32
    return %c0_i32, %c0_i32_0 : i32, i32
  }
  func.func @transform_8(%arg0: i32) -> (i32, i32) {
    %c0_i32 = arith.constant 0 : i32
    %c0_i32_0 = arith.constant 0 : i32
    %c0_i32_1 = arith.constant 0 : i32
    return %c0_i32, %c0_i32_0 : i32, i32
  }
  func.func @transform_9(%arg0: i32) -> (i32, i32) {
    %c0_i32 = arith.constant 0 : i32
    %c0_i32_0 = arith.constant 0 : i32
    %c0_i32_1 = arith.constant 0 : i32
    return %c0_i32, %c0_i32_0 : i32, i32
  }
  func.func @transform_10(%arg0: i32) -> (i32, i32) {
    %c0_i32 = arith.constant 0 : i32
    %c0_i32_0 = arith.constant 0 : i32
    %c0_i32_1 = arith.constant 0 : i32
    return %c0_i32, %c0_i32_0 : i32, i32
  }
  func.func @transform_11(%arg0: i32) -> (i32, i32) {
    %c0_i32 = arith.constant 0 : i32
    %c0_i32_0 = arith.constant 0 : i32
    %c0_i32_1 = arith.constant 0 : i32
    return %c0_i32, %c0_i32_0 : i32, i32
  }
  func.func @transform_12(%arg0: i32) -> (i32, i32) {
    %c0_i32 = arith.constant 0 : i32
    %c0_i32_0 = arith.constant 0 : i32
    return %arg0, %c0_i32 : i32, i32
  }
  func.func @transform_13(%arg0: i32) -> (i32, i32) {
    %c0_i32 = arith.constant 0 : i32
    %c0_i32_0 = arith.constant 0 : i32
    return %arg0, %c0_i32 : i32, i32
  }
}

module attributes {stable_mosaic.version = 14 : i64} {
  func.func @body(%arg0: i32, %arg1: memref<2000x128xf32, #tpu.memory_space<vmem>>, %arg2: memref<2000x128xf32, #tpu.memory_space<vmem>>, %arg3: memref<1x2000x128xf32, #tpu.memory_space<vmem>>, %arg4: memref<1x2000x128xf32, #tpu.memory_space<vmem>>, %arg5: memref<1x2000x128xf32, #tpu.memory_space<vmem>>, %arg6: memref<1x2000x128xf32, #tpu.memory_space<vmem>>, %arg7: memref<2000x1xf32, #tpu.memory_space<vmem>>, %arg8: memref<128x128xf32, #tpu.memory_space<vmem>>, %arg9: memref<1x128xf32, #tpu.memory_space<vmem>>, %arg10: memref<128x128xf32, #tpu.memory_space<vmem>>, %arg11: memref<128x128xf32, #tpu.memory_space<vmem>>, %arg12: memref<1x128xf32, #tpu.memory_space<vmem>>, %arg13: memref<128x128xf32, #tpu.memory_space<vmem>>, %arg14: memref<128x128xf32, #tpu.memory_space<vmem>>, %arg15: memref<1x128xf32, #tpu.memory_space<vmem>>, %arg16: memref<128x128xf32, #tpu.memory_space<vmem>>, %arg17: memref<128x128xf32, #tpu.memory_space<vmem>>, %arg18: memref<1x128xf32, #tpu.memory_space<vmem>>, %arg19: memref<128x128xf32, #tpu.memory_space<vmem>>, %arg20: memref<2000x128xf32, #tpu.memory_space<vmem>>, %arg21: memref<2000x128xf32, #tpu.memory_space<vmem>>, %arg22: memref<2000x128xf32, #tpu.memory_space<vmem>>) attributes {dimension_semantics = [#tpu.dimension_semantics<arbitrary>], iteration_bounds = array<i64: 5>, scalar_prefetch = 0 : i64, scratch_operands = 0 : i64, tpu.core_type = #tpu.core_type<tc>, window_params = [{transform_indices = @transform_0, window_bounds = array<i64: 2000, 128>}, {transform_indices = @transform_1, window_bounds = array<i64: 2000, 128>}, {transform_indices = @transform_2, window_bounds = array<i64: 1, 2000, 128>}, {transform_indices = @transform_3, window_bounds = array<i64: 1, 2000, 128>}, {transform_indices = @transform_4, window_bounds = array<i64: 1, 2000, 128>}, {transform_indices = @transform_5, window_bounds = array<i64: 1, 2000, 128>}, {transform_indices = @transform_6, window_bounds = array<i64: 2000, 1>}, {pipeline_mode = #tpu.pipeline_mode<synchronous>, transform_indices = @transform_7, window_bounds = array<i64: 128, 128>}, {pipeline_mode = #tpu.pipeline_mode<synchronous>, transform_indices = @transform_8, window_bounds = array<i64: 1, 128>}, {pipeline_mode = #tpu.pipeline_mode<synchronous>, transform_indices = @transform_9, window_bounds = array<i64: 128, 128>}, {pipeline_mode = #tpu.pipeline_mode<synchronous>, transform_indices = @transform_10, window_bounds = array<i64: 128, 128>}, {pipeline_mode = #tpu.pipeline_mode<synchronous>, transform_indices = @transform_11, window_bounds = array<i64: 1, 128>}, {pipeline_mode = #tpu.pipeline_mode<synchronous>, transform_indices = @transform_12, window_bounds = array<i64: 128, 128>}, {pipeline_mode = #tpu.pipeline_mode<synchronous>, transform_indices = @transform_13, window_bounds = array<i64: 128, 128>}, {pipeline_mode = #tpu.pipeline_mode<synchronous>, transform_indices = @transform_14, window_bounds = array<i64: 1, 128>}, {pipeline_mode = #tpu.pipeline_mode<synchronous>, transform_indices = @transform_15, window_bounds = array<i64: 128, 128>}, {pipeline_mode = #tpu.pipeline_mode<synchronous>, transform_indices = @transform_16, window_bounds = array<i64: 128, 128>}, {pipeline_mode = #tpu.pipeline_mode<synchronous>, transform_indices = @transform_17, window_bounds = array<i64: 1, 128>}, {pipeline_mode = #tpu.pipeline_mode<synchronous>, transform_indices = @transform_18, window_bounds = array<i64: 128, 128>}, {transform_indices = @transform_19, window_bounds = array<i64: 2000, 128>}, {transform_indices = @transform_20, window_bounds = array<i64: 2000, 128>}, {transform_indices = @transform_21, window_bounds = array<i64: 2000, 128>}]} {
    %get3A = arith.constant 0 : index
    %get3A_0 = arith.constant 0 : index
    %get3A_1 = vector.load %arg7[%get3A, %get3A_0] : memref<2000x1xf32, #tpu.memory_space<vmem>>, vector<2000x1xf32>
    %get3A_2 = arith.constant 0 : index
    %get3A_3 = arith.constant 0 : index
    %get3A_4 = arith.constant 0 : index
    %get3A_5 = vector.load %arg3[%get3A_2, %get3A_3, %get3A_4] : memref<1x2000x128xf32, #tpu.memory_space<vmem>>, vector<1x2000x128xf32>
    %get3A_6 = vector.shape_cast %get3A_5 : vector<1x2000x128xf32> to vector<2000x128xf32>
    %get3A_7 = arith.constant 0 : index
    %get3A_8 = arith.constant 0 : index
    %get3A_9 = arith.constant 0 : index
    %get3A_10 = vector.load %arg4[%get3A_7, %get3A_8, %get3A_9] : memref<1x2000x128xf32, #tpu.memory_space<vmem>>, vector<1x2000x128xf32>
    %get3A_11 = vector.shape_cast %get3A_10 : vector<1x2000x128xf32> to vector<2000x128xf32>
    %add3A = arith.addf %get3A_6, %get3A_11 : vector<2000x128xf32>
    %mul3A = vector.broadcast %get3A_1 : vector<2000x1xf32> to vector<2000x128xf32>
    %mul3A_12 = arith.mulf %add3A, %mul3A : vector<2000x128xf32>
    %get3A_13 = arith.constant 0 : index
    %get3A_14 = arith.constant 0 : index
    %get3A_15 = arith.constant 0 : index
    %get3A_16 = vector.load %arg5[%get3A_13, %get3A_14, %get3A_15] : memref<1x2000x128xf32, #tpu.memory_space<vmem>>, vector<1x2000x128xf32>
    %get3A_17 = vector.shape_cast %get3A_16 : vector<1x2000x128xf32> to vector<2000x128xf32>
    %get3A_18 = arith.constant 0 : index
    %get3A_19 = arith.constant 0 : index
    %get3A_20 = arith.constant 0 : index
    %get3A_21 = vector.load %arg6[%get3A_18, %get3A_19, %get3A_20] : memref<1x2000x128xf32, #tpu.memory_space<vmem>>, vector<1x2000x128xf32>
    %get3A_22 = vector.shape_cast %get3A_21 : vector<1x2000x128xf32> to vector<2000x128xf32>
    %add3A_23 = arith.addf %get3A_17, %get3A_22 : vector<2000x128xf32>
    %mul3A_24 = vector.broadcast %get3A_1 : vector<2000x1xf32> to vector<2000x128xf32>
    %mul3A_25 = arith.mulf %add3A_23, %mul3A_24 : vector<2000x128xf32>
    %get3A_26 = arith.constant 0 : index
    %get3A_27 = arith.constant 0 : index
    %get3A_28 = vector.load %arg1[%get3A_26, %get3A_27] : memref<2000x128xf32, #tpu.memory_space<vmem>>, vector<2000x128xf32>
    %get3A_29 = arith.constant 0 : index
    %get3A_30 = arith.constant 0 : index
    %get3A_31 = vector.load %arg2[%get3A_29, %get3A_30] : memref<2000x128xf32, #tpu.memory_space<vmem>>, vector<2000x128xf32>
    %get3A_32 = arith.constant 0 : index
    %get3A_33 = arith.constant 0 : index
    %get3A_34 = vector.load %arg8[%get3A_32, %get3A_33] : memref<128x128xf32, #tpu.memory_space<vmem>>, vector<128x128xf32>
    %dot_general3A = arith.constant dense<0.000000e+00> : vector<2000x128xf32>
    %dot_general3A_35 = tpu.matmul %mul3A_12, %get3A_34, %dot_general3A {dimension_numbers = #tpu.dot_dimension_numbers<[1], [1], [0], [0], [0, 0, 1, 0], [], []>, transpose_lhs_hint = false} : vector<2000x128xf32>, vector<128x128xf32>, vector<2000x128xf32> -> vector<2000x128xf32>
    %get3A_36 = arith.constant 0 : index
    %get3A_37 = arith.constant 0 : index
    %get3A_38 = vector.load %arg9[%get3A_36, %get3A_37] : memref<1x128xf32, #tpu.memory_space<vmem>>, vector<1x128xf32>
    %add3A_39 = vector.broadcast %get3A_38 : vector<1x128xf32> to vector<2000x128xf32>
    %add3A_40 = arith.addf %dot_general3A_35, %add3A_39 : vector<2000x128xf32>
    %get3A_41 = arith.constant 0 : index
    %get3A_42 = arith.constant 0 : index
    %get3A_43 = vector.load %arg10[%get3A_41, %get3A_42] : memref<128x128xf32, #tpu.memory_space<vmem>>, vector<128x128xf32>
    %dot_general3A_44 = arith.constant dense<0.000000e+00> : vector<2000x128xf32>
    %dot_general3A_45 = tpu.matmul %get3A_28, %get3A_43, %dot_general3A_44 {dimension_numbers = #tpu.dot_dimension_numbers<[1], [1], [0], [0], [0, 0, 1, 0], [], []>, transpose_lhs_hint = false} : vector<2000x128xf32>, vector<128x128xf32>, vector<2000x128xf32> -> vector<2000x128xf32>
    %add3A_46 = arith.addf %add3A_40, %dot_general3A_45 : vector<2000x128xf32>
    %get3A_47 = arith.constant 0 : index
    %get3A_48 = arith.constant 0 : index
    %get3A_49 = vector.load %arg11[%get3A_47, %get3A_48] : memref<128x128xf32, #tpu.memory_space<vmem>>, vector<128x128xf32>
    %dot_general3A_50 = arith.constant dense<0.000000e+00> : vector<2000x128xf32>
    %dot_general3A_51 = tpu.matmul %mul3A_25, %get3A_49, %dot_general3A_50 {dimension_numbers = #tpu.dot_dimension_numbers<[1], [1], [0], [0], [0, 0, 1, 0], [], []>, transpose_lhs_hint = false} : vector<2000x128xf32>, vector<128x128xf32>, vector<2000x128xf32> -> vector<2000x128xf32>
    %add3A_52 = arith.addf %add3A_46, %dot_general3A_51 : vector<2000x128xf32>
    %get3A_53 = arith.constant 0 : index
    %get3A_54 = arith.constant 0 : index
    %get3A_55 = vector.load %arg12[%get3A_53, %get3A_54] : memref<1x128xf32, #tpu.memory_space<vmem>>, vector<1x128xf32>
    %add3A_56 = vector.broadcast %get3A_55 : vector<1x128xf32> to vector<2000x128xf32>
    %add3A_57 = arith.addf %add3A_52, %add3A_56 : vector<2000x128xf32>
    %get3A_58 = arith.constant 0 : index
    %get3A_59 = arith.constant 0 : index
    %get3A_60 = vector.load %arg13[%get3A_58, %get3A_59] : memref<128x128xf32, #tpu.memory_space<vmem>>, vector<128x128xf32>
    %dot_general3A_61 = arith.constant dense<0.000000e+00> : vector<2000x128xf32>
    %dot_general3A_62 = tpu.matmul %get3A_31, %get3A_60, %dot_general3A_61 {dimension_numbers = #tpu.dot_dimension_numbers<[1], [1], [0], [0], [0, 0, 1, 0], [], []>, transpose_lhs_hint = false} : vector<2000x128xf32>, vector<128x128xf32>, vector<2000x128xf32> -> vector<2000x128xf32>
    %add3A_63 = arith.addf %add3A_57, %dot_general3A_62 : vector<2000x128xf32>
    %logistic3A = arith.negf %add3A_63 : vector<2000x128xf32>
    %logistic3A_64 = math.exp %logistic3A : vector<2000x128xf32>
    %logistic3A_65 = arith.constant 1.000000e+00 : f32
    %logistic3A_66 = vector.broadcast %logistic3A_65 : f32 to vector<2000x128xf32>
    %logistic3A_67 = arith.addf %logistic3A_66, %logistic3A_64 : vector<2000x128xf32>
    %logistic3A_68 = arith.divf %logistic3A_66, %logistic3A_67 : vector<2000x128xf32>
    %get3A_69 = arith.constant 0 : index
    %get3A_70 = arith.constant 0 : index
    %get3A_71 = vector.load %arg14[%get3A_69, %get3A_70] : memref<128x128xf32, #tpu.memory_space<vmem>>, vector<128x128xf32>
    %dot_general3A_72 = arith.constant dense<0.000000e+00> : vector<2000x128xf32>
    %dot_general3A_73 = tpu.matmul %mul3A_12, %get3A_71, %dot_general3A_72 {dimension_numbers = #tpu.dot_dimension_numbers<[1], [1], [0], [0], [0, 0, 1, 0], [], []>, transpose_lhs_hint = false} : vector<2000x128xf32>, vector<128x128xf32>, vector<2000x128xf32> -> vector<2000x128xf32>
    %get3A_74 = arith.constant 0 : index
    %get3A_75 = arith.constant 0 : index
    %get3A_76 = vector.load %arg15[%get3A_74, %get3A_75] : memref<1x128xf32, #tpu.memory_space<vmem>>, vector<1x128xf32>
    %add3A_77 = vector.broadcast %get3A_76 : vector<1x128xf32> to vector<2000x128xf32>
    %add3A_78 = arith.addf %dot_general3A_73, %add3A_77 : vector<2000x128xf32>
    %get3A_79 = arith.constant 0 : index
    %get3A_80 = arith.constant 0 : index
    %get3A_81 = vector.load %arg16[%get3A_79, %get3A_80] : memref<128x128xf32, #tpu.memory_space<vmem>>, vector<128x128xf32>
    %dot_general3A_82 = arith.constant dense<0.000000e+00> : vector<2000x128xf32>
    %dot_general3A_83 = tpu.matmul %get3A_28, %get3A_81, %dot_general3A_82 {dimension_numbers = #tpu.dot_dimension_numbers<[1], [1], [0], [0], [0, 0, 1, 0], [], []>, transpose_lhs_hint = false} : vector<2000x128xf32>, vector<128x128xf32>, vector<2000x128xf32> -> vector<2000x128xf32>
    %add3A_84 = arith.addf %add3A_78, %dot_general3A_83 : vector<2000x128xf32>
    %get3A_85 = arith.constant 0 : index
    %get3A_86 = arith.constant 0 : index
    %get3A_87 = vector.load %arg17[%get3A_85, %get3A_86] : memref<128x128xf32, #tpu.memory_space<vmem>>, vector<128x128xf32>
    %dot_general3A_88 = arith.constant dense<0.000000e+00> : vector<2000x128xf32>
    %dot_general3A_89 = tpu.matmul %mul3A_25, %get3A_87, %dot_general3A_88 {dimension_numbers = #tpu.dot_dimension_numbers<[1], [1], [0], [0], [0, 0, 1, 0], [], []>, transpose_lhs_hint = false} : vector<2000x128xf32>, vector<128x128xf32>, vector<2000x128xf32> -> vector<2000x128xf32>
    %add3A_90 = arith.addf %add3A_84, %dot_general3A_89 : vector<2000x128xf32>
    %get3A_91 = arith.constant 0 : index
    %get3A_92 = arith.constant 0 : index
    %get3A_93 = vector.load %arg18[%get3A_91, %get3A_92] : memref<1x128xf32, #tpu.memory_space<vmem>>, vector<1x128xf32>
    %add3A_94 = vector.broadcast %get3A_93 : vector<1x128xf32> to vector<2000x128xf32>
    %add3A_95 = arith.addf %add3A_90, %add3A_94 : vector<2000x128xf32>
    %get3A_96 = arith.constant 0 : index
    %get3A_97 = arith.constant 0 : index
    %get3A_98 = vector.load %arg19[%get3A_96, %get3A_97] : memref<128x128xf32, #tpu.memory_space<vmem>>, vector<128x128xf32>
    %dot_general3A_99 = arith.constant dense<0.000000e+00> : vector<2000x128xf32>
    %dot_general3A_100 = tpu.matmul %get3A_31, %get3A_98, %dot_general3A_99 {dimension_numbers = #tpu.dot_dimension_numbers<[1], [1], [0], [0], [0, 0, 1, 0], [], []>, transpose_lhs_hint = false} : vector<2000x128xf32>, vector<128x128xf32>, vector<2000x128xf32> -> vector<2000x128xf32>
    %add3A_101 = arith.addf %add3A_95, %dot_general3A_100 : vector<2000x128xf32>
    %logistic3A_102 = arith.negf %add3A_101 : vector<2000x128xf32>
    %logistic3A_103 = math.exp %logistic3A_102 : vector<2000x128xf32>
    %logistic3A_104 = arith.constant 1.000000e+00 : f32
    %logistic3A_105 = vector.broadcast %logistic3A_104 : f32 to vector<2000x128xf32>
    %logistic3A_106 = arith.addf %logistic3A_105, %logistic3A_103 : vector<2000x128xf32>
    %logistic3A_107 = arith.divf %logistic3A_105, %logistic3A_106 : vector<2000x128xf32>
    %mul3A_108 = arith.mulf %logistic3A_68, %get3A_31 : vector<2000x128xf32>
    %swap3A = arith.constant 0 : index
    %swap3A_109 = arith.constant 0 : index
    %swap3A_110 = vector.load %arg20[%swap3A, %swap3A_109] : memref<2000x128xf32, #tpu.memory_space<vmem>>, vector<2000x128xf32>
    tpu.vector_store %arg20[%swap3A, %swap3A_109], %mul3A_108 {strides = array<i32>} : memref<2000x128xf32, #tpu.memory_space<vmem>>, vector<2000x128xf32>,
    %swap3A_111 = arith.constant 0 : index
    %swap3A_112 = arith.constant 0 : index
    %swap3A_113 = vector.load %arg21[%swap3A_111, %swap3A_112] : memref<2000x128xf32, #tpu.memory_space<vmem>>, vector<2000x128xf32>
    tpu.vector_store %arg21[%swap3A_111, %swap3A_112], %logistic3A_107 {strides = array<i32>} : memref<2000x128xf32, #tpu.memory_space<vmem>>, vector<2000x128xf32>,
    %swap3A_114 = arith.constant 0 : index
    %swap3A_115 = arith.constant 0 : index
    %swap3A_116 = vector.load %arg22[%swap3A_114, %swap3A_115] : memref<2000x128xf32, #tpu.memory_space<vmem>>, vector<2000x128xf32>
    tpu.vector_store %arg22[%swap3A_114, %swap3A_115], %mul3A_12 {strides = array<i32>} : memref<2000x128xf32, #tpu.memory_space<vmem>>, vector<2000x128xf32>,
    return
  }
  func.func @transform_0(%arg0: i32) -> (i32, i32) {
    %c0_i32 = arith.constant 0 : i32
    %c0_i32_0 = arith.constant 0 : i32
    return %arg0, %c0_i32 : i32, i32
  }
  func.func @transform_1(%arg0: i32) -> (i32, i32) {
    %c0_i32 = arith.constant 0 : i32
    %c0_i32_0 = arith.constant 0 : i32
    return %arg0, %c0_i32 : i32, i32
  }
  func.func @transform_2(%arg0: i32) -> (i32, i32, i32) {
    %c0_i32 = arith.constant 0 : i32
    %c0_i32_0 = arith.constant 0 : i32
    %c0_i32_1 = arith.constant 0 : i32
    return %c0_i32, %arg0, %c0_i32_0 : i32, i32, i32
  }
  func.func @transform_3(%arg0: i32) -> (i32, i32, i32) {
    %c1_i32 = arith.constant 1 : i32
    %c0_i32 = arith.constant 0 : i32
    %c0_i32_0 = arith.constant 0 : i32
    return %c1_i32, %arg0, %c0_i32 : i32, i32, i32
  }
  func.func @transform_4(%arg0: i32) -> (i32, i32, i32) {
    %c0_i32 = arith.constant 0 : i32
    %c0_i32_0 = arith.constant 0 : i32
    %c0_i32_1 = arith.constant 0 : i32
    return %c0_i32, %arg0, %c0_i32_0 : i32, i32, i32
  }
  func.func @transform_5(%arg0: i32) -> (i32, i32, i32) {
    %c1_i32 = arith.constant 1 : i32
    %c0_i32 = arith.constant 0 : i32
    %c0_i32_0 = arith.constant 0 : i32
    return %c1_i32, %arg0, %c0_i32 : i32, i32, i32
  }
  func.func @transform_6(%arg0: i32) -> (i32, i32) {
    %c0_i32 = arith.constant 0 : i32
    %c0_i32_0 = arith.constant 0 : i32
    return %arg0, %c0_i32 : i32, i32
  }
  func.func @transform_7(%arg0: i32) -> (i32, i32) {
    %c0_i32 = arith.constant 0 : i32
    %c0_i32_0 = arith.constant 0 : i32
    %c0_i32_1 = arith.constant 0 : i32
    return %c0_i32, %c0_i32_0 : i32, i32
  }
  func.func @transform_8(%arg0: i32) -> (i32, i32) {
    %c0_i32 = arith.constant 0 : i32
    %c0_i32_0 = arith.constant 0 : i32
    %c0_i32_1 = arith.constant 0 : i32
    return %c0_i32, %c0_i32_0 : i32, i32
  }
  func.func @transform_9(%arg0: i32) -> (i32, i32) {
    %c0_i32 = arith.constant 0 : i32
    %c0_i32_0 = arith.constant 0 : i32
    %c0_i32_1 = arith.constant 0 : i32
    return %c0_i32, %c0_i32_0 : i32, i32
  }
  func.func @transform_10(%arg0: i32) -> (i32, i32) {
    %c0_i32 = arith.constant 0 : i32
    %c0_i32_0 = arith.constant 0 : i32
    %c0_i32_1 = arith.constant 0 : i32
    return %c0_i32, %c0_i32_0 : i32, i32
  }
  func.func @transform_11(%arg0: i32) -> (i32, i32) {
    %c0_i32 = arith.constant 0 : i32
    %c0_i32_0 = arith.constant 0 : i32
    %c0_i32_1 = arith.constant 0 : i32
    return %c0_i32, %c0_i32_0 : i32, i32
  }
  func.func @transform_12(%arg0: i32) -> (i32, i32) {
    %c0_i32 = arith.constant 0 : i32
    %c0_i32_0 = arith.constant 0 : i32
    %c0_i32_1 = arith.constant 0 : i32
    return %c0_i32, %c0_i32_0 : i32, i32
  }
  func.func @transform_13(%arg0: i32) -> (i32, i32) {
    %c0_i32 = arith.constant 0 : i32
    %c0_i32_0 = arith.constant 0 : i32
    %c0_i32_1 = arith.constant 0 : i32
    return %c0_i32, %c0_i32_0 : i32, i32
  }
  func.func @transform_14(%arg0: i32) -> (i32, i32) {
    %c0_i32 = arith.constant 0 : i32
    %c0_i32_0 = arith.constant 0 : i32
    %c0_i32_1 = arith.constant 0 : i32
    return %c0_i32, %c0_i32_0 : i32, i32
  }
  func.func @transform_15(%arg0: i32) -> (i32, i32) {
    %c0_i32 = arith.constant 0 : i32
    %c0_i32_0 = arith.constant 0 : i32
    %c0_i32_1 = arith.constant 0 : i32
    return %c0_i32, %c0_i32_0 : i32, i32
  }
  func.func @transform_16(%arg0: i32) -> (i32, i32) {
    %c0_i32 = arith.constant 0 : i32
    %c0_i32_0 = arith.constant 0 : i32
    %c0_i32_1 = arith.constant 0 : i32
    return %c0_i32, %c0_i32_0 : i32, i32
  }
  func.func @transform_17(%arg0: i32) -> (i32, i32) {
    %c0_i32 = arith.constant 0 : i32
    %c0_i32_0 = arith.constant 0 : i32
    %c0_i32_1 = arith.constant 0 : i32
    return %c0_i32, %c0_i32_0 : i32, i32
  }
  func.func @transform_18(%arg0: i32) -> (i32, i32) {
    %c0_i32 = arith.constant 0 : i32
    %c0_i32_0 = arith.constant 0 : i32
    %c0_i32_1 = arith.constant 0 : i32
    return %c0_i32, %c0_i32_0 : i32, i32
  }
  func.func @transform_19(%arg0: i32) -> (i32, i32) {
    %c0_i32 = arith.constant 0 : i32
    %c0_i32_0 = arith.constant 0 : i32
    return %arg0, %c0_i32 : i32, i32
  }
  func.func @transform_20(%arg0: i32) -> (i32, i32) {
    %c0_i32 = arith.constant 0 : i32
    %c0_i32_0 = arith.constant 0 : i32
    return %arg0, %c0_i32 : i32, i32
  }
  func.func @transform_21(%arg0: i32) -> (i32, i32) {
    %c0_i32 = arith.constant 0 : i32
    %c0_i32_0 = arith.constant 0 : i32
    return %arg0, %c0_i32 : i32, i32
  }
}

module attributes {stable_mosaic.version = 14 : i64} {
  func.func @body(%arg0: i32, %arg1: memref<2000x128xf32, #tpu.memory_space<vmem>>, %arg2: memref<2000x128xf32, #tpu.memory_space<vmem>>, %arg3: memref<2000x128xf32, #tpu.memory_space<vmem>>, %arg4: memref<2000x128xf32, #tpu.memory_space<vmem>>, %arg5: memref<2000x128xf32, #tpu.memory_space<vmem>>, %arg6: memref<1x2000x128xf32, #tpu.memory_space<vmem>>, %arg7: memref<1x2000x128xf32, #tpu.memory_space<vmem>>, %arg8: memref<2000x1xf32, #tpu.memory_space<vmem>>, %arg9: memref<128x128xf32, #tpu.memory_space<vmem>>, %arg10: memref<1x128xf32, #tpu.memory_space<vmem>>, %arg11: memref<128x128xf32, #tpu.memory_space<vmem>>, %arg12: memref<128x128xf32, #tpu.memory_space<vmem>>, %arg13: memref<1x128xf32, #tpu.memory_space<vmem>>, %arg14: memref<128x128xf32, #tpu.memory_space<vmem>>, %arg15: memref<2000x128xf32, #tpu.memory_space<vmem>>) attributes {dimension_semantics = [#tpu.dimension_semantics<arbitrary>], iteration_bounds = array<i64: 5>, scalar_prefetch = 0 : i64, scratch_operands = 0 : i64, tpu.core_type = #tpu.core_type<tc>, window_params = [{transform_indices = @transform_0, window_bounds = array<i64: 2000, 128>}, {transform_indices = @transform_1, window_bounds = array<i64: 2000, 128>}, {transform_indices = @transform_2, window_bounds = array<i64: 2000, 128>}, {transform_indices = @transform_3, window_bounds = array<i64: 2000, 128>}, {transform_indices = @transform_4, window_bounds = array<i64: 2000, 128>}, {transform_indices = @transform_5, window_bounds = array<i64: 1, 2000, 128>}, {transform_indices = @transform_6, window_bounds = array<i64: 1, 2000, 128>}, {transform_indices = @transform_7, window_bounds = array<i64: 2000, 1>}, {pipeline_mode = #tpu.pipeline_mode<synchronous>, transform_indices = @transform_8, window_bounds = array<i64: 128, 128>}, {pipeline_mode = #tpu.pipeline_mode<synchronous>, transform_indices = @transform_9, window_bounds = array<i64: 1, 128>}, {pipeline_mode = #tpu.pipeline_mode<synchronous>, transform_indices = @transform_10, window_bounds = array<i64: 128, 128>}, {pipeline_mode = #tpu.pipeline_mode<synchronous>, transform_indices = @transform_11, window_bounds = array<i64: 128, 128>}, {pipeline_mode = #tpu.pipeline_mode<synchronous>, transform_indices = @transform_12, window_bounds = array<i64: 1, 128>}, {pipeline_mode = #tpu.pipeline_mode<synchronous>, transform_indices = @transform_13, window_bounds = array<i64: 128, 128>}, {transform_indices = @transform_14, window_bounds = array<i64: 2000, 128>}]} {
    %get3A = arith.constant 0 : index
    %get3A_0 = arith.constant 0 : index
    %get3A_1 = vector.load %arg8[%get3A, %get3A_0] : memref<2000x1xf32, #tpu.memory_space<vmem>>, vector<2000x1xf32>
    %get3A_2 = arith.constant 0 : index
    %get3A_3 = arith.constant 0 : index
    %get3A_4 = arith.constant 0 : index
    %get3A_5 = vector.load %arg6[%get3A_2, %get3A_3, %get3A_4] : memref<1x2000x128xf32, #tpu.memory_space<vmem>>, vector<1x2000x128xf32>
    %get3A_6 = vector.shape_cast %get3A_5 : vector<1x2000x128xf32> to vector<2000x128xf32>
    %get3A_7 = arith.constant 0 : index
    %get3A_8 = arith.constant 0 : index
    %get3A_9 = arith.constant 0 : index
    %get3A_10 = vector.load %arg7[%get3A_7, %get3A_8, %get3A_9] : memref<1x2000x128xf32, #tpu.memory_space<vmem>>, vector<1x2000x128xf32>
    %get3A_11 = vector.shape_cast %get3A_10 : vector<1x2000x128xf32> to vector<2000x128xf32>
    %add3A = arith.addf %get3A_6, %get3A_11 : vector<2000x128xf32>
    %mul3A = vector.broadcast %get3A_1 : vector<2000x1xf32> to vector<2000x128xf32>
    %mul3A_12 = arith.mulf %add3A, %mul3A : vector<2000x128xf32>
    %get3A_13 = arith.constant 0 : index
    %get3A_14 = arith.constant 0 : index
    %get3A_15 = vector.load %arg5[%get3A_13, %get3A_14] : memref<2000x128xf32, #tpu.memory_space<vmem>>, vector<2000x128xf32>
    %get3A_16 = arith.constant 0 : index
    %get3A_17 = arith.constant 0 : index
    %get3A_18 = vector.load %arg9[%get3A_16, %get3A_17] : memref<128x128xf32, #tpu.memory_space<vmem>>, vector<128x128xf32>
    %dot_general3A = arith.constant dense<0.000000e+00> : vector<2000x128xf32>
    %dot_general3A_19 = tpu.matmul %get3A_15, %get3A_18, %dot_general3A {dimension_numbers = #tpu.dot_dimension_numbers<[1], [1], [0], [0], [0, 0, 1, 0], [], []>, transpose_lhs_hint = false} : vector<2000x128xf32>, vector<128x128xf32>, vector<2000x128xf32> -> vector<2000x128xf32>
    %get3A_20 = arith.constant 0 : index
    %get3A_21 = arith.constant 0 : index
    %get3A_22 = vector.load %arg10[%get3A_20, %get3A_21] : memref<1x128xf32, #tpu.memory_space<vmem>>, vector<1x128xf32>
    %add3A_23 = vector.broadcast %get3A_22 : vector<1x128xf32> to vector<2000x128xf32>
    %add3A_24 = arith.addf %dot_general3A_19, %add3A_23 : vector<2000x128xf32>
    %get3A_25 = arith.constant 0 : index
    %get3A_26 = arith.constant 0 : index
    %get3A_27 = vector.load %arg1[%get3A_25, %get3A_26] : memref<2000x128xf32, #tpu.memory_space<vmem>>, vector<2000x128xf32>
    %get3A_28 = arith.constant 0 : index
    %get3A_29 = arith.constant 0 : index
    %get3A_30 = vector.load %arg11[%get3A_28, %get3A_29] : memref<128x128xf32, #tpu.memory_space<vmem>>, vector<128x128xf32>
    %dot_general3A_31 = arith.constant dense<0.000000e+00> : vector<2000x128xf32>
    %dot_general3A_32 = tpu.matmul %get3A_27, %get3A_30, %dot_general3A_31 {dimension_numbers = #tpu.dot_dimension_numbers<[1], [1], [0], [0], [0, 0, 1, 0], [], []>, transpose_lhs_hint = false} : vector<2000x128xf32>, vector<128x128xf32>, vector<2000x128xf32> -> vector<2000x128xf32>
    %add3A_33 = arith.addf %add3A_24, %dot_general3A_32 : vector<2000x128xf32>
    %get3A_34 = arith.constant 0 : index
    %get3A_35 = arith.constant 0 : index
    %get3A_36 = vector.load %arg12[%get3A_34, %get3A_35] : memref<128x128xf32, #tpu.memory_space<vmem>>, vector<128x128xf32>
    %dot_general3A_37 = arith.constant dense<0.000000e+00> : vector<2000x128xf32>
    %dot_general3A_38 = tpu.matmul %mul3A_12, %get3A_36, %dot_general3A_37 {dimension_numbers = #tpu.dot_dimension_numbers<[1], [1], [0], [0], [0, 0, 1, 0], [], []>, transpose_lhs_hint = false} : vector<2000x128xf32>, vector<128x128xf32>, vector<2000x128xf32> -> vector<2000x128xf32>
    %add3A_39 = arith.addf %add3A_33, %dot_general3A_38 : vector<2000x128xf32>
    %get3A_40 = arith.constant 0 : index
    %get3A_41 = arith.constant 0 : index
    %get3A_42 = vector.load %arg13[%get3A_40, %get3A_41] : memref<1x128xf32, #tpu.memory_space<vmem>>, vector<1x128xf32>
    %add3A_43 = vector.broadcast %get3A_42 : vector<1x128xf32> to vector<2000x128xf32>
    %add3A_44 = arith.addf %add3A_39, %add3A_43 : vector<2000x128xf32>
    %get3A_45 = arith.constant 0 : index
    %get3A_46 = arith.constant 0 : index
    %get3A_47 = vector.load %arg3[%get3A_45, %get3A_46] : memref<2000x128xf32, #tpu.memory_space<vmem>>, vector<2000x128xf32>
    %get3A_48 = arith.constant 0 : index
    %get3A_49 = arith.constant 0 : index
    %get3A_50 = vector.load %arg14[%get3A_48, %get3A_49] : memref<128x128xf32, #tpu.memory_space<vmem>>, vector<128x128xf32>
    %dot_general3A_51 = arith.constant dense<0.000000e+00> : vector<2000x128xf32>
    %dot_general3A_52 = tpu.matmul %get3A_47, %get3A_50, %dot_general3A_51 {dimension_numbers = #tpu.dot_dimension_numbers<[1], [1], [0], [0], [0, 0, 1, 0], [], []>, transpose_lhs_hint = false} : vector<2000x128xf32>, vector<128x128xf32>, vector<2000x128xf32> -> vector<2000x128xf32>
    %add3A_53 = arith.addf %add3A_44, %dot_general3A_52 : vector<2000x128xf32>
    %tanh3A = math.tanh %add3A_53 : vector<2000x128xf32>
    %get3A_54 = arith.constant 0 : index
    %get3A_55 = arith.constant 0 : index
    %get3A_56 = vector.load %arg4[%get3A_54, %get3A_55] : memref<2000x128xf32, #tpu.memory_space<vmem>>, vector<2000x128xf32>
    %sub3A = arith.constant 1.000000e+00 : f32
    %sub3A_57 = vector.broadcast %sub3A : f32 to vector<2000x128xf32>
    %sub3A_58 = arith.subf %sub3A_57, %get3A_56 : vector<2000x128xf32>
    %get3A_59 = arith.constant 0 : index
    %get3A_60 = arith.constant 0 : index
    %get3A_61 = vector.load %arg2[%get3A_59, %get3A_60] : memref<2000x128xf32, #tpu.memory_space<vmem>>, vector<2000x128xf32>
    %mul3A_62 = arith.mulf %sub3A_58, %get3A_61 : vector<2000x128xf32>
    %mul3A_63 = arith.mulf %get3A_56, %tanh3A : vector<2000x128xf32>
    %add3A_64 = arith.addf %mul3A_62, %mul3A_63 : vector<2000x128xf32>
    %swap3A = arith.constant 0 : index
    %swap3A_65 = arith.constant 0 : index
    %swap3A_66 = vector.load %arg15[%swap3A, %swap3A_65] : memref<2000x128xf32, #tpu.memory_space<vmem>>, vector<2000x128xf32>
    tpu.vector_store %arg15[%swap3A, %swap3A_65], %add3A_64 {strides = array<i32>} : memref<2000x128xf32, #tpu.memory_space<vmem>>, vector<2000x128xf32>,
    return
  }
  func.func @transform_0(%arg0: i32) -> (i32, i32) {
    %c0_i32 = arith.constant 0 : i32
    %c0_i32_0 = arith.constant 0 : i32
    return %arg0, %c0_i32 : i32, i32
  }
  func.func @transform_1(%arg0: i32) -> (i32, i32) {
    %c0_i32 = arith.constant 0 : i32
    %c0_i32_0 = arith.constant 0 : i32
    return %arg0, %c0_i32 : i32, i32
  }
  func.func @transform_2(%arg0: i32) -> (i32, i32) {
    %c0_i32 = arith.constant 0 : i32
    %c0_i32_0 = arith.constant 0 : i32
    return %arg0, %c0_i32 : i32, i32
  }
  func.func @transform_3(%arg0: i32) -> (i32, i32) {
    %c0_i32 = arith.constant 0 : i32
    %c0_i32_0 = arith.constant 0 : i32
    return %arg0, %c0_i32 : i32, i32
  }
  func.func @transform_4(%arg0: i32) -> (i32, i32) {
    %c0_i32 = arith.constant 0 : i32
    %c0_i32_0 = arith.constant 0 : i32
    return %arg0, %c0_i32 : i32, i32
  }
  func.func @transform_5(%arg0: i32) -> (i32, i32, i32) {
    %c0_i32 = arith.constant 0 : i32
    %c0_i32_0 = arith.constant 0 : i32
    %c0_i32_1 = arith.constant 0 : i32
    return %c0_i32, %arg0, %c0_i32_0 : i32, i32, i32
  }
  func.func @transform_6(%arg0: i32) -> (i32, i32, i32) {
    %c1_i32 = arith.constant 1 : i32
    %c0_i32 = arith.constant 0 : i32
    %c0_i32_0 = arith.constant 0 : i32
    return %c1_i32, %arg0, %c0_i32 : i32, i32, i32
  }
  func.func @transform_7(%arg0: i32) -> (i32, i32) {
    %c0_i32 = arith.constant 0 : i32
    %c0_i32_0 = arith.constant 0 : i32
    return %arg0, %c0_i32 : i32, i32
  }
  func.func @transform_8(%arg0: i32) -> (i32, i32) {
    %c0_i32 = arith.constant 0 : i32
    %c0_i32_0 = arith.constant 0 : i32
    %c0_i32_1 = arith.constant 0 : i32
    return %c0_i32, %c0_i32_0 : i32, i32
  }
  func.func @transform_9(%arg0: i32) -> (i32, i32) {
    %c0_i32 = arith.constant 0 : i32
    %c0_i32_0 = arith.constant 0 : i32
    %c0_i32_1 = arith.constant 0 : i32
    return %c0_i32, %c0_i32_0 : i32, i32
  }
  func.func @transform_10(%arg0: i32) -> (i32, i32) {
    %c0_i32 = arith.constant 0 : i32
    %c0_i32_0 = arith.constant 0 : i32
    %c0_i32_1 = arith.constant 0 : i32
    return %c0_i32, %c0_i32_0 : i32, i32
  }
  func.func @transform_11(%arg0: i32) -> (i32, i32) {
    %c0_i32 = arith.constant 0 : i32
    %c0_i32_0 = arith.constant 0 : i32
    %c0_i32_1 = arith.constant 0 : i32
    return %c0_i32, %c0_i32_0 : i32, i32
  }
  func.func @transform_12(%arg0: i32) -> (i32, i32) {
    %c0_i32 = arith.constant 0 : i32
    %c0_i32_0 = arith.constant 0 : i32
    %c0_i32_1 = arith.constant 0 : i32
    return %c0_i32, %c0_i32_0 : i32, i32
  }
  func.func @transform_13(%arg0: i32) -> (i32, i32) {
    %c0_i32 = arith.constant 0 : i32
    %c0_i32_0 = arith.constant 0 : i32
    %c0_i32_1 = arith.constant 0 : i32
    return %c0_i32, %c0_i32_0 : i32, i32
  }
  func.func @transform_14(%arg0: i32) -> (i32, i32) {
    %c0_i32 = arith.constant 0 : i32
    %c0_i32_0 = arith.constant 0 : i32
    return %arg0, %c0_i32 : i32, i32
  }
}

</mosaic_0001>

<sc_bundles>
// kernel: kernel.10.cloned.1.call-start
scs
__scs_entry_jumppad:
0x0: {  	(pc) =	sbr.rel $0x88, $3  }
0x1: {  	(tag) =	ssettag $0x0;
	lr =	simm.s32 $0x1  }
0x2: {  	[smem:$0x3F85] =	sst lr;
	_ =	strace $0xD0000000  }
0x3: {  	_ = 	snop  }
0x4: {  	_ = 	snop  }
0x5: {  	_ = 	snop  }
0x6: {  	_ = 	snop  }
0x7: {  	_ = 	snop  }
__scs_overlays_trampoline_lowered:
0x8: {  	[smem:$0x3F94] =	sst s0  }
0x9: {  	[smem:$0x3F95] =	sst s1  }
0xa: {  	[smem:$0x3F96] =	sst s2  }
0xb: {  	[smem:$0x3F97] =	sst s3  }
0xc: {  	[smem:$0x3F98] =	sst s4  }
0xd: {  	[smem:$0x3F99] =	sst s5  }
0xe: {  	[smem:$0x3F9A] =	sst s6  }
0xf: {  	[smem:$0x3F9B] =	sst s7  }
0x10: {  	[smem:$0x3F9C] =	sst s8  }
0x11: {  	[smem:$0x3F9D] =	sst s9;
	s0 =	simm.s32 @!p0 $0x0  }
0x12: {  	s1 =	sld [smem:$0x3F83];
	s0 =	simm.s32 @p0 $0x1  }
0x13: {  	[smem:$0x3F9E] =	sst s0;
	s0 =	simm.s32 @!p1 $0x0  }
0x14: {  	s2 =	sld [smem:$0x3F82];
	s0 =	simm.s32 @p1 $0x1  }
0x15: {  	[smem:$0x3F9F] =	sst s0;
	s0 =	simm.s32 @!p2 $0x0  }
0x16: {  	s3 =	sld [smem:$0x3FDB];
	s0 =	simm.s32 @p2 $0x1  }
0x17: {  	s4 =	simm.s32 $0x1BF5;
	[smem:$0x3FA1] =	sst s0  }
0x18: {  	s0 =	sld [smem:$0x3F84];
	_ =	swait.ge [sflag:s4], $0x0  }
0x19: {  	s7 =	sld [smem:$0x3F85]  }
0x1a: {  	s8 =	sadd.s32 $0xFFFFE003, lr  }
0x1b: {  	s9 =	sadd.s32 $0xFFFFFEF7, lr;
	s5 =	simm.s32 $0xFFFFFFFF;
	p2 =	slt.u32 s8, $0xFFFFF086  }
0x1c: {  	p1 =	slt.u32 s9, $0xF7A;
	s5 =	simm.s32 @!p2 $0x0  }
0x1d: {  	s5 =	simm.s32 @p1 $0x1;
	p0 =	seq.s32 s7, s2  }
0x1e: {  	s7 =	smul.u32 @!p0 $0xF7A, s2;
	p2 =	seq.s32 @!p0 s5, $0x0  }
0x1f: {  	s9 =	smul.u32 $0xF7A, s1;
	s8 =	simm.s32 @!p0 $0x1BF5;
	p2 =	por !p2, p0  }
0x20: {  	[sflag:s8] =	ssyncset.s32 @!p0 $0xFFFFF086;
	s6 =	sadd.s32 @!p0 s3, s7;
	s7 =	simm.s32 @!p0 $0x108  }
0x21: {  	s3 =	sadd.s32 s3, s9;
	s6 =	sadd.s32 @!p0 $0x88, s6;
	s7 =	simm.s32 @p2 $0x1082  }
0x22: {  	[simem:s7], [sflag:s8] =	dma.local @!p0 [hbm:s6], $0xF7A  }
0x23: {  	s9 =	sor.u32 $0xD0000000, s2;
	s6 =	simm.s32 $0x108;
	_ =	swait.ge @!p0 [sflag:s8], $0x0  }
0x24: {  	s3 =	sadd.s32 $0x88, s3;
	s6 =	simm.s32 @!p1 $0x1082;
	[sflag:s4] =	ssyncset.s32 $0xFFFFF086  }
0x25: {  	[simem:s6], [sflag:s4] =	dma.local [hbm:s3], $0xF7A  }
0x26: {  	[smem:$0x3F85] =	sst s1;
	(tag) =	ssettag s2;
	_ =	strace s9  }
0x27: {  	s1 =	sld [smem:$0x3F95]  }
0x28: {  	s2 =	sld [smem:$0x3F96]  }
0x29: {  	s4 =	sld [smem:$0x3F98]  }
0x2a: {  	p0 =	seq.s32 s5, $0x0;
	s5 =	sld [smem:$0x3F99]  }
0x2b: {  	s6 =	sld [smem:$0x3F9A]  }
0x2c: {  	s7 =	sld [smem:$0x3F9B]  }
0x2d: {  	s3 =	simm.s32 $0x108;
	s8 =	sld [smem:$0x3F9C]  }
0x2e: {  	s3 =	simm.s32 @!p0 $0x1082;
	s9 =	sld [smem:$0x3F9D]  }
0x2f: {  	lr =	sadd.s32 s0, s3;
	s0 =	sld [smem:$0x3F94]  }
0x30: {  	s3 =	sld [smem:$0x3F97]  }
0x31: {  	[smem:$0x3FA0] =	sst s10  }
0x32: {  	s10 =	sld [smem:$0x3F9E];
	_ =	sdelay $0x3  }
0x33: {  	p0 =	seq.s32 s10, $0x1;
	s10 =	sld [smem:$0x3FA0];
	_ =	sdelay $0x3  }
0x34: {  	[smem:$0x3FA0] =	sst s10  }
0x35: {  	s10 =	sld [smem:$0x3F9F];
	_ =	sdelay $0x3  }
0x36: {  	p1 =	seq.s32 s10, $0x1;
	s10 =	sld [smem:$0x3FA0];
	_ =	sdelay $0x3  }
0x37: {  	[smem:$0x3FA0] =	sst s10  }
0x38: {  	s10 =	sld [smem:$0x3FA1]  }
0x39: {  	_ = 	snop;
	(pc) =	sbr.ind lr, $3  }
0x3a: {  	_ = 	snop  }
0x3b: {  	_ = 	snop  }
0x3c: {  	p2 =	seq.s32 s10, $0x1;
	s10 =	sld [smem:$0x3FA0]  }
0x3d: {  	_ =	shalt  }
0x3e: {  	_ =	shalt  }
0x3f: {  	_ =	shalt  }
0x40: {  	_ =	shalt  }
0x41: {  	_ =	shalt  }
0x42: {  	_ =	shalt  }
0x43: {  	_ =	shalt  }
0x44: {  	_ =	shalt  }
0x45: {  	_ =	shalt  }
0x46: {  	_ =	shalt  }
0x47: {  	_ =	shalt  }
0x48: {  	_ =	shalt  }
0x49: {  	_ =	shalt  }
0x4a: {  	_ =	shalt  }
0x4b: {  	_ =	shalt  }
0x4c: {  	_ =	shalt  }
0x4d: {  	_ =	shalt  }
0x4e: {  	_ =	shalt  }
0x4f: {  	_ =	shalt  }
0x50: {  	_ =	shalt  }
0x51: {  	_ =	shalt  }
0x52: {  	_ =	shalt  }
0x53: {  	_ =	shalt  }
0x54: {  	_ =	shalt  }
0x55: {  	_ =	shalt  }
0x56: {  	_ =	shalt  }
0x57: {  	_ =	shalt  }
0x58: {  	_ =	shalt  }
0x59: {  	_ =	shalt  }
0x5a: {  	_ =	shalt  }
0x5b: {  	_ =	shalt  }
0x5c: {  	_ =	shalt  }
0x5d: {  	_ =	shalt  }
0x5e: {  	_ =	shalt  }
0x5f: {  	_ =	shalt  }
0x60: {  	_ =	shalt  }
0x61: {  	_ =	shalt  }
0x62: {  	_ =	shalt  }
0x63: {  	_ =	shalt  }
0x64: {  	_ =	shalt  }
0x65: {  	_ =	shalt  }
0x66: {  	_ =	shalt  }
0x67: {  	_ =	shalt  }
0x68: {  	_ =	shalt  }
0x69: {  	_ =	shalt  }
0x6a: {  	_ =	shalt  }
0x6b: {  	_ =	shalt  }
0x6c: {  	_ =	shalt  }
0x6d: {  	_ =	shalt  }
0x6e: {  	_ =	shalt  }
0x6f: {  	_ =	shalt  }
0x70: {  	_ =	shalt  }
0x71: {  	_ =	shalt  }
0x72: {  	_ =	shalt  }
0x73: {  	_ =	shalt  }
0x74: {  	_ =	shalt  }
0x75: {  	_ =	shalt  }
0x76: {  	_ =	shalt  }
0x77: {  	_ =	shalt  }
0x78: {  	_ =	shalt  }
0x79: {  	_ =	shalt  }
0x7a: {  	_ =	shalt  }
0x7b: {  	_ =	shalt  }
0x7c: {  	_ =	shalt  }
0x7d: {  	_ =	shalt  }
0x7e: {  	_ =	shalt  }
0x7f: {  	_ =	shalt  }
0x80: {  	_ =	shalt  }
0x81: {  	_ =	shalt  }
0x82: {  	_ =	shalt  }
0x83: {  	_ =	shalt  }
0x84: {  	_ =	shalt  }
0x85: {  	_ =	shalt  }
0x86: {  	_ =	shalt  }
0x87: {  	_ =	shalt  }
.Lfunc_end0:
.L_simem_size_0:
called_computation_lowered:
.L_overlay_start_0:
0x88: {  	s2 =	sld [smem:$0x3FD9]  }
0x89: {  	s3 =	sld [smem:$0x3FFE];
	_ =	sdelay $0x1  }
0x8a: {  	s1 =	srdreg.scid  }
0x8b: {  	s0 =	sand.u32 $0x1, s1  }
0x8c: {  	s17 =	sshll.u32 s0, $0xA;
	s2 =	sadd.s32 s3, s2  }
0x8d: {  	s2 =	sadd.s32 s2, s17  }
0x8e: {  	[smem:$0x3FAC] =	sst s2  }
0x8f: {  	_ = 	snop  }
0x90: {  	s2 =	sld [smem:$0x3FD0];
	(tm) =	ssettm $0x1  }
0x91: {  	s18 =	sld [smem:$0x3FFB];
	_ =	sdelay $0x3  }
0x92: {  	_ =	strace s18  }
0x93: {  	s3 =	sld [smem:$0x3FFC];
	_ =	sdelay $0x3  }
0x94: {  	_ =	strace s3  }
0x95: {  	s3 =	sld [smem:$0x3FFD];
	_ =	sdelay $0x3  }
0x96: {  	_ =	strace s3  }
0x97: {  	_ =	strace $0x8FFFFFFF  }
0x98: {  	s19 =	sld [smem:$0x3FDB];
	_ =	sdelay $0x1  }
0x99: {  	s4 =	simm.s32 $_scs_section_size  }
0x9a: {  	s5 =	simm.s32 $_size__tile_overlayer_lowered;
	s6 =	simm.s32 $_tile_overlayer_lowered  }
0x9b: {  	s22 =	simm.s32 $0x1BFF;
	s21 =	sshll.u32 s6, $0x1;
	s3 =	sadd.s32 s4, s19  }
0x9c: {  	s7 =	simm.s32 $0x0;
	s20 =	sshll.u32 s5, $0x1;
	s5 =	sadd.s32 s21, s3  }
0x9d: {  	[timem:s7], [sflag:s22] =	dma.local [hbm:s5], s20  }
0x9e: {  	_ =	swait.ge [sflag:s22], s20  }
0x9f: {  	s4 =	ssub.s32 $0x0, s20;
	[sflag:s22] =	ssyncset.done $0x0  }
0xa0: {  	[sflag:s22] =	ssyncadd.s32 s4;
	_ =	sdelay $0x1  }
0xa1: {  	s23 =	simm.s32 $0x1B8B  }
0xa2: {  	_ =	swait.ge [sflag:s23], $0x1  }
0xa3: {  	[sflag:s23] =	ssyncset.done $0x0  }
0xa4: {  	s25 =	simm.s32 $0x1B8E;
	s24 =	sld [smem:$0x3FFE];
	[sflag:s23] =	ssyncadd.s32 $0xFFFFFFFF  }
0xa5: {  	s26 =	simm.s32 $execute0_lowered;
	[smem:$0x3FD2] =	sst s25  }
0xa6: {  	s5 =	sshll.u32 s26, $0x1;
	_ =	strace $0x80000046;
	[dreg:$0x1] =	wrdreg $0xFFFFFFFF  }
0xa7: {  	s28 =	simm.s32 $_size_execute0_lowered;
	s3 =	sadd.s32 s3, s5;
	[dreg:$0x0] =	wrdreg $0x0  }
0xa8: {  	s5 =	sshll.u32 s28, $0x1;
	[dreg:$0x2] =	wrdreg s3  }
0xa9: {  	[dreg:$0x3] =	wrdreg s5  }
0xaa: {  	[dreg:$0x4] =	wrdreg $0xC0  }
0xab: {  	_ =	task [dreg:s7], $0x5FFFF  }
0xac: {  	[dreg:$0x1] =	wrdreg $0xFFFFFFFF  }
0xad: {  	[dreg:$0x0] =	wrdreg $0x60  }
0xae: {  	[dreg:$0x2] =	wrdreg s24  }
0xaf: {  	[dreg:$0x3] =	wrdreg s2  }
0xb0: {  	[dreg:$0x4] =	wrdreg $0x54000  }
0xb1: {  	[dreg:$0x5] =	wrdreg $0xA  }
0xb2: {  	_ =	task.clear_ibuf [dreg:s7], $0x6FFFF;
	_ =	strace $0x90000046  }
0xb3: {  	s29 =	simm.s32 $0xA;
	_ =	strace $0x80000048  }
0xb4: {  	_ =	swait.ge [sflag:s29], $0x1  }
0xb5: {  	[sflag:s29] =	ssyncadd.s32 $0xFFFFFFFF  }
0xb6: {  	_ =	strace $0x90000048  }
0xb7: {  	_ =	sfence  }
0xb8: {  	s30 =	sld [smem:$0x0];
	_ =	sdelay $0x2  }
0xb9: {  	s31 =	sshll.u32 s1, $0xD;
	s1 =	sshrl.u32 s1, $0x2  }
0xba: {  	s3 =	sand.u32 $0x4000, s31;
	s1 =	sadd.s32 s1, s30  }
0xbb: {  	s0 =	sor.u32 s3, s0;
	s1 =	sshll.u32 s1, $0x11  }
0xbc: {  	s0 =	sor.u32 s1, s0  }
0xbd: {  	s0 =	sadd.s32 $0x8F2B, s0  }
0xbe: {  	[sflag:s0] =	ssyncadd.remote.s32 $0x1  }
0xbf: {  	_ =	sfence.sel $0xFFFF  }
0xc0: {  	[dreg:$0x0] =	wrdreg $0xFFFFFFFF;
	(pc) =	sbr.abs _section_cstart, $3  }
0xc1: {  	[dreg:$0x1] =	wrdreg $0xFFFFFFFF  }
0xc2: {  	_ =	task.clear_ibuf [dreg:s7], $0x2FFFF;
	_ =	strace $0x9FFFFFFF  }
0xc3: {  	(tm) =	ssettm $0x7FFFFFFF  }
tec
execute0_lowered:
.L_overlay_start_1:
0x0: {  	(tag) =	ssettag $0x1  }
0x1: {  	s0 =	rddreg [dreg:$0x0];
	s1 =	srdreg.scid  }
0x2: {  	s3 =	rddreg [dreg:$0x2];
	s7 =	stileid.u32;
	s4 =	simm.s32 $0x0  }
0x3: {  	s12 =	simm.s32 $0x2;
	s13 =	simm.s32 $0x1400;
	s14 =	simm.s32 $0x80  }
0x4: {  	s9 =	simm.s32 $0xC00;
	s10 =	simm.s32 $0xC80;
	s15 =	simm.s32 $0xD00  }
0x5: {  	s16 =	simm.s32 $0xD80;
	s17 =	simm.s32 $0xE00;
	s18 =	simm.s32 $0xE80  }
0x6: {  	s19 =	simm.s32 $0xF00;
	s20 =	simm.s32 $0xF80;
	s28 =	simm.s32 $0x1300  }
0x7: {  	s29 =	simm.s32 $0x1380;
	s30 =	simm.s32 $0x1;
	s31 =	simm.s32 $0x0  }
0x8: {  	s1 =	sand.u32 $0x1, s1;
	s2 =	sshll.u32 s7, $0x1;
	s6 =	smul.u32 $0x13C00, s7  }
0x9: {  	[smem:$0x7FF] =	sst s4;
	s21 =	smul.u32 $0x4F000, s7;
	s8 =	sadd.s32 $0x1A800, s0  }
0xa: {  	s7 =	sshll.u32 s7, $0x6;
	s5 =	smul.u32 $0x13C000, s1;
	s2 =	sor.u32 s1, s2  }
0xb: {  	_ =	strace $0x80000047;
	[dreg:$0x4] =	wrdreg s8;
	s1 =	ssub.s32 $0x2, s1  }
0xc: {  	s8 =	simm.s32 $0xB80;
	s2 =	smul.u32 $0x500, s2;
	s22 =	sshrl.u32 s1, $0x1  }
0xd: {  	s5 =	sadd.s32 s6, s5;
	s6 =	sshrl.u32 s21, $0x2;
	s1 =	ssub.s32 s1, s22  }
0xe: {  	s21 =	simm.s32 $0x1000;
	s22 =	simm.s32 $0x1080;
	s2 =	sadd.s32 s2, s0  }
0xf: {  	s5 =	sshrl.u32 s5, $0x3;
	s23 =	sadd.s32 s6, s3;
	s6 =	sor.u32 $0x1C02, s7  }
0x10: {  	s24 =	smax.u32 s1, $0x1;
	s1 =	simm.s32 $0x980;
	s7 =	simm.s32 $0xB00  }
0x11: {  	s0 =	sadd.s32 s5, s0;
	[dreg:$0x6] =	wrdreg s24;
	s25 =	sadd.s32 $0x10800, s2  }
0x12: {  	s26 =	sadd.s32 $0x10A80, s2;
	s11 =	sshrl.u32 s23, $0x3;
	s2 =	simm.s32 $0xA00  }
0x13: {  	s5 =	simm.s32 $0xA80;
	s23 =	simm.s32 $0x1100;
	[dreg:$0x7] =	wrdreg s25  }
0x14: {  	s24 =	simm.s32 $0x1180;
	s0 =	sadd.s32 $0x1D000, s0;
	[dreg:$0x8] =	wrdreg s26  }
0x15: {  	s25 =	simm.s32 $0x1200;
	s26 =	simm.s32 $0x1280;
	[dreg:$0x5] =	wrdreg s0  }
.LBB2_1:
0x16: {  	s0 =	rddreg [dreg:$0x4]  }
0x17: {  	[spmem:s11], [sflag:s6] =	dma.local [hbm:s0], $0x2780  }
0x18: {  	_ =	swait.ge [sflag:s12], $0x2780  }
0x19: {  	[sflag:s12] =	ssyncset.done $0x0  }
0x1a: {  	[sflag:s12] =	ssyncadd.s32 $0xFFFFD880  }
0x1b: {  	s0 =	rddreg [dreg:$0x1]  }
0x1c: {  	[tilespmem:s13], [sflag:$0x2] =	stream.linear.gather [hbm4b:s0+s4], $0x4000, $0x38;
	[tilespmem:$0x19000] =	vst v63  }
0x1d: {  	_ =	swait.ge [sflag:s12], $0x4000  }
0x1e: {  	[sflag:s12] =	ssyncset.done $0x0  }
0x1f: {  	[sflag:s12] =	ssyncadd.s32 $0xFFFFC000  }
0x20: {  	[bflag:$0x0] =	sbarrier.arrive $0xFFFF  }
0x21: {  	s0 =	rddreg [dreg:$0x7]  }
0x22: {  	[tilespmem:s4], [sflag:$0x2] =	stream.linear.gather [hbm4b:s0+s4], $0x1400, $0x38;
	[tilespmem:$0x19000] =	vst v63  }
0x23: {  	_ =	swait.ge [sflag:s12], $0x1400  }
0x24: {  	[sflag:s12] =	ssyncset.done $0x0  }
0x25: {  	[sflag:s12] =	ssyncadd.s32 $0xFFFFEC00  }
0x26: {  	[spmem:s3] =	stream.indirect.scatter.add.f32 [tilespmem:s13], [sflag:$0x1], $0x80, s4, s14, $0xb8;
	[tilespmem:$0x19000] =	vst v63  }
0x27: {  	_ = 	snop  }
0x28: {  	[spmem:s3] =	stream.indirect.scatter.add.f32 [tilespmem:s13], [sflag:$0x1], $0x80, s14, s14, $0xb8;
	[tilespmem:$0x19000] =	vst v63  }
0x29: {  	s0 =	simm.s32 $0x100  }
0x2a: {  	[spmem:s3] =	stream.indirect.scatter.add.f32 [tilespmem:s13], [sflag:$0x1], $0x80, s0, s14, $0xb8;
	[tilespmem:$0x19000] =	vst v63  }
0x2b: {  	s0 =	simm.s32 $0x180  }
0x2c: {  	[spmem:s3] =	stream.indirect.scatter.add.f32 [tilespmem:s13], [sflag:$0x1], $0x80, s0, s14, $0xb8;
	[tilespmem:$0x19000] =	vst v63  }
0x2d: {  	s0 =	simm.s32 $0x200  }
0x2e: {  	[spmem:s3] =	stream.indirect.scatter.add.f32 [tilespmem:s13], [sflag:$0x1], $0x80, s0, s14, $0xb8;
	[tilespmem:$0x19000] =	vst v63  }
0x2f: {  	s0 =	simm.s32 $0x280  }
0x30: {  	[spmem:s3] =	stream.indirect.scatter.add.f32 [tilespmem:s13], [sflag:$0x1], $0x80, s0, s14, $0xb8;
	[tilespmem:$0x19000] =	vst v63  }
0x31: {  	s0 =	simm.s32 $0x300  }
0x32: {  	[spmem:s3] =	stream.indirect.scatter.add.f32 [tilespmem:s13], [sflag:$0x1], $0x80, s0, s14, $0xb8;
	[tilespmem:$0x19000] =	vst v63  }
0x33: {  	s0 =	simm.s32 $0x380  }
0x34: {  	[spmem:s3] =	stream.indirect.scatter.add.f32 [tilespmem:s13], [sflag:$0x1], $0x80, s0, s14, $0xb8;
	[tilespmem:$0x19000] =	vst v63  }
0x35: {  	s0 =	simm.s32 $0x400  }
0x36: {  	[spmem:s3] =	stream.indirect.scatter.add.f32 [tilespmem:s13], [sflag:$0x1], $0x80, s0, s14, $0xb8;
	[tilespmem:$0x19000] =	vst v63  }
0x37: {  	s0 =	simm.s32 $0x480  }
0x38: {  	[spmem:s3] =	stream.indirect.scatter.add.f32 [tilespmem:s13], [sflag:$0x1], $0x80, s0, s14, $0xb8;
	[tilespmem:$0x19000] =	vst v63  }
0x39: {  	s0 =	simm.s32 $0x500  }
0x3a: {  	[spmem:s3] =	stream.indirect.scatter.add.f32 [tilespmem:s13], [sflag:$0x1], $0x80, s0, s14, $0xb8;
	[tilespmem:$0x19000] =	vst v63  }
0x3b: {  	s0 =	simm.s32 $0x580  }
0x3c: {  	[spmem:s3] =	stream.indirect.scatter.add.f32 [tilespmem:s13], [sflag:$0x1], $0x80, s0, s14, $0xb8;
	[tilespmem:$0x19000] =	vst v63  }
0x3d: {  	s0 =	simm.s32 $0x600  }
0x3e: {  	[spmem:s3] =	stream.indirect.scatter.add.f32 [tilespmem:s13], [sflag:$0x1], $0x80, s0, s14, $0xb8;
	[tilespmem:$0x19000] =	vst v63  }
0x3f: {  	s0 =	simm.s32 $0x680  }
0x40: {  	[spmem:s3] =	stream.indirect.scatter.add.f32 [tilespmem:s13], [sflag:$0x1], $0x80, s0, s14, $0xb8;
	[tilespmem:$0x19000] =	vst v63  }
0x41: {  	s0 =	simm.s32 $0x700  }
0x42: {  	[spmem:s3] =	stream.indirect.scatter.add.f32 [tilespmem:s13], [sflag:$0x1], $0x80, s0, s14, $0xb8;
	[tilespmem:$0x19000] =	vst v63  }
0x43: {  	s0 =	simm.s32 $0x780  }
0x44: {  	[spmem:s3] =	stream.indirect.scatter.add.f32 [tilespmem:s13], [sflag:$0x1], $0x80, s0, s14, $0xb8;
	[tilespmem:$0x19000] =	vst v63  }
0x45: {  	s0 =	simm.s32 $0x800  }
0x46: {  	[spmem:s3] =	stream.indirect.scatter.add.f32 [tilespmem:s13], [sflag:$0x1], $0x80, s0, s14, $0xb8;
	[tilespmem:$0x19000] =	vst v63  }
0x47: {  	s0 =	simm.s32 $0x880  }
0x48: {  	[spmem:s3] =	stream.indirect.scatter.add.f32 [tilespmem:s13], [sflag:$0x1], $0x80, s0, s14, $0xb8;
	[tilespmem:$0x19000] =	vst v63  }
0x49: {  	s0 =	simm.s32 $0x900  }
0x4a: {  	[spmem:s3] =	stream.indirect.scatter.add.f32 [tilespmem:s13], [sflag:$0x1], $0x80, s0, s14, $0xb8;
	[tilespmem:$0x19000] =	vst v63  }
0x4b: {  	_ = 	snop  }
0x4c: {  	[spmem:s3] =	stream.indirect.scatter.add.f32 [tilespmem:s13], [sflag:$0x1], $0x80, s1, s14, $0xb8;
	[tilespmem:$0x19000] =	vst v63  }
0x4d: {  	_ = 	snop  }
0x4e: {  	[spmem:s3] =	stream.indirect.scatter.add.f32 [tilespmem:s13], [sflag:$0x1], $0x80, s2, s14, $0xb8;
	[tilespmem:$0x19000] =	vst v63  }
0x4f: {  	_ = 	snop  }
0x50: {  	[spmem:s3] =	stream.indirect.scatter.add.f32 [tilespmem:s13], [sflag:$0x1], $0x80, s5, s14, $0xb8;
	[tilespmem:$0x19000] =	vst v63  }
0x51: {  	_ = 	snop  }
0x52: {  	[spmem:s3] =	stream.indirect.scatter.add.f32 [tilespmem:s13], [sflag:$0x1], $0x80, s7, s14, $0xb8;
	[tilespmem:$0x19000] =	vst v63  }
0x53: {  	_ = 	snop  }
0x54: {  	[spmem:s3] =	stream.indirect.scatter.add.f32 [tilespmem:s13], [sflag:$0x1], $0x80, s8, s14, $0xb8;
	[tilespmem:$0x19000] =	vst v63  }
0x55: {  	_ = 	snop  }
0x56: {  	[spmem:s3] =	stream.indirect.scatter.add.f32 [tilespmem:s13], [sflag:$0x1], $0x80, s9, s14, $0xb8;
	[tilespmem:$0x19000] =	vst v63  }
0x57: {  	_ = 	snop  }
0x58: {  	[spmem:s3] =	stream.indirect.scatter.add.f32 [tilespmem:s13], [sflag:$0x1], $0x80, s10, s14, $0xb8;
	[tilespmem:$0x19000] =	vst v63  }
0x59: {  	_ = 	snop  }
0x5a: {  	[spmem:s3] =	stream.indirect.scatter.add.f32 [tilespmem:s13], [sflag:$0x1], $0x80, s15, s14, $0xb8;
	[tilespmem:$0x19000] =	vst v63  }
0x5b: {  	_ = 	snop  }
0x5c: {  	[spmem:s3] =	stream.indirect.scatter.add.f32 [tilespmem:s13], [sflag:$0x1], $0x80, s16, s14, $0xb8;
	[tilespmem:$0x19000] =	vst v63  }
0x5d: {  	_ = 	snop  }
0x5e: {  	[spmem:s3] =	stream.indirect.scatter.add.f32 [tilespmem:s13], [sflag:$0x1], $0x80, s17, s14, $0xb8;
	[tilespmem:$0x19000] =	vst v63  }
0x5f: {  	_ = 	snop  }
0x60: {  	[spmem:s3] =	stream.indirect.scatter.add.f32 [tilespmem:s13], [sflag:$0x1], $0x80, s18, s14, $0xb8;
	[tilespmem:$0x19000] =	vst v63  }
0x61: {  	_ = 	snop  }
0x62: {  	[spmem:s3] =	stream.indirect.scatter.add.f32 [tilespmem:s13], [sflag:$0x1], $0x80, s19, s14, $0xb8;
	[tilespmem:$0x19000] =	vst v63  }
0x63: {  	_ = 	snop  }
0x64: {  	[spmem:s3] =	stream.indirect.scatter.add.f32 [tilespmem:s13], [sflag:$0x1], $0x80, s20, s14, $0xb8;
	[tilespmem:$0x19000] =	vst v63  }
0x65: {  	_ = 	snop  }
0x66: {  	[spmem:s3] =	stream.indirect.scatter.add.f32 [tilespmem:s13], [sflag:$0x1], $0x80, s21, s14, $0xb8;
	[tilespmem:$0x19000] =	vst v63  }
0x67: {  	_ = 	snop  }
0x68: {  	[spmem:s3] =	stream.indirect.scatter.add.f32 [tilespmem:s13], [sflag:$0x1], $0x80, s22, s14, $0xb8;
	[tilespmem:$0x19000] =	vst v63  }
0x69: {  	_ = 	snop  }
0x6a: {  	[spmem:s3] =	stream.indirect.scatter.add.f32 [tilespmem:s13], [sflag:$0x1], $0x80, s23, s14, $0xb8;
	[tilespmem:$0x19000] =	vst v63  }
0x6b: {  	_ = 	snop  }
0x6c: {  	[spmem:s3] =	stream.indirect.scatter.add.f32 [tilespmem:s13], [sflag:$0x1], $0x80, s24, s14, $0xb8;
	[tilespmem:$0x19000] =	vst v63  }
0x6d: {  	_ = 	snop  }
0x6e: {  	[spmem:s3] =	stream.indirect.scatter.add.f32 [tilespmem:s13], [sflag:$0x1], $0x80, s25, s14, $0xb8;
	[tilespmem:$0x19000] =	vst v63  }
0x6f: {  	_ = 	snop  }
0x70: {  	[spmem:s3] =	stream.indirect.scatter.add.f32 [tilespmem:s13], [sflag:$0x1], $0x80, s26, s14, $0xb8;
	[tilespmem:$0x19000] =	vst v63  }
0x71: {  	_ = 	snop  }
0x72: {  	[spmem:s3] =	stream.indirect.scatter.add.f32 [tilespmem:s13], [sflag:$0x1], $0x80, s28, s14, $0xb8;
	[tilespmem:$0x19000] =	vst v63  }
0x73: {  	_ = 	snop  }
0x74: {  	[spmem:s3] =	stream.indirect.scatter.add.f32 [tilespmem:s13], [sflag:$0x1], $0x80, s29, s14, $0xb8;
	[tilespmem:$0x19000] =	vst v63  }
0x75: {  	_ =	swait.ge [sflag:s30], $0x4000  }
0x76: {  	s0 =	simm.s32 $0x27;
	[sflag:s30] =	ssyncset.done $0x0  }
.LBB2_2:
0x77: {  	p0 =	sne.s32 s0, $0x1;
	s0 =	sadd.s32 $0xFFFFFFFF, s0;
	[sflag:s30] =	ssyncadd.s32 $0xFFFFC000  }
.Ltmp0:
0x78: {  	(pc) =	sbr.rel @p0 .LBB2_2-.Ltmp0, $3  }
0x79: {  	_ =	sdelay $0x1  }
0x7a: {  	_ =	swait.ge [sflag:s30], $0x4000  }
0x7b: {  	[sflag:s30] =	ssyncset.done $0x0  }
0x7c: {  	[sflag:s30] =	ssyncadd.s32 $0xFFFFC000;
	s0 =	rddreg [dreg:$0x8]  }
0x7d: {  	[tilespmem:s4], [sflag:$0x2] =	stream.linear.gather [hbm4b:s0+s4], $0x1400, $0x38;
	[tilespmem:$0x19000] =	vst v63  }
0x7e: {  	_ =	swait.ge [sflag:s12], $0x1400  }
0x7f: {  	[sflag:s12] =	ssyncset.done $0x0  }
0x80: {  	[sflag:s12] =	ssyncadd.s32 $0xFFFFEC00  }
0x81: {  	[spmem:s3] =	stream.indirect.scatter.add.f32 [tilespmem:s13], [sflag:$0x1], $0x80, s4, s14, $0xb8;
	[tilespmem:$0x19000] =	vst v63  }
0x82: {  	_ = 	snop  }
0x83: {  	[spmem:s3] =	stream.indirect.scatter.add.f32 [tilespmem:s13], [sflag:$0x1], $0x80, s14, s14, $0xb8;
	[tilespmem:$0x19000] =	vst v63  }
0x84: {  	s0 =	simm.s32 $0x100  }
0x85: {  	[spmem:s3] =	stream.indirect.scatter.add.f32 [tilespmem:s13], [sflag:$0x1], $0x80, s0, s14, $0xb8;
	[tilespmem:$0x19000] =	vst v63  }
0x86: {  	s0 =	simm.s32 $0x180  }
0x87: {  	[spmem:s3] =	stream.indirect.scatter.add.f32 [tilespmem:s13], [sflag:$0x1], $0x80, s0, s14, $0xb8;
	[tilespmem:$0x19000] =	vst v63  }
0x88: {  	s0 =	simm.s32 $0x200  }
0x89: {  	[spmem:s3] =	stream.indirect.scatter.add.f32 [tilespmem:s13], [sflag:$0x1], $0x80, s0, s14, $0xb8;
	[tilespmem:$0x19000] =	vst v63  }
0x8a: {  	s0 =	simm.s32 $0x280  }
0x8b: {  	[spmem:s3] =	stream.indirect.scatter.add.f32 [tilespmem:s13], [sflag:$0x1], $0x80, s0, s14, $0xb8;
	[tilespmem:$0x19000] =	vst v63  }
0x8c: {  	s0 =	simm.s32 $0x300  }
0x8d: {  	[spmem:s3] =	stream.indirect.scatter.add.f32 [tilespmem:s13], [sflag:$0x1], $0x80, s0, s14, $0xb8;
	[tilespmem:$0x19000] =	vst v63  }
0x8e: {  	s0 =	simm.s32 $0x380  }
0x8f: {  	[spmem:s3] =	stream.indirect.scatter.add.f32 [tilespmem:s13], [sflag:$0x1], $0x80, s0, s14, $0xb8;
	[tilespmem:$0x19000] =	vst v63  }
0x90: {  	s0 =	simm.s32 $0x400  }
0x91: {  	[spmem:s3] =	stream.indirect.scatter.add.f32 [tilespmem:s13], [sflag:$0x1], $0x80, s0, s14, $0xb8;
	[tilespmem:$0x19000] =	vst v63  }
0x92: {  	s0 =	simm.s32 $0x480  }
0x93: {  	[spmem:s3] =	stream.indirect.scatter.add.f32 [tilespmem:s13], [sflag:$0x1], $0x80, s0, s14, $0xb8;
	[tilespmem:$0x19000] =	vst v63  }
0x94: {  	s0 =	simm.s32 $0x500  }
0x95: {  	[spmem:s3] =	stream.indirect.scatter.add.f32 [tilespmem:s13], [sflag:$0x1], $0x80, s0, s14, $0xb8;
	[tilespmem:$0x19000] =	vst v63  }
0x96: {  	s0 =	simm.s32 $0x580  }
0x97: {  	[spmem:s3] =	stream.indirect.scatter.add.f32 [tilespmem:s13], [sflag:$0x1], $0x80, s0, s14, $0xb8;
	[tilespmem:$0x19000] =	vst v63  }
0x98: {  	s0 =	simm.s32 $0x600  }
0x99: {  	[spmem:s3] =	stream.indirect.scatter.add.f32 [tilespmem:s13], [sflag:$0x1], $0x80, s0, s14, $0xb8;
	[tilespmem:$0x19000] =	vst v63  }
0x9a: {  	s0 =	simm.s32 $0x680  }
0x9b: {  	[spmem:s3] =	stream.indirect.scatter.add.f32 [tilespmem:s13], [sflag:$0x1], $0x80, s0, s14, $0xb8;
	[tilespmem:$0x19000] =	vst v63  }
0x9c: {  	s0 =	simm.s32 $0x700  }
0x9d: {  	[spmem:s3] =	stream.indirect.scatter.add.f32 [tilespmem:s13], [sflag:$0x1], $0x80, s0, s14, $0xb8;
	[tilespmem:$0x19000] =	vst v63  }
0x9e: {  	s0 =	simm.s32 $0x780  }
0x9f: {  	[spmem:s3] =	stream.indirect.scatter.add.f32 [tilespmem:s13], [sflag:$0x1], $0x80, s0, s14, $0xb8;
	[tilespmem:$0x19000] =	vst v63  }
0xa0: {  	s0 =	simm.s32 $0x800  }
0xa1: {  	[spmem:s3] =	stream.indirect.scatter.add.f32 [tilespmem:s13], [sflag:$0x1], $0x80, s0, s14, $0xb8;
	[tilespmem:$0x19000] =	vst v63  }
0xa2: {  	s0 =	simm.s32 $0x880  }
0xa3: {  	[spmem:s3] =	stream.indirect.scatter.add.f32 [tilespmem:s13], [sflag:$0x1], $0x80, s0, s14, $0xb8;
	[tilespmem:$0x19000] =	vst v63  }
0xa4: {  	s0 =	simm.s32 $0x900  }
0xa5: {  	[spmem:s3] =	stream.indirect.scatter.add.f32 [tilespmem:s13], [sflag:$0x1], $0x80, s0, s14, $0xb8;
	[tilespmem:$0x19000] =	vst v63  }
0xa6: {  	_ = 	snop  }
0xa7: {  	[spmem:s3] =	stream.indirect.scatter.add.f32 [tilespmem:s13], [sflag:$0x1], $0x80, s1, s14, $0xb8;
	[tilespmem:$0x19000] =	vst v63  }
0xa8: {  	_ = 	snop  }
0xa9: {  	[spmem:s3] =	stream.indirect.scatter.add.f32 [tilespmem:s13], [sflag:$0x1], $0x80, s2, s14, $0xb8;
	[tilespmem:$0x19000] =	vst v63  }
0xaa: {  	_ = 	snop  }
0xab: {  	[spmem:s3] =	stream.indirect.scatter.add.f32 [tilespmem:s13], [sflag:$0x1], $0x80, s5, s14, $0xb8;
	[tilespmem:$0x19000] =	vst v63  }
0xac: {  	_ = 	snop  }
0xad: {  	[spmem:s3] =	stream.indirect.scatter.add.f32 [tilespmem:s13], [sflag:$0x1], $0x80, s7, s14, $0xb8;
	[tilespmem:$0x19000] =	vst v63  }
0xae: {  	_ = 	snop  }
0xaf: {  	[spmem:s3] =	stream.indirect.scatter.add.f32 [tilespmem:s13], [sflag:$0x1], $0x80, s8, s14, $0xb8;
	[tilespmem:$0x19000] =	vst v63  }
0xb0: {  	_ = 	snop  }
0xb1: {  	[spmem:s3] =	stream.indirect.scatter.add.f32 [tilespmem:s13], [sflag:$0x1], $0x80, s9, s14, $0xb8;
	[tilespmem:$0x19000] =	vst v63  }
0xb2: {  	_ = 	snop  }
0xb3: {  	[spmem:s3] =	stream.indirect.scatter.add.f32 [tilespmem:s13], [sflag:$0x1], $0x80, s10, s14, $0xb8;
	[tilespmem:$0x19000] =	vst v63  }
0xb4: {  	_ = 	snop  }
0xb5: {  	[spmem:s3] =	stream.indirect.scatter.add.f32 [tilespmem:s13], [sflag:$0x1], $0x80, s15, s14, $0xb8;
	[tilespmem:$0x19000] =	vst v63  }
0xb6: {  	_ = 	snop  }
0xb7: {  	[spmem:s3] =	stream.indirect.scatter.add.f32 [tilespmem:s13], [sflag:$0x1], $0x80, s16, s14, $0xb8;
	[tilespmem:$0x19000] =	vst v63  }
0xb8: {  	_ = 	snop  }
0xb9: {  	[spmem:s3] =	stream.indirect.scatter.add.f32 [tilespmem:s13], [sflag:$0x1], $0x80, s17, s14, $0xb8;
	[tilespmem:$0x19000] =	vst v63  }
0xba: {  	_ = 	snop  }
0xbb: {  	[spmem:s3] =	stream.indirect.scatter.add.f32 [tilespmem:s13], [sflag:$0x1], $0x80, s18, s14, $0xb8;
	[tilespmem:$0x19000] =	vst v63  }
0xbc: {  	_ = 	snop  }
0xbd: {  	[spmem:s3] =	stream.indirect.scatter.add.f32 [tilespmem:s13], [sflag:$0x1], $0x80, s19, s14, $0xb8;
	[tilespmem:$0x19000] =	vst v63  }
0xbe: {  	_ = 	snop  }
0xbf: {  	[spmem:s3] =	stream.indirect.scatter.add.f32 [tilespmem:s13], [sflag:$0x1], $0x80, s20, s14, $0xb8;
	[tilespmem:$0x19000] =	vst v63  }
0xc0: {  	_ = 	snop  }
0xc1: {  	[spmem:s3] =	stream.indirect.scatter.add.f32 [tilespmem:s13], [sflag:$0x1], $0x80, s21, s14, $0xb8;
	[tilespmem:$0x19000] =	vst v63  }
0xc2: {  	_ = 	snop  }
0xc3: {  	[spmem:s3] =	stream.indirect.scatter.add.f32 [tilespmem:s13], [sflag:$0x1], $0x80, s22, s14, $0xb8;
	[tilespmem:$0x19000] =	vst v63  }
0xc4: {  	_ = 	snop  }
0xc5: {  	[spmem:s3] =	stream.indirect.scatter.add.f32 [tilespmem:s13], [sflag:$0x1], $0x80, s23, s14, $0xb8;
	[tilespmem:$0x19000] =	vst v63  }
0xc6: {  	_ = 	snop  }
0xc7: {  	[spmem:s3] =	stream.indirect.scatter.add.f32 [tilespmem:s13], [sflag:$0x1], $0x80, s24, s14, $0xb8;
	[tilespmem:$0x19000] =	vst v63  }
0xc8: {  	_ = 	snop  }
0xc9: {  	[spmem:s3] =	stream.indirect.scatter.add.f32 [tilespmem:s13], [sflag:$0x1], $0x80, s25, s14, $0xb8;
	[tilespmem:$0x19000] =	vst v63  }
0xca: {  	_ = 	snop  }
0xcb: {  	[spmem:s3] =	stream.indirect.scatter.add.f32 [tilespmem:s13], [sflag:$0x1], $0x80, s26, s14, $0xb8;
	[tilespmem:$0x19000] =	vst v63  }
0xcc: {  	_ = 	snop  }
0xcd: {  	[spmem:s3] =	stream.indirect.scatter.add.f32 [tilespmem:s13], [sflag:$0x1], $0x80, s28, s14, $0xb8;
	[tilespmem:$0x19000] =	vst v63  }
0xce: {  	_ = 	snop  }
0xcf: {  	[spmem:s3] =	stream.indirect.scatter.add.f32 [tilespmem:s13], [sflag:$0x1], $0x80, s29, s14, $0xb8;
	[tilespmem:$0x19000] =	vst v63  }
0xd0: {  	_ =	swait.ge [sflag:s30], $0x4000  }
0xd1: {  	s0 =	simm.s32 $0x27;
	[sflag:s30] =	ssyncset.done $0x0  }
.LBB2_4:
0xd2: {  	p0 =	sne.s32 s0, $0x1;
	s0 =	sadd.s32 $0xFFFFFFFF, s0;
	[sflag:s30] =	ssyncadd.s32 $0xFFFFC000  }
.Ltmp1:
0xd3: {  	(pc) =	sbr.rel @p0 .LBB2_4-.Ltmp1, $3  }
0xd4: {  	_ =	sdelay $0x1  }
0xd5: {  	_ =	swait.ge [sflag:s30], $0x4000  }
0xd6: {  	[sflag:s30] =	ssyncset.done $0x0  }
0xd7: {  	[sflag:s30] =	ssyncadd.s32 $0xFFFFC000  }
0xd8: {  	[bflag:$0x0] =	sbarrier.arrive $0xFFFF  }
0xd9: {  	s0 =	rddreg [dreg:$0x5]  }
0xda: {  	[hbm:s0], [sflag:s6] =	dma.local [spmem:s11], $0x2780  }
0xdb: {  	_ =	swait.ge [sflag:s12], $0x2780  }
0xdc: {  	s31 =	sadd.s32 $0x1, s31;
	s0 =	rddreg [dreg:$0x6]  }
0xdd: {  	p0 =	sne.s32 s31, s0  }
.Ltmp2:
0xde: {  	_ = 	snop;
	(pc) =	sbr.rel @p0 .LBB2_1-.Ltmp2, $3  }
0xdf: {  	_ =	sdelay $0x1  }
0xe0: {  	[sflag:s12] =	ssyncset.done $0x0  }
0xe1: {  	[sflag:s12] =	ssyncadd.s32 $0xFFFFD880  }
0xe2: {  	_ =	sfence.sel $0x180000  }
0xe3: {  	[bflag:$0x0] =	sbarrier.arrive $0xFFFF  }
0xe4: {  	_ =	strace $0x90000047  }
0xe5: {  	s0 =	stileid.u32;
	[bflag:$0x2] =	sbarrier.arrive $0xFFFF  }
0xe6: {  	p0 =	sne.s32 s0, $0x0;
	s0 =	rddreg [dreg:$0x3]  }
0xe7: {  	s0 =	sadd.s32 @!p0 $0x100000, s0  }
0xe8: {  	[sflag:s0] =	ssyncadd.tile.s32 @!p0 $0x1;
	_ =	shalt  }
.Lfunc_end2:
_tile_overlayer_lowered:
.L_overlay_start_2:
0xe9: {  	(tag) =	ssettag $0x2  }
0xea: {  	s0 =	rddreg [dreg:$0x0];
	s2 =	stileid.u32  }
0xeb: {  	s1 =	rddreg [dreg:$0x1];
	p0 =	sne.s32 s2, $0x0  }
0xec: {  	s3 =	rddreg [dreg:$0x2];
	[bflag:$0x3] =	sbarrier.arrive $0xFFFF;
	s2 =	simm.s32 @!p0 $0x1C02  }
0xed: {  	[timem:s3], [sflag:s2] =	dma.local @!p0 [hbm:s0], s1  }
0xee: {  	s0 =	simm.s32 @!p0 $0x2  }
0xef: {  	_ =	swait.ge @!p0 [sflag:s0], s1  }
0xf0: {  	s1 =	ssub.s32 @!p0 $0x0, s1;
	[sflag:s0] =	ssyncset.done @!p0 $0x0  }
0xf1: {  	[sflag:s0] =	ssyncadd.s32 @!p0 s1  }
0xf2: {  	[bflag:$0x3] =	sbarrier.arrive $0xFFFF  }
0xf3: {  	_ =	shalt  }

// kernel: kernel.13.cloned.1.call-start
scs
__scs_entry_jumppad:
0x0: {  	(pc) =	sbr.rel $0x88, $3  }
0x1: {  	(tag) =	ssettag $0x0;
	lr =	simm.s32 $0x1  }
0x2: {  	[smem:$0x3F85] =	sst lr;
	_ =	strace $0xD0000000  }
0x3: {  	_ = 	snop  }
0x4: {  	_ = 	snop  }
0x5: {  	_ = 	snop  }
0x6: {  	_ = 	snop  }
0x7: {  	_ = 	snop  }
__scs_overlays_trampoline_lowered:
0x8: {  	[smem:$0x3F94] =	sst s0  }
0x9: {  	[smem:$0x3F95] =	sst s1  }
0xa: {  	[smem:$0x3F96] =	sst s2  }
0xb: {  	[smem:$0x3F97] =	sst s3  }
0xc: {  	[smem:$0x3F98] =	sst s4  }
0xd: {  	[smem:$0x3F99] =	sst s5  }
0xe: {  	[smem:$0x3F9A] =	sst s6  }
0xf: {  	[smem:$0x3F9B] =	sst s7  }
0x10: {  	[smem:$0x3F9C] =	sst s8  }
0x11: {  	[smem:$0x3F9D] =	sst s9;
	s0 =	simm.s32 @!p0 $0x0  }
0x12: {  	s1 =	sld [smem:$0x3F83];
	s0 =	simm.s32 @p0 $0x1  }
0x13: {  	[smem:$0x3F9E] =	sst s0;
	s0 =	simm.s32 @!p1 $0x0  }
0x14: {  	s2 =	sld [smem:$0x3F82];
	s0 =	simm.s32 @p1 $0x1  }
0x15: {  	[smem:$0x3F9F] =	sst s0;
	s0 =	simm.s32 @!p2 $0x0  }
0x16: {  	s3 =	sld [smem:$0x3FDB];
	s0 =	simm.s32 @p2 $0x1  }
0x17: {  	s4 =	simm.s32 $0x1BF5;
	[smem:$0x3FA1] =	sst s0  }
0x18: {  	s0 =	sld [smem:$0x3F84];
	_ =	swait.ge [sflag:s4], $0x0  }
0x19: {  	s7 =	sld [smem:$0x3F85]  }
0x1a: {  	s8 =	sadd.s32 $0xFFFFE003, lr  }
0x1b: {  	s9 =	sadd.s32 $0xFFFFFEF7, lr;
	s5 =	simm.s32 $0xFFFFFFFF;
	p2 =	slt.u32 s8, $0xFFFFF086  }
0x1c: {  	p1 =	slt.u32 s9, $0xF7A;
	s5 =	simm.s32 @!p2 $0x0  }
0x1d: {  	s5 =	simm.s32 @p1 $0x1;
	p0 =	seq.s32 s7, s2  }
0x1e: {  	s7 =	smul.u32 @!p0 $0xF7A, s2;
	p2 =	seq.s32 @!p0 s5, $0x0  }
0x1f: {  	s9 =	smul.u32 $0xF7A, s1;
	s8 =	simm.s32 @!p0 $0x1BF5;
	p2 =	por !p2, p0  }
0x20: {  	[sflag:s8] =	ssyncset.s32 @!p0 $0xFFFFF086;
	s6 =	sadd.s32 @!p0 s3, s7;
	s7 =	simm.s32 @!p0 $0x108  }
0x21: {  	s3 =	sadd.s32 s3, s9;
	s6 =	sadd.s32 @!p0 $0x88, s6;
	s7 =	simm.s32 @p2 $0x1082  }
0x22: {  	[simem:s7], [sflag:s8] =	dma.local @!p0 [hbm:s6], $0xF7A  }
0x23: {  	s9 =	sor.u32 $0xD0000000, s2;
	s6 =	simm.s32 $0x108;
	_ =	swait.ge @!p0 [sflag:s8], $0x0  }
0x24: {  	s3 =	sadd.s32 $0x88, s3;
	s6 =	simm.s32 @!p1 $0x1082;
	[sflag:s4] =	ssyncset.s32 $0xFFFFF086  }
0x25: {  	[simem:s6], [sflag:s4] =	dma.local [hbm:s3], $0xF7A  }
0x26: {  	[smem:$0x3F85] =	sst s1;
	(tag) =	ssettag s2;
	_ =	strace s9  }
0x27: {  	s1 =	sld [smem:$0x3F95]  }
0x28: {  	s2 =	sld [smem:$0x3F96]  }
0x29: {  	s4 =	sld [smem:$0x3F98]  }
0x2a: {  	p0 =	seq.s32 s5, $0x0;
	s5 =	sld [smem:$0x3F99]  }
0x2b: {  	s6 =	sld [smem:$0x3F9A]  }
0x2c: {  	s7 =	sld [smem:$0x3F9B]  }
0x2d: {  	s3 =	simm.s32 $0x108;
	s8 =	sld [smem:$0x3F9C]  }
0x2e: {  	s3 =	simm.s32 @!p0 $0x1082;
	s9 =	sld [smem:$0x3F9D]  }
0x2f: {  	lr =	sadd.s32 s0, s3;
	s0 =	sld [smem:$0x3F94]  }
0x30: {  	s3 =	sld [smem:$0x3F97]  }
0x31: {  	[smem:$0x3FA0] =	sst s10  }
0x32: {  	s10 =	sld [smem:$0x3F9E];
	_ =	sdelay $0x3  }
0x33: {  	p0 =	seq.s32 s10, $0x1;
	s10 =	sld [smem:$0x3FA0];
	_ =	sdelay $0x3  }
0x34: {  	[smem:$0x3FA0] =	sst s10  }
0x35: {  	s10 =	sld [smem:$0x3F9F];
	_ =	sdelay $0x3  }
0x36: {  	p1 =	seq.s32 s10, $0x1;
	s10 =	sld [smem:$0x3FA0];
	_ =	sdelay $0x3  }
0x37: {  	[smem:$0x3FA0] =	sst s10  }
0x38: {  	s10 =	sld [smem:$0x3FA1]  }
0x39: {  	_ = 	snop;
	(pc) =	sbr.ind lr, $3  }
0x3a: {  	_ = 	snop  }
0x3b: {  	_ = 	snop  }
0x3c: {  	p2 =	seq.s32 s10, $0x1;
	s10 =	sld [smem:$0x3FA0]  }
0x3d: {  	_ =	shalt  }
0x3e: {  	_ =	shalt  }
0x3f: {  	_ =	shalt  }
0x40: {  	_ =	shalt  }
0x41: {  	_ =	shalt  }
0x42: {  	_ =	shalt  }
0x43: {  	_ =	shalt  }
0x44: {  	_ =	shalt  }
0x45: {  	_ =	shalt  }
0x46: {  	_ =	shalt  }
0x47: {  	_ =	shalt  }
0x48: {  	_ =	shalt  }
0x49: {  	_ =	shalt  }
0x4a: {  	_ =	shalt  }
0x4b: {  	_ =	shalt  }
0x4c: {  	_ =	shalt  }
0x4d: {  	_ =	shalt  }
0x4e: {  	_ =	shalt  }
0x4f: {  	_ =	shalt  }
0x50: {  	_ =	shalt  }
0x51: {  	_ =	shalt  }
0x52: {  	_ =	shalt  }
0x53: {  	_ =	shalt  }
0x54: {  	_ =	shalt  }
0x55: {  	_ =	shalt  }
0x56: {  	_ =	shalt  }
0x57: {  	_ =	shalt  }
0x58: {  	_ =	shalt  }
0x59: {  	_ =	shalt  }
0x5a: {  	_ =	shalt  }
0x5b: {  	_ =	shalt  }
0x5c: {  	_ =	shalt  }
0x5d: {  	_ =	shalt  }
0x5e: {  	_ =	shalt  }
0x5f: {  	_ =	shalt  }
0x60: {  	_ =	shalt  }
0x61: {  	_ =	shalt  }
0x62: {  	_ =	shalt  }
0x63: {  	_ =	shalt  }
0x64: {  	_ =	shalt  }
0x65: {  	_ =	shalt  }
0x66: {  	_ =	shalt  }
0x67: {  	_ =	shalt  }
0x68: {  	_ =	shalt  }
0x69: {  	_ =	shalt  }
0x6a: {  	_ =	shalt  }
0x6b: {  	_ =	shalt  }
0x6c: {  	_ =	shalt  }
0x6d: {  	_ =	shalt  }
0x6e: {  	_ =	shalt  }
0x6f: {  	_ =	shalt  }
0x70: {  	_ =	shalt  }
0x71: {  	_ =	shalt  }
0x72: {  	_ =	shalt  }
0x73: {  	_ =	shalt  }
0x74: {  	_ =	shalt  }
0x75: {  	_ =	shalt  }
0x76: {  	_ =	shalt  }
0x77: {  	_ =	shalt  }
0x78: {  	_ =	shalt  }
0x79: {  	_ =	shalt  }
0x7a: {  	_ =	shalt  }
0x7b: {  	_ =	shalt  }
0x7c: {  	_ =	shalt  }
0x7d: {  	_ =	shalt  }
0x7e: {  	_ =	shalt  }
0x7f: {  	_ =	shalt  }
0x80: {  	_ =	shalt  }
0x81: {  	_ =	shalt  }
0x82: {  	_ =	shalt  }
0x83: {  	_ =	shalt  }
0x84: {  	_ =	shalt  }
0x85: {  	_ =	shalt  }
0x86: {  	_ =	shalt  }
0x87: {  	_ =	shalt  }
.Lfunc_end0:
.L_simem_size_0:
called_computation.1_lowered:
.L_overlay_start_0:
0x88: {  	s2 =	sld [smem:$0x3FD9]  }
0x89: {  	s3 =	sld [smem:$0x3FFE];
	_ =	sdelay $0x1  }
0x8a: {  	s1 =	srdreg.scid  }
0x8b: {  	s0 =	sand.u32 $0x1, s1  }
0x8c: {  	s17 =	sshll.u32 s0, $0xA;
	s2 =	sadd.s32 s3, s2  }
0x8d: {  	s2 =	sadd.s32 s2, s17  }
0x8e: {  	[smem:$0x3FAC] =	sst s2  }
0x8f: {  	_ = 	snop  }
0x90: {  	s18 =	sld [smem:$0x3FC8];
	(tm) =	ssettm $0x1  }
0x91: {  	s19 =	sld [smem:$0x3FFB];
	_ =	sdelay $0x3  }
0x92: {  	_ =	strace s19  }
0x93: {  	s2 =	sld [smem:$0x3FFC];
	_ =	sdelay $0x3  }
0x94: {  	_ =	strace s2  }
0x95: {  	s2 =	sld [smem:$0x3FFD];
	_ =	sdelay $0x3  }
0x96: {  	_ =	strace s2  }
0x97: {  	_ =	strace $0x8FFFFFFF  }
0x98: {  	s20 =	sld [smem:$0x3FDB];
	_ =	sdelay $0x1  }
0x99: {  	s4 =	simm.s32 $_scs_section_size  }
0x9a: {  	s5 =	simm.s32 $_size__tile_overlayer_lowered;
	s6 =	simm.s32 $_tile_overlayer_lowered  }
0x9b: {  	s7 =	simm.s32 $0x1BFF;
	s21 =	sshll.u32 s6, $0x1;
	s4 =	sadd.s32 s4, s20  }
0x9c: {  	s22 =	simm.s32 $0x0;
	s5 =	sshll.u32 s5, $0x1;
	s6 =	sadd.s32 s21, s4  }
0x9d: {  	[timem:s22], [sflag:s7] =	dma.local [hbm:s6], s5  }
0x9e: {  	_ =	swait.ge [sflag:s7], s5  }
0x9f: {  	s5 =	ssub.s32 $0x0, s5;
	[sflag:s7] =	ssyncset.done $0x0  }
0xa0: {  	[sflag:s7] =	ssyncadd.s32 s5;
	_ =	sdelay $0x1  }
0xa1: {  	s23 =	simm.s32 $0x1B8B  }
0xa2: {  	_ =	swait.ge [sflag:s23], $0x1  }
0xa3: {  	[sflag:s23] =	ssyncset.done $0x0  }
0xa4: {  	[sflag:s23] =	ssyncadd.s32 $0xFFFFFFFF  }
0xa5: {  	s5 =	sld [smem:$0x0]  }
0xa6: {  	s6 =	sand.u32 $0xFFFFFFFE, s1  }
0xa7: {  	p0 =	sne.s32 s1, s6  }
0xa8: {  	s6 =	sshll.u32 @p0 s6, $0xE  }
0xa9: {  	s6 =	sadd.s32 @p0 $0x11B8D, s6;
	s7 =	sshll.u32 @p0 s5, $0x11  }
0xaa: {  	s6 =	sor.u32 @p0 s7, s6  }
0xab: {  	[sflag:s6] =	ssyncadd.remote.s32 @p0 $0x1;
	_ =	sdelay $0x1  }
0xac: {  	s6 =	simm.s32 @p0 $0x1B8D  }
0xad: {  	_ =	swait.eq @p0 [sflag:s6], $0x1  }
0xae: {  	[sflag:s6] =	ssyncadd.s32 @p0 $0xFFFFFFFF  }
0xaf: {  	s7 =	sshll.u32 @!p0 s1, $0xE  }
0xb0: {  	s7 =	sor.u32 @!p0 $0x4000, s7;
	s6 =	simm.s32 @!p0 $0x1B8D  }
0xb1: {  	s5 =	sshll.u32 @!p0 s5, $0x11;
	s7 =	sadd.s32 @!p0 $0x11B8D, s7;
	_ =	swait.eq @!p0 [sflag:s6], $0x1  }
0xb2: {  	s5 =	sor.u32 @!p0 s5, s7;
	[sflag:s6] =	ssyncadd.s32 @!p0 $0xFFFFFFFF  }
0xb3: {  	s25 =	simm.s32 $0x1B8E;
	s24 =	sld [smem:$0x3FFE];
	[sflag:s5] =	ssyncadd.remote.s32 @!p0 $0x1  }
0xb4: {  	s26 =	simm.s32 $execute0_lowered;
	[smem:$0x3FD2] =	sst s25  }
0xb5: {  	s6 =	sshll.u32 s26, $0x1;
	_ =	strace $0x80000049;
	[dreg:$0x1] =	wrdreg $0xFFFFFFFF  }
0xb6: {  	s28 =	simm.s32 $_size_execute0_lowered;
	s4 =	sadd.s32 s4, s6;
	[dreg:$0x0] =	wrdreg $0x0  }
0xb7: {  	s6 =	sshll.u32 s28, $0x1;
	[dreg:$0x2] =	wrdreg s4  }
0xb8: {  	[dreg:$0x3] =	wrdreg s6  }
0xb9: {  	[dreg:$0x4] =	wrdreg $0xC0  }
0xba: {  	_ =	task [dreg:s22], $0x5FFFF  }
0xbb: {  	[dreg:$0x1] =	wrdreg $0xFFFFFFFF  }
0xbc: {  	[dreg:$0x0] =	wrdreg $0x60  }
0xbd: {  	[dreg:$0x2] =	wrdreg s18  }
0xbe: {  	[dreg:$0x3] =	wrdreg s24  }
0xbf: {  	[dreg:$0x4] =	wrdreg $0xA8000  }
0xc0: {  	[dreg:$0x5] =	wrdreg $0xB  }
0xc1: {  	_ =	task.clear_ibuf [dreg:s22], $0x6FFFF;
	_ =	strace $0x90000049  }
0xc2: {  	s29 =	simm.s32 $0xB;
	_ =	strace $0x8000004B  }
0xc3: {  	_ =	swait.ge [sflag:s29], $0x1  }
0xc4: {  	[sflag:s29] =	ssyncadd.s32 $0xFFFFFFFF  }
0xc5: {  	_ =	strace $0x9000004B  }
0xc6: {  	_ =	sfence  }
0xc7: {  	s30 =	sld [smem:$0x0];
	_ =	sdelay $0x2  }
0xc8: {  	s31 =	sshll.u32 s1, $0xD;
	s1 =	sshrl.u32 s1, $0x2  }
0xc9: {  	s4 =	sand.u32 $0x4000, s31;
	s1 =	sadd.s32 s1, s30  }
0xca: {  	s0 =	sor.u32 s4, s0;
	s1 =	sshll.u32 s1, $0x11  }
0xcb: {  	s0 =	sor.u32 s1, s0  }
0xcc: {  	s0 =	sadd.s32 $0x8F2B, s0  }
0xcd: {  	[sflag:s0] =	ssyncadd.remote.s32 $0x1  }
0xce: {  	_ =	sfence.sel $0xFFFF  }
0xcf: {  	[dreg:$0x0] =	wrdreg $0xFFFFFFFF;
	(pc) =	sbr.abs _section_cstart, $3  }
0xd0: {  	[dreg:$0x1] =	wrdreg $0xFFFFFFFF  }
0xd1: {  	_ =	task.clear_ibuf [dreg:s22], $0x2FFFF;
	_ =	strace $0x9FFFFFFF  }
0xd2: {  	(tm) =	ssettm $0x7FFFFFFF  }
0xd3: {  	_ =	shalt  }
tec
execute0_lowered:
.L_overlay_start_1:
0x0: {  	(tag) =	ssettag $0x1  }
0x1: {  	s1 =	rddreg [dreg:$0x0]  }
0x2: {  	s6 =	rddreg [dreg:$0x1]  }
0x3: {  	s2 =	rddreg [dreg:$0x2];
	s3 =	srdreg.scid  }
0x4: {  	s0 =	rddreg [dreg:$0x3];
	s4 =	simm.s32 $0x0;
	s15 =	simm.s32 $0x1400  }
0x5: {  	s16 =	simm.s32 $0x80;
	s17 =	simm.s32 $0x2800;
	s18 =	simm.s32 $0x6800  }
0x6: {  	s19 =	simm.s32 $0x1;
	s20 =	simm.s32 $0x2;
	s21 =	simm.s32 $0x2780  }
0x7: {  	s22 =	simm.s32 $0x0;
	s7 =	sand.u32 $0x1, s3;
	s3 =	stileid.u32  }
0x8: {  	[smem:$0x7FF] =	sst s4;
	s11 =	sadd.s32 $0x6800, s6;
	s8 =	smul.u32 $0x13C000, s7  }
0x9: {  	s12 =	sadd.s32 $0x10800, s6;
	s5 =	sadd.s32 $0x1A800, s6;
	s9 =	smul.u32 $0x13C00, s3  }
0xa: {  	_ =	strace $0x8000004A;
	s25 =	ssub.s32 $0x2, s7;
	s10 =	smul.u32 $0x4F000, s3  }
0xb: {  	s13 =	sshll.u32 s3, $0x1;
	s31 =	sshll.u32 s3, $0x6;
	s26 =	sshrl.u32 s25, $0x1  }
0xc: {  	s28 =	sor.u32 s7, s13;
	s8 =	sadd.s32 s9, s8;
	s9 =	ssub.s32 s25, s26  }
0xd: {  	s29 =	sshrl.u32 s10, $0x2;
	s14 =	smul.u32 $0x500, s28;
	s8 =	sshrl.u32 s8, $0x3  }
0xe: {  	s30 =	sadd.s32 s29, s2;
	s8 =	sadd.s32 s8, s6;
	s6 =	sor.u32 $0x1C03, s31  }
0xf: {  	s10 =	sadd.s32 s12, s14;
	s13 =	sshrl.u32 s30, $0x3;
	s7 =	sadd.s32 $0x6C000, s8  }
0x10: {  	s8 =	smax.u32 s9, $0x1;
	s9 =	sadd.s32 s11, s14;
	s14 =	sadd.s32 $0x280, s14  }
0x11: {  	s11 =	sadd.s32 s11, s14;
	s12 =	sadd.s32 s12, s14;
	s14 =	simm.s32 $0x3  }
.LBB2_1:
0x12: {  	[spmem:s13], [sflag:s6] =	dma.local [hbm:s5], $0x2780  }
0x13: {  	_ =	swait.ge [sflag:s14], $0x2780  }
0x14: {  	[sflag:s14] =	ssyncset.done $0x0  }
0x15: {  	[sflag:s14] =	ssyncadd.s32 $0xFFFFD880  }
0x16: {  	[bflag:$0x0] =	sbarrier.arrive $0xFFFF  }
0x17: {  	[tilespmem:s4], [sflag:$0x3] =	stream.linear.gather [hbm4b:s9+s4], $0x1400, $0x38;
	[tilespmem:$0x1E400] =	vst v63  }
0x18: {  	_ =	swait.ge [sflag:s14], $0x1400  }
0x19: {  	[sflag:s14] =	ssyncset.done $0x0  }
0x1a: {  	[sflag:s14] =	ssyncadd.s32 $0xFFFFEC00  }
0x1b: {  	[tilespmem:s15], [sflag:$0x3] =	stream.linear.gather [hbm4b:s10+s4], $0x1400, $0x38;
	[tilespmem:$0x1E400] =	vst v63  }
0x1c: {  	_ =	swait.ge [sflag:s14], $0x1400  }
0x1d: {  	[sflag:s14] =	ssyncset.done $0x0  }
0x1e: {  	[sflag:s14] =	ssyncadd.s32 $0xFFFFEC00  }
0x1f: {  	[tilespmem:s17], [sflag:$0x1] =	stream.indirect.gather [hbm4b:s1+s16], $0x80, s4, s16, $0xb8;
	[tilespmem:$0x1E400] =	vst v63  }
0x20: {  	_ =	swait.ge [sflag:s19], $0x4000  }
0x21: {  	[sflag:s19] =	ssyncset.done $0x0  }
0x22: {  	[sflag:s19] =	ssyncadd.s32 $0xFFFFC000  }
0x23: {  	[spmem:s2] =	stream.indirect.scatter.add.f32 [tilespmem:s17], [sflag:$0x2], $0x80, s15, s16, $0xb8;
	[tilespmem:$0x1E400] =	vst v63  }
0x24: {  	_ = 	snop  }
0x25: {  	[tilespmem:s18], [sflag:$0x1] =	stream.indirect.gather [hbm4b:s1+s16], $0x80, s16, s16, $0xb8;
	[tilespmem:$0x1E400] =	vst v63  }
0x26: {  	s23 =	simm.s32 $0x4000;
	_ =	swait.ge [sflag:s19], $0x4000  }
0x27: {  	s24 =	sand.u32 $0x4000, s23;
	[sflag:s19] =	ssyncset.done $0x0  }
0x28: {  	s30 =	simm.s32 $0x1480;
	s25 =	sor.u32 $0x2800, s24;
	[sflag:s19] =	ssyncadd.s32 $0xFFFFC000  }
0x29: {  	[spmem:s2] =	stream.indirect.scatter.add.f32 [tilespmem:s25], [sflag:$0x2], $0x80, s30, s16, $0xb8;
	[tilespmem:$0x1E400] =	vst v63  }
0x2a: {  	s26 =	simm.s32 $0x100;
	s23 =	simm.s32 $0x2;
	_ =	swait.ge [sflag:s20], $0x4000  }
0x2b: {  	s31 =	sxor.u32 $0x4000, s24;
	s24 =	simm.s32 $0x1500;
	[sflag:s20] =	ssyncset.done $0x0  }
0x2c: {  	s28 =	sor.u32 $0x2800, s31;
	s25 =	simm.s32 $0x180;
	[sflag:s20] =	ssyncadd.s32 $0xFFFFC000  }
.LBB2_2:
0x2d: {  	[tilespmem:s28], [sflag:$0x1] =	stream.indirect.gather [hbm4b:s1+s16], $0x80, s26, s16, $0xb8;
	[tilespmem:$0x1E400] =	vst v63  }
0x2e: {  	s26 =	sshll.u32 s23, $0xE;
	p0 =	sne.s32 s23, $0x26;
	_ =	swait.ge [sflag:s19], $0x4000  }
0x2f: {  	s23 =	sadd.s32 $0x1, s23;
	s26 =	sand.u32 $0x4000, s26;
	[sflag:s19] =	ssyncset.done $0x0  }
.Ltmp0:
0x30: {  	s28 =	sor.u32 $0x2800, s26;
	[sflag:s19] =	ssyncadd.s32 $0xFFFFC000;
	(pc) =	sbr.rel @p0 .LBB2_2-.Ltmp0, $4  }
0x31: {  	[spmem:s2] =	stream.indirect.scatter.add.f32 [tilespmem:s28], [sflag:$0x2], $0x80, s24, s16, $0xb8;
	[tilespmem:$0x1E400] =	vst v63  }
0x32: {  	s28 =	sxor.u32 $0x4000, s26;
	s26 =	smov.u32 s25;
	_ =	swait.ge [sflag:s20], $0x4000  }
0x33: {  	s24 =	sadd.s32 $0x80, s24;
	[sflag:s20] =	ssyncset.done $0x0  }
0x34: {  	s25 =	sadd.s32 $0x80, s25;
	s28 =	sor.u32 $0x2800, s28;
	[sflag:s20] =	ssyncadd.s32 $0xFFFFC000  }
0x35: {  	[tilespmem:s28], [sflag:$0x1] =	stream.indirect.gather [hbm4b:s1+s16], $0x80, s26, s16, $0xb8;
	[tilespmem:$0x1E400] =	vst v63  }
0x36: {  	s23 =	simm.s32 $0x1  }
0x37: {  	_ =	swait.ge [sflag:s23], $0x4000  }
0x38: {  	[sflag:s23] =	ssyncset.done $0x0  }
0x39: {  	[sflag:s23] =	ssyncadd.s32 $0xFFFFC000  }
0x3a: {  	[spmem:s2] =	stream.indirect.scatter.add.f32 [tilespmem:s18], [sflag:$0x2], $0x80, s21, s16, $0xb8;
	[tilespmem:$0x1E400] =	vst v63  }
0x3b: {  	_ =	swait.ge [sflag:s20], $0x4000  }
0x3c: {  	[sflag:s20] =	ssyncset.done $0x0  }
0x3d: {  	[sflag:s20] =	ssyncadd.s32 $0xFFFFC000  }
0x3e: {  	_ =	swait.ge [sflag:s20], $0x4000  }
0x3f: {  	[sflag:s20] =	ssyncset.done $0x0  }
0x40: {  	[sflag:s20] =	ssyncadd.s32 $0xFFFFC000  }
0x41: {  	[tilespmem:s4], [sflag:$0x3] =	stream.linear.gather [hbm4b:s11+s4], $0x1400, $0x38;
	[tilespmem:$0x1E400] =	vst v63  }
0x42: {  	_ =	swait.ge [sflag:s14], $0x1400  }
0x43: {  	[sflag:s14] =	ssyncset.done $0x0  }
0x44: {  	[sflag:s14] =	ssyncadd.s32 $0xFFFFEC00  }
0x45: {  	[tilespmem:s15], [sflag:$0x3] =	stream.linear.gather [hbm4b:s12+s4], $0x1400, $0x38;
	[tilespmem:$0x1E400] =	vst v63  }
0x46: {  	_ =	swait.ge [sflag:s14], $0x1400  }
0x47: {  	[sflag:s14] =	ssyncset.done $0x0  }
0x48: {  	[sflag:s14] =	ssyncadd.s32 $0xFFFFEC00  }
0x49: {  	[tilespmem:s17], [sflag:$0x1] =	stream.indirect.gather [hbm4b:s1+s16], $0x80, s4, s16, $0xb8;
	[tilespmem:$0x1E400] =	vst v63  }
0x4a: {  	_ =	swait.ge [sflag:s23], $0x4000  }
0x4b: {  	[sflag:s23] =	ssyncset.done $0x0  }
0x4c: {  	[sflag:s23] =	ssyncadd.s32 $0xFFFFC000  }
0x4d: {  	[spmem:s2] =	stream.indirect.scatter.add.f32 [tilespmem:s17], [sflag:$0x2], $0x80, s15, s16, $0xb8;
	[tilespmem:$0x1E400] =	vst v63  }
0x4e: {  	_ = 	snop  }
0x4f: {  	[tilespmem:s18], [sflag:$0x1] =	stream.indirect.gather [hbm4b:s1+s16], $0x80, s16, s16, $0xb8;
	[tilespmem:$0x1E400] =	vst v63  }
0x50: {  	s29 =	simm.s32 $0x4000;
	_ =	swait.ge [sflag:s19], $0x4000  }
0x51: {  	s24 =	sand.u32 $0x4000, s29;
	[sflag:s19] =	ssyncset.done $0x0  }
0x52: {  	s30 =	simm.s32 $0x1480;
	s25 =	sor.u32 $0x2800, s24;
	[sflag:s19] =	ssyncadd.s32 $0xFFFFC000  }
0x53: {  	[spmem:s2] =	stream.indirect.scatter.add.f32 [tilespmem:s25], [sflag:$0x2], $0x80, s30, s16, $0xb8;
	[tilespmem:$0x1E400] =	vst v63  }
0x54: {  	s26 =	simm.s32 $0x100;
	s31 =	sxor.u32 $0x4000, s24;
	_ =	swait.ge [sflag:s20], $0x4000  }
0x55: {  	s24 =	simm.s32 $0x1500;
	s28 =	sor.u32 $0x2800, s31;
	[sflag:s20] =	ssyncset.done $0x0  }
0x56: {  	s23 =	simm.s32 $0x2;
	s25 =	simm.s32 $0x180;
	[sflag:s20] =	ssyncadd.s32 $0xFFFFC000  }
.LBB2_4:
0x57: {  	[tilespmem:s28], [sflag:$0x1] =	stream.indirect.gather [hbm4b:s1+s16], $0x80, s26, s16, $0xb8;
	[tilespmem:$0x1E400] =	vst v63  }
0x58: {  	s26 =	sshll.u32 s23, $0xE;
	p0 =	sne.s32 s23, $0x26;
	_ =	swait.ge [sflag:s19], $0x4000  }
0x59: {  	s23 =	sadd.s32 $0x1, s23;
	s26 =	sand.u32 $0x4000, s26;
	[sflag:s19] =	ssyncset.done $0x0  }
.Ltmp1:
0x5a: {  	s28 =	sor.u32 $0x2800, s26;
	[sflag:s19] =	ssyncadd.s32 $0xFFFFC000;
	(pc) =	sbr.rel @p0 .LBB2_4-.Ltmp1, $4  }
0x5b: {  	[spmem:s2] =	stream.indirect.scatter.add.f32 [tilespmem:s28], [sflag:$0x2], $0x80, s24, s16, $0xb8;
	[tilespmem:$0x1E400] =	vst v63  }
0x5c: {  	s28 =	sxor.u32 $0x4000, s26;
	s26 =	smov.u32 s25;
	_ =	swait.ge [sflag:s20], $0x4000  }
0x5d: {  	s24 =	sadd.s32 $0x80, s24;
	[sflag:s20] =	ssyncset.done $0x0  }
0x5e: {  	s25 =	sadd.s32 $0x80, s25;
	s28 =	sor.u32 $0x2800, s28;
	[sflag:s20] =	ssyncadd.s32 $0xFFFFC000  }
0x5f: {  	[tilespmem:s28], [sflag:$0x1] =	stream.indirect.gather [hbm4b:s1+s16], $0x80, s26, s16, $0xb8;
	[tilespmem:$0x1E400] =	vst v63  }
0x60: {  	_ =	swait.ge [sflag:s19], $0x4000  }
0x61: {  	[sflag:s19] =	ssyncset.done $0x0  }
0x62: {  	[sflag:s19] =	ssyncadd.s32 $0xFFFFC000  }
0x63: {  	[spmem:s2] =	stream.indirect.scatter.add.f32 [tilespmem:s18], [sflag:$0x2], $0x80, s21, s16, $0xb8;
	[tilespmem:$0x1E400] =	vst v63  }
0x64: {  	_ =	swait.ge [sflag:s20], $0x4000  }
0x65: {  	[sflag:s20] =	ssyncset.done $0x0  }
0x66: {  	[sflag:s20] =	ssyncadd.s32 $0xFFFFC000  }
0x67: {  	_ =	swait.ge [sflag:s20], $0x4000  }
0x68: {  	s22 =	sadd.s32 $0x1, s22;
	[sflag:s20] =	ssyncset.done $0x0  }
0x69: {  	p0 =	sne.s32 s22, s8;
	[sflag:s20] =	ssyncadd.s32 $0xFFFFC000  }
.Ltmp2:
0x6a: {  	[bflag:$0x0] =	sbarrier.arrive $0xFFFF;
	(pc) =	sbr.rel @p0 .LBB2_1-.Ltmp2, $4  }
0x6b: {  	[hbm:s7], [sflag:s6] =	dma.local [spmem:s13], $0x2780  }
0x6c: {  	_ =	swait.ge [sflag:s14], $0x2780  }
0x6d: {  	[sflag:s14] =	ssyncset.done $0x0  }
0x6e: {  	[sflag:s14] =	ssyncadd.s32 $0xFFFFD880  }
0x6f: {  	_ =	sfence.sel $0x180000  }
0x70: {  	[bflag:$0x0] =	sbarrier.arrive $0xFFFF  }
0x71: {  	p0 =	sne.s32 s3, $0x0;
	_ =	strace $0x9000004A  }
0x72: {  	s0 =	sadd.s32 @!p0 $0x100000, s0;
	[bflag:$0x2] =	sbarrier.arrive $0xFFFF  }
0x73: {  	[sflag:s0] =	ssyncadd.tile.s32 @!p0 $0x1;
	_ =	shalt  }
.Lfunc_end2:
_tile_overlayer_lowered:
.L_overlay_start_2:
0x74: {  	(tag) =	ssettag $0x2  }
0x75: {  	s0 =	rddreg [dreg:$0x0];
	s2 =	stileid.u32  }
0x76: {  	s1 =	rddreg [dreg:$0x1];
	p0 =	sne.s32 s2, $0x0  }
0x77: {  	s3 =	rddreg [dreg:$0x2];
	[bflag:$0x3] =	sbarrier.arrive $0xFFFF;
	s2 =	simm.s32 @!p0 $0x1C03  }
0x78: {  	[timem:s3], [sflag:s2] =	dma.local @!p0 [hbm:s0], s1  }
0x79: {  	s0 =	simm.s32 @!p0 $0x3  }
0x7a: {  	_ =	swait.ge @!p0 [sflag:s0], s1  }
0x7b: {  	s1 =	ssub.s32 @!p0 $0x0, s1;
	[sflag:s0] =	ssyncset.done @!p0 $0x0  }
0x7c: {  	[sflag:s0] =	ssyncadd.s32 @!p0 s1  }
0x7d: {  	[bflag:$0x3] =	sbarrier.arrive $0xFFFF  }
0x7e: {  	_ =	shalt  }

// kernel: kernel.16.cloned.1.call-start
scs
__scs_entry_jumppad:
0x0: {  	(pc) =	sbr.rel $0x88, $3  }
0x1: {  	(tag) =	ssettag $0x0;
	lr =	simm.s32 $0x1  }
0x2: {  	[smem:$0x3F85] =	sst lr;
	_ =	strace $0xD0000000  }
0x3: {  	_ = 	snop  }
0x4: {  	_ = 	snop  }
0x5: {  	_ = 	snop  }
0x6: {  	_ = 	snop  }
0x7: {  	_ = 	snop  }
__scs_overlays_trampoline_lowered:
0x8: {  	[smem:$0x3F94] =	sst s0  }
0x9: {  	[smem:$0x3F95] =	sst s1  }
0xa: {  	[smem:$0x3F96] =	sst s2  }
0xb: {  	[smem:$0x3F97] =	sst s3  }
0xc: {  	[smem:$0x3F98] =	sst s4  }
0xd: {  	[smem:$0x3F99] =	sst s5  }
0xe: {  	[smem:$0x3F9A] =	sst s6  }
0xf: {  	[smem:$0x3F9B] =	sst s7  }
0x10: {  	[smem:$0x3F9C] =	sst s8  }
0x11: {  	[smem:$0x3F9D] =	sst s9;
	s0 =	simm.s32 @!p0 $0x0  }
0x12: {  	s1 =	sld [smem:$0x3F83];
	s0 =	simm.s32 @p0 $0x1  }
0x13: {  	[smem:$0x3F9E] =	sst s0;
	s0 =	simm.s32 @!p1 $0x0  }
0x14: {  	s2 =	sld [smem:$0x3F82];
	s0 =	simm.s32 @p1 $0x1  }
0x15: {  	[smem:$0x3F9F] =	sst s0;
	s0 =	simm.s32 @!p2 $0x0  }
0x16: {  	s3 =	sld [smem:$0x3FDB];
	s0 =	simm.s32 @p2 $0x1  }
0x17: {  	s4 =	simm.s32 $0x1BF5;
	[smem:$0x3FA1] =	sst s0  }
0x18: {  	s0 =	sld [smem:$0x3F84];
	_ =	swait.ge [sflag:s4], $0x0  }
0x19: {  	s7 =	sld [smem:$0x3F85]  }
0x1a: {  	s8 =	sadd.s32 $0xFFFFE003, lr  }
0x1b: {  	s9 =	sadd.s32 $0xFFFFFEF7, lr;
	s5 =	simm.s32 $0xFFFFFFFF;
	p2 =	slt.u32 s8, $0xFFFFF086  }
0x1c: {  	p1 =	slt.u32 s9, $0xF7A;
	s5 =	simm.s32 @!p2 $0x0  }
0x1d: {  	s5 =	simm.s32 @p1 $0x1;
	p0 =	seq.s32 s7, s2  }
0x1e: {  	s7 =	smul.u32 @!p0 $0xF7A, s2;
	p2 =	seq.s32 @!p0 s5, $0x0  }
0x1f: {  	s9 =	smul.u32 $0xF7A, s1;
	s8 =	simm.s32 @!p0 $0x1BF5;
	p2 =	por !p2, p0  }
0x20: {  	[sflag:s8] =	ssyncset.s32 @!p0 $0xFFFFF086;
	s6 =	sadd.s32 @!p0 s3, s7;
	s7 =	simm.s32 @!p0 $0x108  }
0x21: {  	s3 =	sadd.s32 s3, s9;
	s6 =	sadd.s32 @!p0 $0x88, s6;
	s7 =	simm.s32 @p2 $0x1082  }
0x22: {  	[simem:s7], [sflag:s8] =	dma.local @!p0 [hbm:s6], $0xF7A  }
0x23: {  	s9 =	sor.u32 $0xD0000000, s2;
	s6 =	simm.s32 $0x108;
	_ =	swait.ge @!p0 [sflag:s8], $0x0  }
0x24: {  	s3 =	sadd.s32 $0x88, s3;
	s6 =	simm.s32 @!p1 $0x1082;
	[sflag:s4] =	ssyncset.s32 $0xFFFFF086  }
0x25: {  	[simem:s6], [sflag:s4] =	dma.local [hbm:s3], $0xF7A  }
0x26: {  	[smem:$0x3F85] =	sst s1;
	(tag) =	ssettag s2;
	_ =	strace s9  }
0x27: {  	s1 =	sld [smem:$0x3F95]  }
0x28: {  	s2 =	sld [smem:$0x3F96]  }
0x29: {  	s4 =	sld [smem:$0x3F98]  }
0x2a: {  	p0 =	seq.s32 s5, $0x0;
	s5 =	sld [smem:$0x3F99]  }
0x2b: {  	s6 =	sld [smem:$0x3F9A]  }
0x2c: {  	s7 =	sld [smem:$0x3F9B]  }
0x2d: {  	s3 =	simm.s32 $0x108;
	s8 =	sld [smem:$0x3F9C]  }
0x2e: {  	s3 =	simm.s32 @!p0 $0x1082;
	s9 =	sld [smem:$0x3F9D]  }
0x2f: {  	lr =	sadd.s32 s0, s3;
	s0 =	sld [smem:$0x3F94]  }
0x30: {  	s3 =	sld [smem:$0x3F97]  }
0x31: {  	[smem:$0x3FA0] =	sst s10  }
0x32: {  	s10 =	sld [smem:$0x3F9E];
	_ =	sdelay $0x3  }
0x33: {  	p0 =	seq.s32 s10, $0x1;
	s10 =	sld [smem:$0x3FA0];
	_ =	sdelay $0x3  }
0x34: {  	[smem:$0x3FA0] =	sst s10  }
0x35: {  	s10 =	sld [smem:$0x3F9F];
	_ =	sdelay $0x3  }
0x36: {  	p1 =	seq.s32 s10, $0x1;
	s10 =	sld [smem:$0x3FA0];
	_ =	sdelay $0x3  }
0x37: {  	[smem:$0x3FA0] =	sst s10  }
0x38: {  	s10 =	sld [smem:$0x3FA1]  }
0x39: {  	_ = 	snop;
	(pc) =	sbr.ind lr, $3  }
0x3a: {  	_ = 	snop  }
0x3b: {  	_ = 	snop  }
0x3c: {  	p2 =	seq.s32 s10, $0x1;
	s10 =	sld [smem:$0x3FA0]  }
0x3d: {  	_ =	shalt  }
0x3e: {  	_ =	shalt  }
0x3f: {  	_ =	shalt  }
0x40: {  	_ =	shalt  }
0x41: {  	_ =	shalt  }
0x42: {  	_ =	shalt  }
0x43: {  	_ =	shalt  }
0x44: {  	_ =	shalt  }
0x45: {  	_ =	shalt  }
0x46: {  	_ =	shalt  }
0x47: {  	_ =	shalt  }
0x48: {  	_ =	shalt  }
0x49: {  	_ =	shalt  }
0x4a: {  	_ =	shalt  }
0x4b: {  	_ =	shalt  }
0x4c: {  	_ =	shalt  }
0x4d: {  	_ =	shalt  }
0x4e: {  	_ =	shalt  }
0x4f: {  	_ =	shalt  }
0x50: {  	_ =	shalt  }
0x51: {  	_ =	shalt  }
0x52: {  	_ =	shalt  }
0x53: {  	_ =	shalt  }
0x54: {  	_ =	shalt  }
0x55: {  	_ =	shalt  }
0x56: {  	_ =	shalt  }
0x57: {  	_ =	shalt  }
0x58: {  	_ =	shalt  }
0x59: {  	_ =	shalt  }
0x5a: {  	_ =	shalt  }
0x5b: {  	_ =	shalt  }
0x5c: {  	_ =	shalt  }
0x5d: {  	_ =	shalt  }
0x5e: {  	_ =	shalt  }
0x5f: {  	_ =	shalt  }
0x60: {  	_ =	shalt  }
0x61: {  	_ =	shalt  }
0x62: {  	_ =	shalt  }
0x63: {  	_ =	shalt  }
0x64: {  	_ =	shalt  }
0x65: {  	_ =	shalt  }
0x66: {  	_ =	shalt  }
0x67: {  	_ =	shalt  }
0x68: {  	_ =	shalt  }
0x69: {  	_ =	shalt  }
0x6a: {  	_ =	shalt  }
0x6b: {  	_ =	shalt  }
0x6c: {  	_ =	shalt  }
0x6d: {  	_ =	shalt  }
0x6e: {  	_ =	shalt  }
0x6f: {  	_ =	shalt  }
0x70: {  	_ =	shalt  }
0x71: {  	_ =	shalt  }
0x72: {  	_ =	shalt  }
0x73: {  	_ =	shalt  }
0x74: {  	_ =	shalt  }
0x75: {  	_ =	shalt  }
0x76: {  	_ =	shalt  }
0x77: {  	_ =	shalt  }
0x78: {  	_ =	shalt  }
0x79: {  	_ =	shalt  }
0x7a: {  	_ =	shalt  }
0x7b: {  	_ =	shalt  }
0x7c: {  	_ =	shalt  }
0x7d: {  	_ =	shalt  }
0x7e: {  	_ =	shalt  }
0x7f: {  	_ =	shalt  }
0x80: {  	_ =	shalt  }
0x81: {  	_ =	shalt  }
0x82: {  	_ =	shalt  }
0x83: {  	_ =	shalt  }
0x84: {  	_ =	shalt  }
0x85: {  	_ =	shalt  }
0x86: {  	_ =	shalt  }
0x87: {  	_ =	shalt  }
.Lfunc_end0:
.L_simem_size_0:
called_computation.2_lowered:
.L_overlay_start_0:
0x88: {  	s2 =	sld [smem:$0x3FD9]  }
0x89: {  	s3 =	sld [smem:$0x3FFE];
	_ =	sdelay $0x1  }
0x8a: {  	s1 =	srdreg.scid  }
0x8b: {  	s0 =	sand.u32 $0x1, s1  }
0x8c: {  	s17 =	sshll.u32 s0, $0xA;
	s2 =	sadd.s32 s3, s2  }
0x8d: {  	s2 =	sadd.s32 s2, s17  }
0x8e: {  	[smem:$0x3FAC] =	sst s2  }
0x8f: {  	_ = 	snop  }
0x90: {  	s18 =	sld [smem:$0x3FC9];
	(tm) =	ssettm $0x1  }
0x91: {  	s19 =	sld [smem:$0x3FFB];
	_ =	sdelay $0x3  }
0x92: {  	_ =	strace s19  }
0x93: {  	s2 =	sld [smem:$0x3FFC];
	_ =	sdelay $0x3  }
0x94: {  	_ =	strace s2  }
0x95: {  	s2 =	sld [smem:$0x3FFD];
	_ =	sdelay $0x3  }
0x96: {  	_ =	strace s2  }
0x97: {  	_ =	strace $0x8FFFFFFF  }
0x98: {  	s20 =	sld [smem:$0x3FDB];
	_ =	sdelay $0x1  }
0x99: {  	s4 =	simm.s32 $_scs_section_size  }
0x9a: {  	s5 =	simm.s32 $_size__tile_overlayer_lowered;
	s6 =	simm.s32 $_tile_overlayer_lowered  }
0x9b: {  	s7 =	simm.s32 $0x1BFF;
	s21 =	sshll.u32 s6, $0x1;
	s4 =	sadd.s32 s4, s20  }
0x9c: {  	s22 =	simm.s32 $0x0;
	s5 =	sshll.u32 s5, $0x1;
	s6 =	sadd.s32 s21, s4  }
0x9d: {  	[timem:s22], [sflag:s7] =	dma.local [hbm:s6], s5  }
0x9e: {  	_ =	swait.ge [sflag:s7], s5  }
0x9f: {  	s5 =	ssub.s32 $0x0, s5;
	[sflag:s7] =	ssyncset.done $0x0  }
0xa0: {  	[sflag:s7] =	ssyncadd.s32 s5;
	_ =	sdelay $0x1  }
0xa1: {  	s23 =	simm.s32 $0x1B8B  }
0xa2: {  	_ =	swait.ge [sflag:s23], $0x1  }
0xa3: {  	[sflag:s23] =	ssyncset.done $0x0  }
0xa4: {  	[sflag:s23] =	ssyncadd.s32 $0xFFFFFFFF  }
0xa5: {  	s5 =	sld [smem:$0x0]  }
0xa6: {  	s6 =	sand.u32 $0xFFFFFFFE, s1  }
0xa7: {  	p0 =	sne.s32 s1, s6  }
0xa8: {  	s6 =	sshll.u32 @p0 s6, $0xE  }
0xa9: {  	s6 =	sadd.s32 @p0 $0x11B8D, s6;
	s7 =	sshll.u32 @p0 s5, $0x11  }
0xaa: {  	s6 =	sor.u32 @p0 s7, s6  }
0xab: {  	[sflag:s6] =	ssyncadd.remote.s32 @p0 $0x1;
	_ =	sdelay $0x1  }
0xac: {  	s6 =	simm.s32 @p0 $0x1B8D  }
0xad: {  	_ =	swait.eq @p0 [sflag:s6], $0x1  }
0xae: {  	[sflag:s6] =	ssyncadd.s32 @p0 $0xFFFFFFFF  }
0xaf: {  	s7 =	sshll.u32 @!p0 s1, $0xE  }
0xb0: {  	s7 =	sor.u32 @!p0 $0x4000, s7;
	s6 =	simm.s32 @!p0 $0x1B8D  }
0xb1: {  	s5 =	sshll.u32 @!p0 s5, $0x11;
	s7 =	sadd.s32 @!p0 $0x11B8D, s7;
	_ =	swait.eq @!p0 [sflag:s6], $0x1  }
0xb2: {  	s5 =	sor.u32 @!p0 s5, s7;
	[sflag:s6] =	ssyncadd.s32 @!p0 $0xFFFFFFFF  }
0xb3: {  	s25 =	simm.s32 $0x1B8E;
	s24 =	sld [smem:$0x3FFE];
	[sflag:s5] =	ssyncadd.remote.s32 @!p0 $0x1  }
0xb4: {  	s26 =	simm.s32 $execute0_lowered;
	[smem:$0x3FD2] =	sst s25  }
0xb5: {  	s6 =	sshll.u32 s26, $0x1;
	_ =	strace $0x8000004C;
	[dreg:$0x1] =	wrdreg $0xFFFFFFFF  }
0xb6: {  	s28 =	simm.s32 $_size_execute0_lowered;
	s4 =	sadd.s32 s4, s6;
	[dreg:$0x0] =	wrdreg $0x0  }
0xb7: {  	s6 =	sshll.u32 s28, $0x1;
	[dreg:$0x2] =	wrdreg s4  }
0xb8: {  	[dreg:$0x3] =	wrdreg s6  }
0xb9: {  	[dreg:$0x4] =	wrdreg $0xC0  }
0xba: {  	_ =	task [dreg:s22], $0x5FFFF  }
0xbb: {  	[dreg:$0x1] =	wrdreg $0xFFFFFFFF  }
0xbc: {  	[dreg:$0x0] =	wrdreg $0x60  }
0xbd: {  	[dreg:$0x2] =	wrdreg s18  }
0xbe: {  	[dreg:$0x3] =	wrdreg s24  }
0xbf: {  	[dreg:$0x4] =	wrdreg $0xA8000  }
0xc0: {  	[dreg:$0x5] =	wrdreg $0x9  }
0xc1: {  	_ =	task.clear_ibuf [dreg:s22], $0x6FFFF;
	_ =	strace $0x9000004C  }
0xc2: {  	s29 =	simm.s32 $0x9;
	_ =	strace $0x8000004E  }
0xc3: {  	_ =	swait.ge [sflag:s29], $0x1  }
0xc4: {  	[sflag:s29] =	ssyncadd.s32 $0xFFFFFFFF  }
0xc5: {  	_ =	strace $0x9000004E  }
0xc6: {  	_ =	sfence  }
0xc7: {  	s30 =	sld [smem:$0x0];
	_ =	sdelay $0x2  }
0xc8: {  	s31 =	sshll.u32 s1, $0xD;
	s1 =	sshrl.u32 s1, $0x2  }
0xc9: {  	s4 =	sand.u32 $0x4000, s31;
	s1 =	sadd.s32 s1, s30  }
0xca: {  	s0 =	sor.u32 s4, s0;
	s1 =	sshll.u32 s1, $0x11  }
0xcb: {  	s0 =	sor.u32 s1, s0  }
0xcc: {  	s0 =	sadd.s32 $0x8F2B, s0  }
0xcd: {  	[sflag:s0] =	ssyncadd.remote.s32 $0x1  }
0xce: {  	_ =	sfence.sel $0xFFFF  }
0xcf: {  	[dreg:$0x0] =	wrdreg $0xFFFFFFFF;
	(pc) =	sbr.abs _section_cstart, $3  }
0xd0: {  	[dreg:$0x1] =	wrdreg $0xFFFFFFFF  }
0xd1: {  	_ =	task.clear_ibuf [dreg:s22], $0x2FFFF;
	_ =	strace $0x9FFFFFFF  }
0xd2: {  	(tm) =	ssettm $0x7FFFFFFF  }
0xd3: {  	_ =	shalt  }
tec
execute0_lowered:
.L_overlay_start_1:
0x0: {  	(tag) =	ssettag $0x1  }
0x1: {  	s1 =	rddreg [dreg:$0x0]  }
0x2: {  	s6 =	rddreg [dreg:$0x1]  }
0x3: {  	s2 =	rddreg [dreg:$0x2];
	s3 =	srdreg.scid  }
0x4: {  	s0 =	rddreg [dreg:$0x3];
	s4 =	simm.s32 $0x0;
	s15 =	simm.s32 $0x1400  }
0x5: {  	s16 =	simm.s32 $0x80;
	s17 =	simm.s32 $0x2800;
	s18 =	simm.s32 $0x6800  }
0x6: {  	s19 =	simm.s32 $0x1;
	s20 =	simm.s32 $0x2;
	s21 =	simm.s32 $0x2780  }
0x7: {  	s22 =	simm.s32 $0x0;
	s7 =	sand.u32 $0x1, s3;
	s3 =	stileid.u32  }
0x8: {  	[smem:$0x7FF] =	sst s4;
	s11 =	sadd.s32 $0x6800, s6;
	s8 =	smul.u32 $0x13C000, s7  }
0x9: {  	s12 =	sadd.s32 $0x10800, s6;
	s5 =	sadd.s32 $0x1A800, s6;
	s9 =	smul.u32 $0x13C00, s3  }
0xa: {  	_ =	strace $0x8000004D;
	s25 =	ssub.s32 $0x2, s7;
	s10 =	smul.u32 $0x4F000, s3  }
0xb: {  	s13 =	sshll.u32 s3, $0x1;
	s31 =	sshll.u32 s3, $0x6;
	s26 =	sshrl.u32 s25, $0x1  }
0xc: {  	s28 =	sor.u32 s7, s13;
	s8 =	sadd.s32 s9, s8;
	s9 =	ssub.s32 s25, s26  }
0xd: {  	s29 =	sshrl.u32 s10, $0x2;
	s14 =	smul.u32 $0x500, s28;
	s8 =	sshrl.u32 s8, $0x3  }
0xe: {  	s30 =	sadd.s32 s29, s2;
	s8 =	sadd.s32 s8, s6;
	s6 =	sor.u32 $0x1C03, s31  }
0xf: {  	s10 =	sadd.s32 s12, s14;
	s13 =	sshrl.u32 s30, $0x3;
	s7 =	sadd.s32 $0xBB000, s8  }
0x10: {  	s8 =	smax.u32 s9, $0x1;
	s9 =	sadd.s32 s11, s14;
	s14 =	sadd.s32 $0x280, s14  }
0x11: {  	s11 =	sadd.s32 s11, s14;
	s12 =	sadd.s32 s12, s14;
	s14 =	simm.s32 $0x3  }
.LBB2_1:
0x12: {  	[spmem:s13], [sflag:s6] =	dma.local [hbm:s5], $0x2780  }
0x13: {  	_ =	swait.ge [sflag:s14], $0x2780  }
0x14: {  	[sflag:s14] =	ssyncset.done $0x0  }
0x15: {  	[sflag:s14] =	ssyncadd.s32 $0xFFFFD880  }
0x16: {  	[bflag:$0x0] =	sbarrier.arrive $0xFFFF  }
0x17: {  	[tilespmem:s4], [sflag:$0x3] =	stream.linear.gather [hbm4b:s9+s4], $0x1400, $0x38;
	[tilespmem:$0x1E400] =	vst v63  }
0x18: {  	_ =	swait.ge [sflag:s14], $0x1400  }
0x19: {  	[sflag:s14] =	ssyncset.done $0x0  }
0x1a: {  	[sflag:s14] =	ssyncadd.s32 $0xFFFFEC00  }
0x1b: {  	[tilespmem:s15], [sflag:$0x3] =	stream.linear.gather [hbm4b:s10+s4], $0x1400, $0x38;
	[tilespmem:$0x1E400] =	vst v63  }
0x1c: {  	_ =	swait.ge [sflag:s14], $0x1400  }
0x1d: {  	[sflag:s14] =	ssyncset.done $0x0  }
0x1e: {  	[sflag:s14] =	ssyncadd.s32 $0xFFFFEC00  }
0x1f: {  	[tilespmem:s17], [sflag:$0x1] =	stream.indirect.gather [hbm4b:s1+s16], $0x80, s4, s16, $0xb8;
	[tilespmem:$0x1E400] =	vst v63  }
0x20: {  	_ =	swait.ge [sflag:s19], $0x4000  }
0x21: {  	[sflag:s19] =	ssyncset.done $0x0  }
0x22: {  	[sflag:s19] =	ssyncadd.s32 $0xFFFFC000  }
0x23: {  	[spmem:s2] =	stream.indirect.scatter.add.f32 [tilespmem:s17], [sflag:$0x2], $0x80, s15, s16, $0xb8;
	[tilespmem:$0x1E400] =	vst v63  }
0x24: {  	_ = 	snop  }
0x25: {  	[tilespmem:s18], [sflag:$0x1] =	stream.indirect.gather [hbm4b:s1+s16], $0x80, s16, s16, $0xb8;
	[tilespmem:$0x1E400] =	vst v63  }
0x26: {  	s23 =	simm.s32 $0x4000;
	_ =	swait.ge [sflag:s19], $0x4000  }
0x27: {  	s24 =	sand.u32 $0x4000, s23;
	[sflag:s19] =	ssyncset.done $0x0  }
0x28: {  	s30 =	simm.s32 $0x1480;
	s25 =	sor.u32 $0x2800, s24;
	[sflag:s19] =	ssyncadd.s32 $0xFFFFC000  }
0x29: {  	[spmem:s2] =	stream.indirect.scatter.add.f32 [tilespmem:s25], [sflag:$0x2], $0x80, s30, s16, $0xb8;
	[tilespmem:$0x1E400] =	vst v63  }
0x2a: {  	s26 =	simm.s32 $0x100;
	s23 =	simm.s32 $0x2;
	_ =	swait.ge [sflag:s20], $0x4000  }
0x2b: {  	s31 =	sxor.u32 $0x4000, s24;
	s24 =	simm.s32 $0x1500;
	[sflag:s20] =	ssyncset.done $0x0  }
0x2c: {  	s28 =	sor.u32 $0x2800, s31;
	s25 =	simm.s32 $0x180;
	[sflag:s20] =	ssyncadd.s32 $0xFFFFC000  }
.LBB2_2:
0x2d: {  	[tilespmem:s28], [sflag:$0x1] =	stream.indirect.gather [hbm4b:s1+s16], $0x80, s26, s16, $0xb8;
	[tilespmem:$0x1E400] =	vst v63  }
0x2e: {  	s26 =	sshll.u32 s23, $0xE;
	p0 =	sne.s32 s23, $0x26;
	_ =	swait.ge [sflag:s19], $0x4000  }
0x2f: {  	s23 =	sadd.s32 $0x1, s23;
	s26 =	sand.u32 $0x4000, s26;
	[sflag:s19] =	ssyncset.done $0x0  }
.Ltmp0:
0x30: {  	s28 =	sor.u32 $0x2800, s26;
	[sflag:s19] =	ssyncadd.s32 $0xFFFFC000;
	(pc) =	sbr.rel @p0 .LBB2_2-.Ltmp0, $4  }
0x31: {  	[spmem:s2] =	stream.indirect.scatter.add.f32 [tilespmem:s28], [sflag:$0x2], $0x80, s24, s16, $0xb8;
	[tilespmem:$0x1E400] =	vst v63  }
0x32: {  	s28 =	sxor.u32 $0x4000, s26;
	s26 =	smov.u32 s25;
	_ =	swait.ge [sflag:s20], $0x4000  }
0x33: {  	s24 =	sadd.s32 $0x80, s24;
	[sflag:s20] =	ssyncset.done $0x0  }
0x34: {  	s25 =	sadd.s32 $0x80, s25;
	s28 =	sor.u32 $0x2800, s28;
	[sflag:s20] =	ssyncadd.s32 $0xFFFFC000  }
0x35: {  	[tilespmem:s28], [sflag:$0x1] =	stream.indirect.gather [hbm4b:s1+s16], $0x80, s26, s16, $0xb8;
	[tilespmem:$0x1E400] =	vst v63  }
0x36: {  	s23 =	simm.s32 $0x1  }
0x37: {  	_ =	swait.ge [sflag:s23], $0x4000  }
0x38: {  	[sflag:s23] =	ssyncset.done $0x0  }
0x39: {  	[sflag:s23] =	ssyncadd.s32 $0xFFFFC000  }
0x3a: {  	[spmem:s2] =	stream.indirect.scatter.add.f32 [tilespmem:s18], [sflag:$0x2], $0x80, s21, s16, $0xb8;
	[tilespmem:$0x1E400] =	vst v63  }
0x3b: {  	_ =	swait.ge [sflag:s20], $0x4000  }
0x3c: {  	[sflag:s20] =	ssyncset.done $0x0  }
0x3d: {  	[sflag:s20] =	ssyncadd.s32 $0xFFFFC000  }
0x3e: {  	_ =	swait.ge [sflag:s20], $0x4000  }
0x3f: {  	[sflag:s20] =	ssyncset.done $0x0  }
0x40: {  	[sflag:s20] =	ssyncadd.s32 $0xFFFFC000  }
0x41: {  	[tilespmem:s4], [sflag:$0x3] =	stream.linear.gather [hbm4b:s11+s4], $0x1400, $0x38;
	[tilespmem:$0x1E400] =	vst v63  }
0x42: {  	_ =	swait.ge [sflag:s14], $0x1400  }
0x43: {  	[sflag:s14] =	ssyncset.done $0x0  }
0x44: {  	[sflag:s14] =	ssyncadd.s32 $0xFFFFEC00  }
0x45: {  	[tilespmem:s15], [sflag:$0x3] =	stream.linear.gather [hbm4b:s12+s4], $0x1400, $0x38;
	[tilespmem:$0x1E400] =	vst v63  }
0x46: {  	_ =	swait.ge [sflag:s14], $0x1400  }
0x47: {  	[sflag:s14] =	ssyncset.done $0x0  }
0x48: {  	[sflag:s14] =	ssyncadd.s32 $0xFFFFEC00  }
0x49: {  	[tilespmem:s17], [sflag:$0x1] =	stream.indirect.gather [hbm4b:s1+s16], $0x80, s4, s16, $0xb8;
	[tilespmem:$0x1E400] =	vst v63  }
0x4a: {  	_ =	swait.ge [sflag:s23], $0x4000  }
0x4b: {  	[sflag:s23] =	ssyncset.done $0x0  }
0x4c: {  	[sflag:s23] =	ssyncadd.s32 $0xFFFFC000  }
0x4d: {  	[spmem:s2] =	stream.indirect.scatter.add.f32 [tilespmem:s17], [sflag:$0x2], $0x80, s15, s16, $0xb8;
	[tilespmem:$0x1E400] =	vst v63  }
0x4e: {  	_ = 	snop  }
0x4f: {  	[tilespmem:s18], [sflag:$0x1] =	stream.indirect.gather [hbm4b:s1+s16], $0x80, s16, s16, $0xb8;
	[tilespmem:$0x1E400] =	vst v63  }
0x50: {  	s29 =	simm.s32 $0x4000;
	_ =	swait.ge [sflag:s19], $0x4000  }
0x51: {  	s24 =	sand.u32 $0x4000, s29;
	[sflag:s19] =	ssyncset.done $0x0  }
0x52: {  	s30 =	simm.s32 $0x1480;
	s25 =	sor.u32 $0x2800, s24;
	[sflag:s19] =	ssyncadd.s32 $0xFFFFC000  }
0x53: {  	[spmem:s2] =	stream.indirect.scatter.add.f32 [tilespmem:s25], [sflag:$0x2], $0x80, s30, s16, $0xb8;
	[tilespmem:$0x1E400] =	vst v63  }
0x54: {  	s26 =	simm.s32 $0x100;
	s31 =	sxor.u32 $0x4000, s24;
	_ =	swait.ge [sflag:s20], $0x4000  }
0x55: {  	s24 =	simm.s32 $0x1500;
	s28 =	sor.u32 $0x2800, s31;
	[sflag:s20] =	ssyncset.done $0x0  }
0x56: {  	s23 =	simm.s32 $0x2;
	s25 =	simm.s32 $0x180;
	[sflag:s20] =	ssyncadd.s32 $0xFFFFC000  }
.LBB2_4:
0x57: {  	[tilespmem:s28], [sflag:$0x1] =	stream.indirect.gather [hbm4b:s1+s16], $0x80, s26, s16, $0xb8;
	[tilespmem:$0x1E400] =	vst v63  }
0x58: {  	s26 =	sshll.u32 s23, $0xE;
	p0 =	sne.s32 s23, $0x26;
	_ =	swait.ge [sflag:s19], $0x4000  }
0x59: {  	s23 =	sadd.s32 $0x1, s23;
	s26 =	sand.u32 $0x4000, s26;
	[sflag:s19] =	ssyncset.done $0x0  }
.Ltmp1:
0x5a: {  	s28 =	sor.u32 $0x2800, s26;
	[sflag:s19] =	ssyncadd.s32 $0xFFFFC000;
	(pc) =	sbr.rel @p0 .LBB2_4-.Ltmp1, $4  }
0x5b: {  	[spmem:s2] =	stream.indirect.scatter.add.f32 [tilespmem:s28], [sflag:$0x2], $0x80, s24, s16, $0xb8;
	[tilespmem:$0x1E400] =	vst v63  }
0x5c: {  	s28 =	sxor.u32 $0x4000, s26;
	s26 =	smov.u32 s25;
	_ =	swait.ge [sflag:s20], $0x4000  }
0x5d: {  	s24 =	sadd.s32 $0x80, s24;
	[sflag:s20] =	ssyncset.done $0x0  }
0x5e: {  	s25 =	sadd.s32 $0x80, s25;
	s28 =	sor.u32 $0x2800, s28;
	[sflag:s20] =	ssyncadd.s32 $0xFFFFC000  }
0x5f: {  	[tilespmem:s28], [sflag:$0x1] =	stream.indirect.gather [hbm4b:s1+s16], $0x80, s26, s16, $0xb8;
	[tilespmem:$0x1E400] =	vst v63  }
0x60: {  	_ =	swait.ge [sflag:s19], $0x4000  }
0x61: {  	[sflag:s19] =	ssyncset.done $0x0  }
0x62: {  	[sflag:s19] =	ssyncadd.s32 $0xFFFFC000  }
0x63: {  	[spmem:s2] =	stream.indirect.scatter.add.f32 [tilespmem:s18], [sflag:$0x2], $0x80, s21, s16, $0xb8;
	[tilespmem:$0x1E400] =	vst v63  }
0x64: {  	_ =	swait.ge [sflag:s20], $0x4000  }
0x65: {  	[sflag:s20] =	ssyncset.done $0x0  }
0x66: {  	[sflag:s20] =	ssyncadd.s32 $0xFFFFC000  }
0x67: {  	_ =	swait.ge [sflag:s20], $0x4000  }
0x68: {  	s22 =	sadd.s32 $0x1, s22;
	[sflag:s20] =	ssyncset.done $0x0  }
0x69: {  	p0 =	sne.s32 s22, s8;
	[sflag:s20] =	ssyncadd.s32 $0xFFFFC000  }
.Ltmp2:
0x6a: {  	[bflag:$0x0] =	sbarrier.arrive $0xFFFF;
	(pc) =	sbr.rel @p0 .LBB2_1-.Ltmp2, $4  }
0x6b: {  	[hbm:s7], [sflag:s6] =	dma.local [spmem:s13], $0x2780  }
0x6c: {  	_ =	swait.ge [sflag:s14], $0x2780  }
0x6d: {  	[sflag:s14] =	ssyncset.done $0x0  }
0x6e: {  	[sflag:s14] =	ssyncadd.s32 $0xFFFFD880  }
0x6f: {  	_ =	sfence.sel $0x180000  }
0x70: {  	[bflag:$0x0] =	sbarrier.arrive $0xFFFF  }
0x71: {  	p0 =	sne.s32 s3, $0x0;
	_ =	strace $0x9000004D  }
0x72: {  	s0 =	sadd.s32 @!p0 $0x100000, s0;
	[bflag:$0x2] =	sbarrier.arrive $0xFFFF  }
0x73: {  	[sflag:s0] =	ssyncadd.tile.s32 @!p0 $0x1;
	_ =	shalt  }
.Lfunc_end2:
_tile_overlayer_lowered:
.L_overlay_start_2:
0x74: {  	(tag) =	ssettag $0x2  }
0x75: {  	s0 =	rddreg [dreg:$0x0];
	s2 =	stileid.u32  }
0x76: {  	s1 =	rddreg [dreg:$0x1];
	p0 =	sne.s32 s2, $0x0  }
0x77: {  	s3 =	rddreg [dreg:$0x2];
	[bflag:$0x3] =	sbarrier.arrive $0xFFFF;
	s2 =	simm.s32 @!p0 $0x1C03  }
0x78: {  	[timem:s3], [sflag:s2] =	dma.local @!p0 [hbm:s0], s1  }
0x79: {  	s0 =	simm.s32 @!p0 $0x3  }
0x7a: {  	_ =	swait.ge @!p0 [sflag:s0], s1  }
0x7b: {  	s1 =	ssub.s32 @!p0 $0x0, s1;
	[sflag:s0] =	ssyncset.done @!p0 $0x0  }
0x7c: {  	[sflag:s0] =	ssyncadd.s32 @!p0 s1  }
0x7d: {  	[bflag:$0x3] =	sbarrier.arrive $0xFFFF  }
0x7e: {  	_ =	shalt  }

// kernel: kernel.19.cloned.1.call-start
scs
__scs_entry_jumppad:
0x0: {  	(pc) =	sbr.rel $0x88, $3  }
0x1: {  	(tag) =	ssettag $0x0;
	lr =	simm.s32 $0x1  }
0x2: {  	[smem:$0x3F85] =	sst lr;
	_ =	strace $0xD0000000  }
0x3: {  	_ = 	snop  }
0x4: {  	_ = 	snop  }
0x5: {  	_ = 	snop  }
0x6: {  	_ = 	snop  }
0x7: {  	_ = 	snop  }
__scs_overlays_trampoline_lowered:
0x8: {  	[smem:$0x3F94] =	sst s0  }
0x9: {  	[smem:$0x3F95] =	sst s1  }
0xa: {  	[smem:$0x3F96] =	sst s2  }
0xb: {  	[smem:$0x3F97] =	sst s3  }
0xc: {  	[smem:$0x3F98] =	sst s4  }
0xd: {  	[smem:$0x3F99] =	sst s5  }
0xe: {  	[smem:$0x3F9A] =	sst s6  }
0xf: {  	[smem:$0x3F9B] =	sst s7  }
0x10: {  	[smem:$0x3F9C] =	sst s8  }
0x11: {  	[smem:$0x3F9D] =	sst s9;
	s0 =	simm.s32 @!p0 $0x0  }
0x12: {  	s1 =	sld [smem:$0x3F83];
	s0 =	simm.s32 @p0 $0x1  }
0x13: {  	[smem:$0x3F9E] =	sst s0;
	s0 =	simm.s32 @!p1 $0x0  }
0x14: {  	s2 =	sld [smem:$0x3F82];
	s0 =	simm.s32 @p1 $0x1  }
0x15: {  	[smem:$0x3F9F] =	sst s0;
	s0 =	simm.s32 @!p2 $0x0  }
0x16: {  	s3 =	sld [smem:$0x3FDB];
	s0 =	simm.s32 @p2 $0x1  }
0x17: {  	s4 =	simm.s32 $0x1BF5;
	[smem:$0x3FA1] =	sst s0  }
0x18: {  	s0 =	sld [smem:$0x3F84];
	_ =	swait.ge [sflag:s4], $0x0  }
0x19: {  	s7 =	sld [smem:$0x3F85]  }
0x1a: {  	s8 =	sadd.s32 $0xFFFFE003, lr  }
0x1b: {  	s9 =	sadd.s32 $0xFFFFFEF7, lr;
	s5 =	simm.s32 $0xFFFFFFFF;
	p2 =	slt.u32 s8, $0xFFFFF086  }
0x1c: {  	p1 =	slt.u32 s9, $0xF7A;
	s5 =	simm.s32 @!p2 $0x0  }
0x1d: {  	s5 =	simm.s32 @p1 $0x1;
	p0 =	seq.s32 s7, s2  }
0x1e: {  	s7 =	smul.u32 @!p0 $0xF7A, s2;
	p2 =	seq.s32 @!p0 s5, $0x0  }
0x1f: {  	s9 =	smul.u32 $0xF7A, s1;
	s8 =	simm.s32 @!p0 $0x1BF5;
	p2 =	por !p2, p0  }
0x20: {  	[sflag:s8] =	ssyncset.s32 @!p0 $0xFFFFF086;
	s6 =	sadd.s32 @!p0 s3, s7;
	s7 =	simm.s32 @!p0 $0x108  }
0x21: {  	s3 =	sadd.s32 s3, s9;
	s6 =	sadd.s32 @!p0 $0x88, s6;
	s7 =	simm.s32 @p2 $0x1082  }
0x22: {  	[simem:s7], [sflag:s8] =	dma.local @!p0 [hbm:s6], $0xF7A  }
0x23: {  	s9 =	sor.u32 $0xD0000000, s2;
	s6 =	simm.s32 $0x108;
	_ =	swait.ge @!p0 [sflag:s8], $0x0  }
0x24: {  	s3 =	sadd.s32 $0x88, s3;
	s6 =	simm.s32 @!p1 $0x1082;
	[sflag:s4] =	ssyncset.s32 $0xFFFFF086  }
0x25: {  	[simem:s6], [sflag:s4] =	dma.local [hbm:s3], $0xF7A  }
0x26: {  	[smem:$0x3F85] =	sst s1;
	(tag) =	ssettag s2;
	_ =	strace s9  }
0x27: {  	s1 =	sld [smem:$0x3F95]  }
0x28: {  	s2 =	sld [smem:$0x3F96]  }
0x29: {  	s4 =	sld [smem:$0x3F98]  }
0x2a: {  	p0 =	seq.s32 s5, $0x0;
	s5 =	sld [smem:$0x3F99]  }
0x2b: {  	s6 =	sld [smem:$0x3F9A]  }
0x2c: {  	s7 =	sld [smem:$0x3F9B]  }
0x2d: {  	s3 =	simm.s32 $0x108;
	s8 =	sld [smem:$0x3F9C]  }
0x2e: {  	s3 =	simm.s32 @!p0 $0x1082;
	s9 =	sld [smem:$0x3F9D]  }
0x2f: {  	lr =	sadd.s32 s0, s3;
	s0 =	sld [smem:$0x3F94]  }
0x30: {  	s3 =	sld [smem:$0x3F97]  }
0x31: {  	[smem:$0x3FA0] =	sst s10  }
0x32: {  	s10 =	sld [smem:$0x3F9E];
	_ =	sdelay $0x3  }
0x33: {  	p0 =	seq.s32 s10, $0x1;
	s10 =	sld [smem:$0x3FA0];
	_ =	sdelay $0x3  }
0x34: {  	[smem:$0x3FA0] =	sst s10  }
0x35: {  	s10 =	sld [smem:$0x3F9F];
	_ =	sdelay $0x3  }
0x36: {  	p1 =	seq.s32 s10, $0x1;
	s10 =	sld [smem:$0x3FA0];
	_ =	sdelay $0x3  }
0x37: {  	[smem:$0x3FA0] =	sst s10  }
0x38: {  	s10 =	sld [smem:$0x3FA1]  }
0x39: {  	_ = 	snop;
	(pc) =	sbr.ind lr, $3  }
0x3a: {  	_ = 	snop  }
0x3b: {  	_ = 	snop  }
0x3c: {  	p2 =	seq.s32 s10, $0x1;
	s10 =	sld [smem:$0x3FA0]  }
0x3d: {  	_ =	shalt  }
0x3e: {  	_ =	shalt  }
0x3f: {  	_ =	shalt  }
0x40: {  	_ =	shalt  }
0x41: {  	_ =	shalt  }
0x42: {  	_ =	shalt  }
0x43: {  	_ =	shalt  }
0x44: {  	_ =	shalt  }
0x45: {  	_ =	shalt  }
0x46: {  	_ =	shalt  }
0x47: {  	_ =	shalt  }
0x48: {  	_ =	shalt  }
0x49: {  	_ =	shalt  }
0x4a: {  	_ =	shalt  }
0x4b: {  	_ =	shalt  }
0x4c: {  	_ =	shalt  }
0x4d: {  	_ =	shalt  }
0x4e: {  	_ =	shalt  }
0x4f: {  	_ =	shalt  }
0x50: {  	_ =	shalt  }
0x51: {  	_ =	shalt  }
0x52: {  	_ =	shalt  }
0x53: {  	_ =	shalt  }
0x54: {  	_ =	shalt  }
0x55: {  	_ =	shalt  }
0x56: {  	_ =	shalt  }
0x57: {  	_ =	shalt  }
0x58: {  	_ =	shalt  }
0x59: {  	_ =	shalt  }
0x5a: {  	_ =	shalt  }
0x5b: {  	_ =	shalt  }
0x5c: {  	_ =	shalt  }
0x5d: {  	_ =	shalt  }
0x5e: {  	_ =	shalt  }
0x5f: {  	_ =	shalt  }
0x60: {  	_ =	shalt  }
0x61: {  	_ =	shalt  }
0x62: {  	_ =	shalt  }
0x63: {  	_ =	shalt  }
0x64: {  	_ =	shalt  }
0x65: {  	_ =	shalt  }
0x66: {  	_ =	shalt  }
0x67: {  	_ =	shalt  }
0x68: {  	_ =	shalt  }
0x69: {  	_ =	shalt  }
0x6a: {  	_ =	shalt  }
0x6b: {  	_ =	shalt  }
0x6c: {  	_ =	shalt  }
0x6d: {  	_ =	shalt  }
0x6e: {  	_ =	shalt  }
0x6f: {  	_ =	shalt  }
0x70: {  	_ =	shalt  }
0x71: {  	_ =	shalt  }
0x72: {  	_ =	shalt  }
0x73: {  	_ =	shalt  }
0x74: {  	_ =	shalt  }
0x75: {  	_ =	shalt  }
0x76: {  	_ =	shalt  }
0x77: {  	_ =	shalt  }
0x78: {  	_ =	shalt  }
0x79: {  	_ =	shalt  }
0x7a: {  	_ =	shalt  }
0x7b: {  	_ =	shalt  }
0x7c: {  	_ =	shalt  }
0x7d: {  	_ =	shalt  }
0x7e: {  	_ =	shalt  }
0x7f: {  	_ =	shalt  }
0x80: {  	_ =	shalt  }
0x81: {  	_ =	shalt  }
0x82: {  	_ =	shalt  }
0x83: {  	_ =	shalt  }
0x84: {  	_ =	shalt  }
0x85: {  	_ =	shalt  }
0x86: {  	_ =	shalt  }
0x87: {  	_ =	shalt  }
.Lfunc_end0:
.L_simem_size_0:
called_computation.3_lowered:
.L_overlay_start_0:
0x88: {  	s2 =	sld [smem:$0x3FD9]  }
0x89: {  	s3 =	sld [smem:$0x3FFE];
	_ =	sdelay $0x1  }
0x8a: {  	s1 =	srdreg.scid  }
0x8b: {  	s0 =	sand.u32 $0x1, s1  }
0x8c: {  	s17 =	sshll.u32 s0, $0xA;
	s2 =	sadd.s32 s3, s2  }
0x8d: {  	s2 =	sadd.s32 s2, s17  }
0x8e: {  	[smem:$0x3FAC] =	sst s2  }
0x8f: {  	_ = 	snop  }
0x90: {  	s18 =	sld [smem:$0x3FD0];
	(tm) =	ssettm $0x1  }
0x91: {  	s19 =	sld [smem:$0x3FFB];
	_ =	sdelay $0x3  }
0x92: {  	_ =	strace s19  }
0x93: {  	s2 =	sld [smem:$0x3FFC];
	_ =	sdelay $0x3  }
0x94: {  	_ =	strace s2  }
0x95: {  	s2 =	sld [smem:$0x3FFD];
	_ =	sdelay $0x3  }
0x96: {  	_ =	strace s2  }
0x97: {  	_ =	strace $0x8FFFFFFF  }
0x98: {  	s20 =	sld [smem:$0x3FDB];
	_ =	sdelay $0x1  }
0x99: {  	s4 =	simm.s32 $_scs_section_size  }
0x9a: {  	s5 =	simm.s32 $_size__tile_overlayer_lowered;
	s6 =	simm.s32 $_tile_overlayer_lowered  }
0x9b: {  	s7 =	simm.s32 $0x1BFF;
	s21 =	sshll.u32 s6, $0x1;
	s4 =	sadd.s32 s4, s20  }
0x9c: {  	s22 =	simm.s32 $0x0;
	s5 =	sshll.u32 s5, $0x1;
	s6 =	sadd.s32 s21, s4  }
0x9d: {  	[timem:s22], [sflag:s7] =	dma.local [hbm:s6], s5  }
0x9e: {  	_ =	swait.ge [sflag:s7], s5  }
0x9f: {  	s5 =	ssub.s32 $0x0, s5;
	[sflag:s7] =	ssyncset.done $0x0  }
0xa0: {  	[sflag:s7] =	ssyncadd.s32 s5;
	_ =	sdelay $0x1  }
0xa1: {  	s23 =	simm.s32 $0x1B8B  }
0xa2: {  	_ =	swait.ge [sflag:s23], $0x1  }
0xa3: {  	[sflag:s23] =	ssyncset.done $0x0  }
0xa4: {  	[sflag:s23] =	ssyncadd.s32 $0xFFFFFFFF  }
0xa5: {  	s5 =	sld [smem:$0x0]  }
0xa6: {  	s6 =	sand.u32 $0xFFFFFFFE, s1  }
0xa7: {  	p0 =	sne.s32 s1, s6  }
0xa8: {  	s6 =	sshll.u32 @p0 s6, $0xE  }
0xa9: {  	s6 =	sadd.s32 @p0 $0x11B8D, s6;
	s7 =	sshll.u32 @p0 s5, $0x11  }
0xaa: {  	s6 =	sor.u32 @p0 s7, s6  }
0xab: {  	[sflag:s6] =	ssyncadd.remote.s32 @p0 $0x1;
	_ =	sdelay $0x1  }
0xac: {  	s6 =	simm.s32 @p0 $0x1B8D  }
0xad: {  	_ =	swait.eq @p0 [sflag:s6], $0x1  }
0xae: {  	[sflag:s6] =	ssyncadd.s32 @p0 $0xFFFFFFFF  }
0xaf: {  	s7 =	sshll.u32 @!p0 s1, $0xE  }
0xb0: {  	s7 =	sor.u32 @!p0 $0x4000, s7;
	s6 =	simm.s32 @!p0 $0x1B8D  }
0xb1: {  	s5 =	sshll.u32 @!p0 s5, $0x11;
	s7 =	sadd.s32 @!p0 $0x11B8D, s7;
	_ =	swait.eq @!p0 [sflag:s6], $0x1  }
0xb2: {  	s5 =	sor.u32 @!p0 s5, s7;
	[sflag:s6] =	ssyncadd.s32 @!p0 $0xFFFFFFFF  }
0xb3: {  	s25 =	simm.s32 $0x1B8E;
	s24 =	sld [smem:$0x3FFE];
	[sflag:s5] =	ssyncadd.remote.s32 @!p0 $0x1  }
0xb4: {  	s26 =	simm.s32 $execute0_lowered;
	[smem:$0x3FD2] =	sst s25  }
0xb5: {  	s6 =	sshll.u32 s26, $0x1;
	_ =	strace $0x8000004F;
	[dreg:$0x1] =	wrdreg $0xFFFFFFFF  }
0xb6: {  	s28 =	simm.s32 $_size_execute0_lowered;
	s4 =	sadd.s32 s4, s6;
	[dreg:$0x0] =	wrdreg $0x0  }
0xb7: {  	s6 =	sshll.u32 s28, $0x1;
	[dreg:$0x2] =	wrdreg s4  }
0xb8: {  	[dreg:$0x3] =	wrdreg s6  }
0xb9: {  	[dreg:$0x4] =	wrdreg $0xC0  }
0xba: {  	_ =	task [dreg:s22], $0x5FFFF  }
0xbb: {  	[dreg:$0x1] =	wrdreg $0xFFFFFFFF  }
0xbc: {  	[dreg:$0x0] =	wrdreg $0x60  }
0xbd: {  	[dreg:$0x2] =	wrdreg s18  }
0xbe: {  	[dreg:$0x3] =	wrdreg s24  }
0xbf: {  	[dreg:$0x4] =	wrdreg $0xA8000  }
0xc0: {  	[dreg:$0x5] =	wrdreg $0xA  }
0xc1: {  	_ =	task.clear_ibuf [dreg:s22], $0x6FFFF;
	_ =	strace $0x9000004F  }
0xc2: {  	s29 =	simm.s32 $0xA;
	_ =	strace $0x80000051  }
0xc3: {  	_ =	swait.ge [sflag:s29], $0x1  }
0xc4: {  	[sflag:s29] =	ssyncadd.s32 $0xFFFFFFFF  }
0xc5: {  	_ =	strace $0x90000051  }
0xc6: {  	_ =	sfence  }
0xc7: {  	s30 =	sld [smem:$0x0];
	_ =	sdelay $0x2  }
0xc8: {  	s31 =	sshll.u32 s1, $0xD;
	s1 =	sshrl.u32 s1, $0x2  }
0xc9: {  	s4 =	sand.u32 $0x4000, s31;
	s1 =	sadd.s32 s1, s30  }
0xca: {  	s0 =	sor.u32 s4, s0;
	s1 =	sshll.u32 s1, $0x11  }
0xcb: {  	s0 =	sor.u32 s1, s0  }
0xcc: {  	s0 =	sadd.s32 $0x8F2B, s0  }
0xcd: {  	[sflag:s0] =	ssyncadd.remote.s32 $0x1  }
0xce: {  	_ =	sfence.sel $0xFFFF  }
0xcf: {  	[dreg:$0x0] =	wrdreg $0xFFFFFFFF;
	(pc) =	sbr.abs _section_cstart, $3  }
0xd0: {  	[dreg:$0x1] =	wrdreg $0xFFFFFFFF  }
0xd1: {  	_ =	task.clear_ibuf [dreg:s22], $0x2FFFF;
	_ =	strace $0x9FFFFFFF  }
0xd2: {  	(tm) =	ssettm $0x7FFFFFFF  }
0xd3: {  	_ =	shalt  }
tec
execute0_lowered:
.L_overlay_start_1:
0x0: {  	(tag) =	ssettag $0x1  }
0x1: {  	s1 =	rddreg [dreg:$0x0]  }
0x2: {  	s6 =	rddreg [dreg:$0x1]  }
0x3: {  	s2 =	rddreg [dreg:$0x2];
	s3 =	srdreg.scid  }
0x4: {  	s0 =	rddreg [dreg:$0x3];
	s4 =	simm.s32 $0x0;
	s15 =	simm.s32 $0x1400  }
0x5: {  	s16 =	simm.s32 $0x80;
	s17 =	simm.s32 $0x2800;
	s18 =	simm.s32 $0x6800  }
0x6: {  	s19 =	simm.s32 $0x1;
	s20 =	simm.s32 $0x2;
	s21 =	simm.s32 $0x2780  }
0x7: {  	s22 =	simm.s32 $0x0;
	s7 =	sand.u32 $0x1, s3;
	s3 =	stileid.u32  }
0x8: {  	[smem:$0x7FF] =	sst s4;
	s11 =	sadd.s32 $0x6800, s6;
	s8 =	smul.u32 $0x13C000, s7  }
0x9: {  	s12 =	sadd.s32 $0x10800, s6;
	s5 =	sadd.s32 $0x1A800, s6;
	s9 =	smul.u32 $0x13C00, s3  }
0xa: {  	_ =	strace $0x80000050;
	s25 =	ssub.s32 $0x2, s7;
	s10 =	smul.u32 $0x4F000, s3  }
0xb: {  	s13 =	sshll.u32 s3, $0x1;
	s31 =	sshll.u32 s3, $0x6;
	s26 =	sshrl.u32 s25, $0x1  }
0xc: {  	s28 =	sor.u32 s7, s13;
	s8 =	sadd.s32 s9, s8;
	s9 =	ssub.s32 s25, s26  }
0xd: {  	s29 =	sshrl.u32 s10, $0x2;
	s14 =	smul.u32 $0x500, s28;
	s8 =	sshrl.u32 s8, $0x3  }
0xe: {  	s30 =	sadd.s32 s29, s2;
	s8 =	sadd.s32 s8, s6;
	s6 =	sor.u32 $0x1C03, s31  }
0xf: {  	s10 =	sadd.s32 s12, s14;
	s13 =	sshrl.u32 s30, $0x3;
	s7 =	sadd.s32 $0x44200, s8  }
0x10: {  	s8 =	smax.u32 s9, $0x1;
	s9 =	sadd.s32 s11, s14;
	s14 =	sadd.s32 $0x280, s14  }
0x11: {  	s11 =	sadd.s32 s11, s14;
	s12 =	sadd.s32 s12, s14;
	s14 =	simm.s32 $0x3  }
.LBB2_1:
0x12: {  	[spmem:s13], [sflag:s6] =	dma.local [hbm:s5], $0x2780  }
0x13: {  	_ =	swait.ge [sflag:s14], $0x2780  }
0x14: {  	[sflag:s14] =	ssyncset.done $0x0  }
0x15: {  	[sflag:s14] =	ssyncadd.s32 $0xFFFFD880  }
0x16: {  	[bflag:$0x0] =	sbarrier.arrive $0xFFFF  }
0x17: {  	[tilespmem:s4], [sflag:$0x3] =	stream.linear.gather [hbm4b:s9+s4], $0x1400, $0x38;
	[tilespmem:$0x1E400] =	vst v63  }
0x18: {  	_ =	swait.ge [sflag:s14], $0x1400  }
0x19: {  	[sflag:s14] =	ssyncset.done $0x0  }
0x1a: {  	[sflag:s14] =	ssyncadd.s32 $0xFFFFEC00  }
0x1b: {  	[tilespmem:s15], [sflag:$0x3] =	stream.linear.gather [hbm4b:s10+s4], $0x1400, $0x38;
	[tilespmem:$0x1E400] =	vst v63  }
0x1c: {  	_ =	swait.ge [sflag:s14], $0x1400  }
0x1d: {  	[sflag:s14] =	ssyncset.done $0x0  }
0x1e: {  	[sflag:s14] =	ssyncadd.s32 $0xFFFFEC00  }
0x1f: {  	[tilespmem:s17], [sflag:$0x1] =	stream.indirect.gather [hbm4b:s1+s16], $0x80, s4, s16, $0xb8;
	[tilespmem:$0x1E400] =	vst v63  }
0x20: {  	_ =	swait.ge [sflag:s19], $0x4000  }
0x21: {  	[sflag:s19] =	ssyncset.done $0x0  }
0x22: {  	[sflag:s19] =	ssyncadd.s32 $0xFFFFC000  }
0x23: {  	[spmem:s2] =	stream.indirect.scatter.add.f32 [tilespmem:s17], [sflag:$0x2], $0x80, s15, s16, $0xb8;
	[tilespmem:$0x1E400] =	vst v63  }
0x24: {  	_ = 	snop  }
0x25: {  	[tilespmem:s18], [sflag:$0x1] =	stream.indirect.gather [hbm4b:s1+s16], $0x80, s16, s16, $0xb8;
	[tilespmem:$0x1E400] =	vst v63  }
0x26: {  	s23 =	simm.s32 $0x4000;
	_ =	swait.ge [sflag:s19], $0x4000  }
0x27: {  	s24 =	sand.u32 $0x4000, s23;
	[sflag:s19] =	ssyncset.done $0x0  }
0x28: {  	s30 =	simm.s32 $0x1480;
	s25 =	sor.u32 $0x2800, s24;
	[sflag:s19] =	ssyncadd.s32 $0xFFFFC000  }
0x29: {  	[spmem:s2] =	stream.indirect.scatter.add.f32 [tilespmem:s25], [sflag:$0x2], $0x80, s30, s16, $0xb8;
	[tilespmem:$0x1E400] =	vst v63  }
0x2a: {  	s26 =	simm.s32 $0x100;
	s23 =	simm.s32 $0x2;
	_ =	swait.ge [sflag:s20], $0x4000  }
0x2b: {  	s31 =	sxor.u32 $0x4000, s24;
	s24 =	simm.s32 $0x1500;
	[sflag:s20] =	ssyncset.done $0x0  }
0x2c: {  	s28 =	sor.u32 $0x2800, s31;
	s25 =	simm.s32 $0x180;
	[sflag:s20] =	ssyncadd.s32 $0xFFFFC000  }
.LBB2_2:
0x2d: {  	[tilespmem:s28], [sflag:$0x1] =	stream.indirect.gather [hbm4b:s1+s16], $0x80, s26, s16, $0xb8;
	[tilespmem:$0x1E400] =	vst v63  }
0x2e: {  	s26 =	sshll.u32 s23, $0xE;
	p0 =	sne.s32 s23, $0x26;
	_ =	swait.ge [sflag:s19], $0x4000  }
0x2f: {  	s23 =	sadd.s32 $0x1, s23;
	s26 =	sand.u32 $0x4000, s26;
	[sflag:s19] =	ssyncset.done $0x0  }
.Ltmp0:
0x30: {  	s28 =	sor.u32 $0x2800, s26;
	[sflag:s19] =	ssyncadd.s32 $0xFFFFC000;
	(pc) =	sbr.rel @p0 .LBB2_2-.Ltmp0, $4  }
0x31: {  	[spmem:s2] =	stream.indirect.scatter.add.f32 [tilespmem:s28], [sflag:$0x2], $0x80, s24, s16, $0xb8;
	[tilespmem:$0x1E400] =	vst v63  }
0x32: {  	s28 =	sxor.u32 $0x4000, s26;
	s26 =	smov.u32 s25;
	_ =	swait.ge [sflag:s20], $0x4000  }
0x33: {  	s24 =	sadd.s32 $0x80, s24;
	[sflag:s20] =	ssyncset.done $0x0  }
0x34: {  	s25 =	sadd.s32 $0x80, s25;
	s28 =	sor.u32 $0x2800, s28;
	[sflag:s20] =	ssyncadd.s32 $0xFFFFC000  }
0x35: {  	[tilespmem:s28], [sflag:$0x1] =	stream.indirect.gather [hbm4b:s1+s16], $0x80, s26, s16, $0xb8;
	[tilespmem:$0x1E400] =	vst v63  }
0x36: {  	s23 =	simm.s32 $0x1  }
0x37: {  	_ =	swait.ge [sflag:s23], $0x4000  }
0x38: {  	[sflag:s23] =	ssyncset.done $0x0  }
0x39: {  	[sflag:s23] =	ssyncadd.s32 $0xFFFFC000  }
0x3a: {  	[spmem:s2] =	stream.indirect.scatter.add.f32 [tilespmem:s18], [sflag:$0x2], $0x80, s21, s16, $0xb8;
	[tilespmem:$0x1E400] =	vst v63  }
0x3b: {  	_ =	swait.ge [sflag:s20], $0x4000  }
0x3c: {  	[sflag:s20] =	ssyncset.done $0x0  }
0x3d: {  	[sflag:s20] =	ssyncadd.s32 $0xFFFFC000  }
0x3e: {  	_ =	swait.ge [sflag:s20], $0x4000  }
0x3f: {  	[sflag:s20] =	ssyncset.done $0x0  }
0x40: {  	[sflag:s20] =	ssyncadd.s32 $0xFFFFC000  }
0x41: {  	[tilespmem:s4], [sflag:$0x3] =	stream.linear.gather [hbm4b:s11+s4], $0x1400, $0x38;
	[tilespmem:$0x1E400] =	vst v63  }
0x42: {  	_ =	swait.ge [sflag:s14], $0x1400  }
0x43: {  	[sflag:s14] =	ssyncset.done $0x0  }
0x44: {  	[sflag:s14] =	ssyncadd.s32 $0xFFFFEC00  }
0x45: {  	[tilespmem:s15], [sflag:$0x3] =	stream.linear.gather [hbm4b:s12+s4], $0x1400, $0x38;
	[tilespmem:$0x1E400] =	vst v63  }
0x46: {  	_ =	swait.ge [sflag:s14], $0x1400  }
0x47: {  	[sflag:s14] =	ssyncset.done $0x0  }
0x48: {  	[sflag:s14] =	ssyncadd.s32 $0xFFFFEC00  }
0x49: {  	[tilespmem:s17], [sflag:$0x1] =	stream.indirect.gather [hbm4b:s1+s16], $0x80, s4, s16, $0xb8;
	[tilespmem:$0x1E400] =	vst v63  }
0x4a: {  	_ =	swait.ge [sflag:s23], $0x4000  }
0x4b: {  	[sflag:s23] =	ssyncset.done $0x0  }
0x4c: {  	[sflag:s23] =	ssyncadd.s32 $0xFFFFC000  }
0x4d: {  	[spmem:s2] =	stream.indirect.scatter.add.f32 [tilespmem:s17], [sflag:$0x2], $0x80, s15, s16, $0xb8;
	[tilespmem:$0x1E400] =	vst v63  }
0x4e: {  	_ = 	snop  }
0x4f: {  	[tilespmem:s18], [sflag:$0x1] =	stream.indirect.gather [hbm4b:s1+s16], $0x80, s16, s16, $0xb8;
	[tilespmem:$0x1E400] =	vst v63  }
0x50: {  	s29 =	simm.s32 $0x4000;
	_ =	swait.ge [sflag:s19], $0x4000  }
0x51: {  	s24 =	sand.u32 $0x4000, s29;
	[sflag:s19] =	ssyncset.done $0x0  }
0x52: {  	s30 =	simm.s32 $0x1480;
	s25 =	sor.u32 $0x2800, s24;
	[sflag:s19] =	ssyncadd.s32 $0xFFFFC000  }
0x53: {  	[spmem:s2] =	stream.indirect.scatter.add.f32 [tilespmem:s25], [sflag:$0x2], $0x80, s30, s16, $0xb8;
	[tilespmem:$0x1E400] =	vst v63  }
0x54: {  	s26 =	simm.s32 $0x100;
	s31 =	sxor.u32 $0x4000, s24;
	_ =	swait.ge [sflag:s20], $0x4000  }
0x55: {  	s24 =	simm.s32 $0x1500;
	s28 =	sor.u32 $0x2800, s31;
	[sflag:s20] =	ssyncset.done $0x0  }
0x56: {  	s23 =	simm.s32 $0x2;
	s25 =	simm.s32 $0x180;
	[sflag:s20] =	ssyncadd.s32 $0xFFFFC000  }
.LBB2_4:
0x57: {  	[tilespmem:s28], [sflag:$0x1] =	stream.indirect.gather [hbm4b:s1+s16], $0x80, s26, s16, $0xb8;
	[tilespmem:$0x1E400] =	vst v63  }
0x58: {  	s26 =	sshll.u32 s23, $0xE;
	p0 =	sne.s32 s23, $0x26;
	_ =	swait.ge [sflag:s19], $0x4000  }
0x59: {  	s23 =	sadd.s32 $0x1, s23;
	s26 =	sand.u32 $0x4000, s26;
	[sflag:s19] =	ssyncset.done $0x0  }
.Ltmp1:
0x5a: {  	s28 =	sor.u32 $0x2800, s26;
	[sflag:s19] =	ssyncadd.s32 $0xFFFFC000;
	(pc) =	sbr.rel @p0 .LBB2_4-.Ltmp1, $4  }
0x5b: {  	[spmem:s2] =	stream.indirect.scatter.add.f32 [tilespmem:s28], [sflag:$0x2], $0x80, s24, s16, $0xb8;
	[tilespmem:$0x1E400] =	vst v63  }
0x5c: {  	s28 =	sxor.u32 $0x4000, s26;
	s26 =	smov.u32 s25;
	_ =	swait.ge [sflag:s20], $0x4000  }
0x5d: {  	s24 =	sadd.s32 $0x80, s24;
	[sflag:s20] =	ssyncset.done $0x0  }
0x5e: {  	s25 =	sadd.s32 $0x80, s25;
	s28 =	sor.u32 $0x2800, s28;
	[sflag:s20] =	ssyncadd.s32 $0xFFFFC000  }
0x5f: {  	[tilespmem:s28], [sflag:$0x1] =	stream.indirect.gather [hbm4b:s1+s16], $0x80, s26, s16, $0xb8;
	[tilespmem:$0x1E400] =	vst v63  }
0x60: {  	_ =	swait.ge [sflag:s19], $0x4000  }
0x61: {  	[sflag:s19] =	ssyncset.done $0x0  }
0x62: {  	[sflag:s19] =	ssyncadd.s32 $0xFFFFC000  }
0x63: {  	[spmem:s2] =	stream.indirect.scatter.add.f32 [tilespmem:s18], [sflag:$0x2], $0x80, s21, s16, $0xb8;
	[tilespmem:$0x1E400] =	vst v63  }
0x64: {  	_ =	swait.ge [sflag:s20], $0x4000  }
0x65: {  	[sflag:s20] =	ssyncset.done $0x0  }
0x66: {  	[sflag:s20] =	ssyncadd.s32 $0xFFFFC000  }
0x67: {  	_ =	swait.ge [sflag:s20], $0x4000  }
0x68: {  	s22 =	sadd.s32 $0x1, s22;
	[sflag:s20] =	ssyncset.done $0x0  }
0x69: {  	p0 =	sne.s32 s22, s8;
	[sflag:s20] =	ssyncadd.s32 $0xFFFFC000  }
.Ltmp2:
0x6a: {  	[bflag:$0x0] =	sbarrier.arrive $0xFFFF;
	(pc) =	sbr.rel @p0 .LBB2_1-.Ltmp2, $4  }
0x6b: {  	[hbm:s7], [sflag:s6] =	dma.local [spmem:s13], $0x2780  }
0x6c: {  	_ =	swait.ge [sflag:s14], $0x2780  }
0x6d: {  	[sflag:s14] =	ssyncset.done $0x0  }
0x6e: {  	[sflag:s14] =	ssyncadd.s32 $0xFFFFD880  }
0x6f: {  	_ =	sfence.sel $0x180000  }
0x70: {  	[bflag:$0x0] =	sbarrier.arrive $0xFFFF  }
0x71: {  	p0 =	sne.s32 s3, $0x0;
	_ =	strace $0x90000050  }
0x72: {  	s0 =	sadd.s32 @!p0 $0x100000, s0;
	[bflag:$0x2] =	sbarrier.arrive $0xFFFF  }
0x73: {  	[sflag:s0] =	ssyncadd.tile.s32 @!p0 $0x1;
	_ =	shalt  }
.Lfunc_end2:
_tile_overlayer_lowered:
.L_overlay_start_2:
0x74: {  	(tag) =	ssettag $0x2  }
0x75: {  	s0 =	rddreg [dreg:$0x0];
	s2 =	stileid.u32  }
0x76: {  	s1 =	rddreg [dreg:$0x1];
	p0 =	sne.s32 s2, $0x0  }
0x77: {  	s3 =	rddreg [dreg:$0x2];
	[bflag:$0x3] =	sbarrier.arrive $0xFFFF;
	s2 =	simm.s32 @!p0 $0x1C03  }
0x78: {  	[timem:s3], [sflag:s2] =	dma.local @!p0 [hbm:s0], s1  }
0x79: {  	s0 =	simm.s32 @!p0 $0x3  }
0x7a: {  	_ =	swait.ge @!p0 [sflag:s0], s1  }
0x7b: {  	s1 =	ssub.s32 @!p0 $0x0, s1;
	[sflag:s0] =	ssyncset.done @!p0 $0x0  }
0x7c: {  	[sflag:s0] =	ssyncadd.s32 @!p0 s1  }
0x7d: {  	[bflag:$0x3] =	sbarrier.arrive $0xFFFF  }
0x7e: {  	_ =	shalt  }

// kernel: kernel.22.cloned.1.call-start
scs
__scs_entry_jumppad:
0x0: {  	(pc) =	sbr.rel $0x88, $3  }
0x1: {  	(tag) =	ssettag $0x0;
	lr =	simm.s32 $0x1  }
0x2: {  	[smem:$0x3F85] =	sst lr;
	_ =	strace $0xD0000000  }
0x3: {  	_ = 	snop  }
0x4: {  	_ = 	snop  }
0x5: {  	_ = 	snop  }
0x6: {  	_ = 	snop  }
0x7: {  	_ = 	snop  }
__scs_overlays_trampoline_lowered:
0x8: {  	[smem:$0x3F94] =	sst s0  }
0x9: {  	[smem:$0x3F95] =	sst s1  }
0xa: {  	[smem:$0x3F96] =	sst s2  }
0xb: {  	[smem:$0x3F97] =	sst s3  }
0xc: {  	[smem:$0x3F98] =	sst s4  }
0xd: {  	[smem:$0x3F99] =	sst s5  }
0xe: {  	[smem:$0x3F9A] =	sst s6  }
0xf: {  	[smem:$0x3F9B] =	sst s7  }
0x10: {  	[smem:$0x3F9C] =	sst s8  }
0x11: {  	[smem:$0x3F9D] =	sst s9;
	s0 =	simm.s32 @!p0 $0x0  }
0x12: {  	s1 =	sld [smem:$0x3F83];
	s0 =	simm.s32 @p0 $0x1  }
0x13: {  	[smem:$0x3F9E] =	sst s0;
	s0 =	simm.s32 @!p1 $0x0  }
0x14: {  	s2 =	sld [smem:$0x3F82];
	s0 =	simm.s32 @p1 $0x1  }
0x15: {  	[smem:$0x3F9F] =	sst s0;
	s0 =	simm.s32 @!p2 $0x0  }
0x16: {  	s3 =	sld [smem:$0x3FDB];
	s0 =	simm.s32 @p2 $0x1  }
0x17: {  	s4 =	simm.s32 $0x1BF5;
	[smem:$0x3FA1] =	sst s0  }
0x18: {  	s0 =	sld [smem:$0x3F84];
	_ =	swait.ge [sflag:s4], $0x0  }
0x19: {  	s7 =	sld [smem:$0x3F85]  }
0x1a: {  	s8 =	sadd.s32 $0xFFFFE003, lr  }
0x1b: {  	s9 =	sadd.s32 $0xFFFFFEF7, lr;
	s5 =	simm.s32 $0xFFFFFFFF;
	p2 =	slt.u32 s8, $0xFFFFF086  }
0x1c: {  	p1 =	slt.u32 s9, $0xF7A;
	s5 =	simm.s32 @!p2 $0x0  }
0x1d: {  	s5 =	simm.s32 @p1 $0x1;
	p0 =	seq.s32 s7, s2  }
0x1e: {  	s7 =	smul.u32 @!p0 $0xF7A, s2;
	p2 =	seq.s32 @!p0 s5, $0x0  }
0x1f: {  	s9 =	smul.u32 $0xF7A, s1;
	s8 =	simm.s32 @!p0 $0x1BF5;
	p2 =	por !p2, p0  }
0x20: {  	[sflag:s8] =	ssyncset.s32 @!p0 $0xFFFFF086;
	s6 =	sadd.s32 @!p0 s3, s7;
	s7 =	simm.s32 @!p0 $0x108  }
0x21: {  	s3 =	sadd.s32 s3, s9;
	s6 =	sadd.s32 @!p0 $0x88, s6;
	s7 =	simm.s32 @p2 $0x1082  }
0x22: {  	[simem:s7], [sflag:s8] =	dma.local @!p0 [hbm:s6], $0xF7A  }
0x23: {  	s9 =	sor.u32 $0xD0000000, s2;
	s6 =	simm.s32 $0x108;
	_ =	swait.ge @!p0 [sflag:s8], $0x0  }
0x24: {  	s3 =	sadd.s32 $0x88, s3;
	s6 =	simm.s32 @!p1 $0x1082;
	[sflag:s4] =	ssyncset.s32 $0xFFFFF086  }
0x25: {  	[simem:s6], [sflag:s4] =	dma.local [hbm:s3], $0xF7A  }
0x26: {  	[smem:$0x3F85] =	sst s1;
	(tag) =	ssettag s2;
	_ =	strace s9  }
0x27: {  	s1 =	sld [smem:$0x3F95]  }
0x28: {  	s2 =	sld [smem:$0x3F96]  }
0x29: {  	s4 =	sld [smem:$0x3F98]  }
0x2a: {  	p0 =	seq.s32 s5, $0x0;
	s5 =	sld [smem:$0x3F99]  }
0x2b: {  	s6 =	sld [smem:$0x3F9A]  }
0x2c: {  	s7 =	sld [smem:$0x3F9B]  }
0x2d: {  	s3 =	simm.s32 $0x108;
	s8 =	sld [smem:$0x3F9C]  }
0x2e: {  	s3 =	simm.s32 @!p0 $0x1082;
	s9 =	sld [smem:$0x3F9D]  }
0x2f: {  	lr =	sadd.s32 s0, s3;
	s0 =	sld [smem:$0x3F94]  }
0x30: {  	s3 =	sld [smem:$0x3F97]  }
0x31: {  	[smem:$0x3FA0] =	sst s10  }
0x32: {  	s10 =	sld [smem:$0x3F9E];
	_ =	sdelay $0x3  }
0x33: {  	p0 =	seq.s32 s10, $0x1;
	s10 =	sld [smem:$0x3FA0];
	_ =	sdelay $0x3  }
0x34: {  	[smem:$0x3FA0] =	sst s10  }
0x35: {  	s10 =	sld [smem:$0x3F9F];
	_ =	sdelay $0x3  }
0x36: {  	p1 =	seq.s32 s10, $0x1;
	s10 =	sld [smem:$0x3FA0];
	_ =	sdelay $0x3  }
0x37: {  	[smem:$0x3FA0] =	sst s10  }
0x38: {  	s10 =	sld [smem:$0x3FA1]  }
0x39: {  	_ = 	snop;
	(pc) =	sbr.ind lr, $3  }
0x3a: {  	_ = 	snop  }
0x3b: {  	_ = 	snop  }
0x3c: {  	p2 =	seq.s32 s10, $0x1;
	s10 =	sld [smem:$0x3FA0]  }
0x3d: {  	_ =	shalt  }
0x3e: {  	_ =	shalt  }
0x3f: {  	_ =	shalt  }
0x40: {  	_ =	shalt  }
0x41: {  	_ =	shalt  }
0x42: {  	_ =	shalt  }
0x43: {  	_ =	shalt  }
0x44: {  	_ =	shalt  }
0x45: {  	_ =	shalt  }
0x46: {  	_ =	shalt  }
0x47: {  	_ =	shalt  }
0x48: {  	_ =	shalt  }
0x49: {  	_ =	shalt  }
0x4a: {  	_ =	shalt  }
0x4b: {  	_ =	shalt  }
0x4c: {  	_ =	shalt  }
0x4d: {  	_ =	shalt  }
0x4e: {  	_ =	shalt  }
0x4f: {  	_ =	shalt  }
0x50: {  	_ =	shalt  }
0x51: {  	_ =	shalt  }
0x52: {  	_ =	shalt  }
0x53: {  	_ =	shalt  }
0x54: {  	_ =	shalt  }
0x55: {  	_ =	shalt  }
0x56: {  	_ =	shalt  }
0x57: {  	_ =	shalt  }
0x58: {  	_ =	shalt  }
0x59: {  	_ =	shalt  }
0x5a: {  	_ =	shalt  }
0x5b: {  	_ =	shalt  }
0x5c: {  	_ =	shalt  }
0x5d: {  	_ =	shalt  }
0x5e: {  	_ =	shalt  }
0x5f: {  	_ =	shalt  }
0x60: {  	_ =	shalt  }
0x61: {  	_ =	shalt  }
0x62: {  	_ =	shalt  }
0x63: {  	_ =	shalt  }
0x64: {  	_ =	shalt  }
0x65: {  	_ =	shalt  }
0x66: {  	_ =	shalt  }
0x67: {  	_ =	shalt  }
0x68: {  	_ =	shalt  }
0x69: {  	_ =	shalt  }
0x6a: {  	_ =	shalt  }
0x6b: {  	_ =	shalt  }
0x6c: {  	_ =	shalt  }
0x6d: {  	_ =	shalt  }
0x6e: {  	_ =	shalt  }
0x6f: {  	_ =	shalt  }
0x70: {  	_ =	shalt  }
0x71: {  	_ =	shalt  }
0x72: {  	_ =	shalt  }
0x73: {  	_ =	shalt  }
0x74: {  	_ =	shalt  }
0x75: {  	_ =	shalt  }
0x76: {  	_ =	shalt  }
0x77: {  	_ =	shalt  }
0x78: {  	_ =	shalt  }
0x79: {  	_ =	shalt  }
0x7a: {  	_ =	shalt  }
0x7b: {  	_ =	shalt  }
0x7c: {  	_ =	shalt  }
0x7d: {  	_ =	shalt  }
0x7e: {  	_ =	shalt  }
0x7f: {  	_ =	shalt  }
0x80: {  	_ =	shalt  }
0x81: {  	_ =	shalt  }
0x82: {  	_ =	shalt  }
0x83: {  	_ =	shalt  }
0x84: {  	_ =	shalt  }
0x85: {  	_ =	shalt  }
0x86: {  	_ =	shalt  }
0x87: {  	_ =	shalt  }
.Lfunc_end0:
.L_simem_size_0:
called_computation.4_lowered:
.L_overlay_start_0:
0x88: {  	s2 =	sld [smem:$0x3FD9]  }
0x89: {  	s3 =	sld [smem:$0x3FFE];
	_ =	sdelay $0x1  }
0x8a: {  	s1 =	srdreg.scid  }
0x8b: {  	s0 =	sand.u32 $0x1, s1  }
0x8c: {  	s16 =	sshll.u32 s0, $0xA;
	s2 =	sadd.s32 s3, s2  }
0x8d: {  	s2 =	sadd.s32 s2, s16  }
0x8e: {  	[smem:$0x3FAC] =	sst s2  }
0x8f: {  	_ = 	snop  }
0x90: {  	(tm) =	ssettm $0x1  }
0x91: {  	s17 =	sld [smem:$0x3FFB];
	_ =	sdelay $0x3  }
0x92: {  	_ =	strace s17  }
0x93: {  	s2 =	sld [smem:$0x3FFC];
	_ =	sdelay $0x3  }
0x94: {  	_ =	strace s2  }
0x95: {  	s2 =	sld [smem:$0x3FFD];
	_ =	sdelay $0x3  }
0x96: {  	_ =	strace s2  }
0x97: {  	_ =	strace $0x8FFFFFFF  }
0x98: {  	s18 =	sld [smem:$0x3FDB];
	_ =	sdelay $0x1  }
0x99: {  	s19 =	simm.s32 $_scs_section_size  }
0x9a: {  	s4 =	simm.s32 $_size__tile_overlayer_lowered;
	s5 =	simm.s32 $_tile_overlayer_lowered  }
0x9b: {  	s22 =	simm.s32 $0x1BFF;
	s21 =	sshll.u32 s5, $0x1;
	s2 =	sadd.s32 s19, s18  }
0x9c: {  	s6 =	simm.s32 $0x0;
	s20 =	sshll.u32 s4, $0x1;
	s4 =	sadd.s32 s21, s2  }
0x9d: {  	[timem:s6], [sflag:s22] =	dma.local [hbm:s4], s20  }
0x9e: {  	_ =	swait.ge [sflag:s22], s20  }
0x9f: {  	s3 =	ssub.s32 $0x0, s20;
	[sflag:s22] =	ssyncset.done $0x0  }
0xa0: {  	[sflag:s22] =	ssyncadd.s32 s3;
	_ =	sdelay $0x1  }
0xa1: {  	s23 =	simm.s32 $0x1B8B  }
0xa2: {  	_ =	swait.ge [sflag:s23], $0x1  }
0xa3: {  	[sflag:s23] =	ssyncset.done $0x0  }
0xa4: {  	s25 =	simm.s32 $0x1B8E;
	s24 =	sld [smem:$0x3FFE];
	[sflag:s23] =	ssyncadd.s32 $0xFFFFFFFF  }
0xa5: {  	s26 =	simm.s32 $execute0_lowered;
	[smem:$0x3FD2] =	sst s25  }
0xa6: {  	s4 =	sshll.u32 s26, $0x1;
	_ =	strace $0x80000052;
	[dreg:$0x1] =	wrdreg $0xFFFFFFFF  }
0xa7: {  	s28 =	simm.s32 $_size_execute0_lowered;
	s2 =	sadd.s32 s2, s4;
	[dreg:$0x0] =	wrdreg $0x0  }
0xa8: {  	s4 =	sshll.u32 s28, $0x1;
	[dreg:$0x2] =	wrdreg s2  }
0xa9: {  	[dreg:$0x3] =	wrdreg s4  }
0xaa: {  	[dreg:$0x4] =	wrdreg $0xC0  }
0xab: {  	_ =	task [dreg:s6], $0x5FFFF  }
0xac: {  	[dreg:$0x1] =	wrdreg $0xFFFFFFFF  }
0xad: {  	[dreg:$0x0] =	wrdreg $0x60  }
0xae: {  	[dreg:$0x2] =	wrdreg s24  }
0xaf: {  	[dreg:$0x3] =	wrdreg $0xA8000  }
0xb0: {  	[dreg:$0x4] =	wrdreg $0x9  }
0xb1: {  	_ =	task.clear_ibuf [dreg:s6], $0x5FFFF;
	_ =	strace $0x90000052  }
0xb2: {  	s29 =	simm.s32 $0x9;
	_ =	strace $0x80000054  }
0xb3: {  	_ =	swait.ge [sflag:s29], $0x1  }
0xb4: {  	[sflag:s29] =	ssyncadd.s32 $0xFFFFFFFF  }
0xb5: {  	_ =	strace $0x90000054  }
0xb6: {  	_ =	sfence  }
0xb7: {  	s30 =	sld [smem:$0x0];
	_ =	sdelay $0x2  }
0xb8: {  	s31 =	sshll.u32 s1, $0xD;
	s1 =	sshrl.u32 s1, $0x2  }
0xb9: {  	s3 =	sand.u32 $0x4000, s31;
	s1 =	sadd.s32 s1, s30  }
0xba: {  	s0 =	sor.u32 s3, s0;
	s1 =	sshll.u32 s1, $0x11  }
0xbb: {  	s0 =	sor.u32 s1, s0  }
0xbc: {  	s0 =	sadd.s32 $0x8F2B, s0  }
0xbd: {  	[sflag:s0] =	ssyncadd.remote.s32 $0x1  }
0xbe: {  	_ =	sfence.sel $0xFFFF  }
0xbf: {  	[dreg:$0x0] =	wrdreg $0xFFFFFFFF;
	(pc) =	sbr.abs _section_cstart, $3  }
0xc0: {  	[dreg:$0x1] =	wrdreg $0xFFFFFFFF  }
0xc1: {  	_ =	task.clear_ibuf [dreg:s6], $0x2FFFF;
	_ =	strace $0x9FFFFFFF  }
0xc2: {  	(tm) =	ssettm $0x7FFFFFFF  }
0xc3: {  	_ =	shalt  }
tec
execute0_lowered:
.L_overlay_start_1:
0x0: {  	(tag) =	ssettag $0x1  }
0x1: {  	s6 =	rddreg [dreg:$0x0]  }
0x2: {  	s1 =	rddreg [dreg:$0x1]  }
0x3: {  	s2 =	srdreg.scid;
	s0 =	rddreg [dreg:$0x2]  }
0x4: {  	s3 =	simm.s32 $0x0;
	s15 =	simm.s32 $0x1400;
	s16 =	simm.s32 $0x80  }
0x5: {  	s17 =	simm.s32 $0x2800;
	s18 =	simm.s32 $0x6800;
	s19 =	simm.s32 $0x1  }
0x6: {  	s20 =	simm.s32 $0x2;
	s21 =	simm.s32 $0x2780;
	s22 =	simm.s32 $0x0  }
0x7: {  	s7 =	sand.u32 $0x1, s2;
	s2 =	stileid.u32;
	[smem:$0x7FF] =	sst s3  }
0x8: {  	s4 =	sadd.s32 $0x44200, s6;
	s11 =	sadd.s32 $0x6800, s6;
	s8 =	smul.u32 $0x13C000, s7  }
0x9: {  	s12 =	sadd.s32 $0x10800, s6;
	s5 =	sadd.s32 $0x1A800, s6;
	s9 =	smul.u32 $0x13C00, s2  }
0xa: {  	_ =	strace $0x80000053;
	s25 =	ssub.s32 $0x2, s7;
	s10 =	smul.u32 $0x4F000, s2  }
0xb: {  	s13 =	sshll.u32 s2, $0x1;
	s31 =	sshll.u32 s2, $0x6;
	s26 =	sshrl.u32 s25, $0x1  }
0xc: {  	s28 =	sor.u32 s7, s13;
	s8 =	sadd.s32 s9, s8;
	s9 =	ssub.s32 s25, s26  }
0xd: {  	s29 =	sshrl.u32 s10, $0x2;
	s14 =	smul.u32 $0x500, s28;
	s8 =	sshrl.u32 s8, $0x3  }
0xe: {  	s30 =	sadd.s32 s29, s1;
	s8 =	sadd.s32 s8, s6;
	s6 =	sor.u32 $0x1C03, s31  }
0xf: {  	s10 =	sadd.s32 s12, s14;
	s13 =	sshrl.u32 s30, $0x3;
	s7 =	sadd.s32 $0x92600, s8  }
0x10: {  	s8 =	smax.u32 s9, $0x1;
	s9 =	sadd.s32 s11, s14;
	s14 =	sadd.s32 $0x280, s14  }
0x11: {  	s11 =	sadd.s32 s11, s14;
	s12 =	sadd.s32 s12, s14;
	s14 =	simm.s32 $0x3  }
.LBB2_1:
0x12: {  	[spmem:s13], [sflag:s6] =	dma.local [hbm:s5], $0x2780  }
0x13: {  	_ =	swait.ge [sflag:s14], $0x2780  }
0x14: {  	[sflag:s14] =	ssyncset.done $0x0  }
0x15: {  	[sflag:s14] =	ssyncadd.s32 $0xFFFFD880  }
0x16: {  	[bflag:$0x0] =	sbarrier.arrive $0xFFFF  }
0x17: {  	[tilespmem:s3], [sflag:$0x3] =	stream.linear.gather [hbm4b:s9+s3], $0x1400, $0x38;
	[tilespmem:$0x1E400] =	vst v63  }
0x18: {  	_ =	swait.ge [sflag:s14], $0x1400  }
0x19: {  	[sflag:s14] =	ssyncset.done $0x0  }
0x1a: {  	[sflag:s14] =	ssyncadd.s32 $0xFFFFEC00  }
0x1b: {  	[tilespmem:s15], [sflag:$0x3] =	stream.linear.gather [hbm4b:s10+s3], $0x1400, $0x38;
	[tilespmem:$0x1E400] =	vst v63  }
0x1c: {  	_ =	swait.ge [sflag:s14], $0x1400  }
0x1d: {  	[sflag:s14] =	ssyncset.done $0x0  }
0x1e: {  	[sflag:s14] =	ssyncadd.s32 $0xFFFFEC00  }
0x1f: {  	[tilespmem:s17], [sflag:$0x1] =	stream.indirect.gather [hbm4b:s4+s16], $0x80, s3, s16, $0xb8;
	[tilespmem:$0x1E400] =	vst v63  }
0x20: {  	_ =	swait.ge [sflag:s19], $0x4000  }
0x21: {  	[sflag:s19] =	ssyncset.done $0x0  }
0x22: {  	[sflag:s19] =	ssyncadd.s32 $0xFFFFC000  }
0x23: {  	[spmem:s1] =	stream.indirect.scatter.add.f32 [tilespmem:s17], [sflag:$0x2], $0x80, s15, s16, $0xb8;
	[tilespmem:$0x1E400] =	vst v63  }
0x24: {  	_ = 	snop  }
0x25: {  	[tilespmem:s18], [sflag:$0x1] =	stream.indirect.gather [hbm4b:s4+s16], $0x80, s16, s16, $0xb8;
	[tilespmem:$0x1E400] =	vst v63  }
0x26: {  	s23 =	simm.s32 $0x4000;
	_ =	swait.ge [sflag:s19], $0x4000  }
0x27: {  	s24 =	sand.u32 $0x4000, s23;
	[sflag:s19] =	ssyncset.done $0x0  }
0x28: {  	s30 =	simm.s32 $0x1480;
	s25 =	sor.u32 $0x2800, s24;
	[sflag:s19] =	ssyncadd.s32 $0xFFFFC000  }
0x29: {  	[spmem:s1] =	stream.indirect.scatter.add.f32 [tilespmem:s25], [sflag:$0x2], $0x80, s30, s16, $0xb8;
	[tilespmem:$0x1E400] =	vst v63  }
0x2a: {  	s26 =	simm.s32 $0x100;
	s23 =	simm.s32 $0x2;
	_ =	swait.ge [sflag:s20], $0x4000  }
0x2b: {  	s31 =	sxor.u32 $0x4000, s24;
	s24 =	simm.s32 $0x1500;
	[sflag:s20] =	ssyncset.done $0x0  }
0x2c: {  	s28 =	sor.u32 $0x2800, s31;
	s25 =	simm.s32 $0x180;
	[sflag:s20] =	ssyncadd.s32 $0xFFFFC000  }
.LBB2_2:
0x2d: {  	[tilespmem:s28], [sflag:$0x1] =	stream.indirect.gather [hbm4b:s4+s16], $0x80, s26, s16, $0xb8;
	[tilespmem:$0x1E400] =	vst v63  }
0x2e: {  	s26 =	sshll.u32 s23, $0xE;
	p0 =	sne.s32 s23, $0x26;
	_ =	swait.ge [sflag:s19], $0x4000  }
0x2f: {  	s23 =	sadd.s32 $0x1, s23;
	s26 =	sand.u32 $0x4000, s26;
	[sflag:s19] =	ssyncset.done $0x0  }
.Ltmp0:
0x30: {  	s28 =	sor.u32 $0x2800, s26;
	[sflag:s19] =	ssyncadd.s32 $0xFFFFC000;
	(pc) =	sbr.rel @p0 .LBB2_2-.Ltmp0, $4  }
0x31: {  	[spmem:s1] =	stream.indirect.scatter.add.f32 [tilespmem:s28], [sflag:$0x2], $0x80, s24, s16, $0xb8;
	[tilespmem:$0x1E400] =	vst v63  }
0x32: {  	s28 =	sxor.u32 $0x4000, s26;
	s26 =	smov.u32 s25;
	_ =	swait.ge [sflag:s20], $0x4000  }
0x33: {  	s24 =	sadd.s32 $0x80, s24;
	[sflag:s20] =	ssyncset.done $0x0  }
0x34: {  	s25 =	sadd.s32 $0x80, s25;
	s28 =	sor.u32 $0x2800, s28;
	[sflag:s20] =	ssyncadd.s32 $0xFFFFC000  }
0x35: {  	[tilespmem:s28], [sflag:$0x1] =	stream.indirect.gather [hbm4b:s4+s16], $0x80, s26, s16, $0xb8;
	[tilespmem:$0x1E400] =	vst v63  }
0x36: {  	s23 =	simm.s32 $0x1  }
0x37: {  	_ =	swait.ge [sflag:s23], $0x4000  }
0x38: {  	[sflag:s23] =	ssyncset.done $0x0  }
0x39: {  	[sflag:s23] =	ssyncadd.s32 $0xFFFFC000  }
0x3a: {  	[spmem:s1] =	stream.indirect.scatter.add.f32 [tilespmem:s18], [sflag:$0x2], $0x80, s21, s16, $0xb8;
	[tilespmem:$0x1E400] =	vst v63  }
0x3b: {  	_ =	swait.ge [sflag:s20], $0x4000  }
0x3c: {  	[sflag:s20] =	ssyncset.done $0x0  }
0x3d: {  	[sflag:s20] =	ssyncadd.s32 $0xFFFFC000  }
0x3e: {  	_ =	swait.ge [sflag:s20], $0x4000  }
0x3f: {  	[sflag:s20] =	ssyncset.done $0x0  }
0x40: {  	[sflag:s20] =	ssyncadd.s32 $0xFFFFC000  }
0x41: {  	[tilespmem:s3], [sflag:$0x3] =	stream.linear.gather [hbm4b:s11+s3], $0x1400, $0x38;
	[tilespmem:$0x1E400] =	vst v63  }
0x42: {  	_ =	swait.ge [sflag:s14], $0x1400  }
0x43: {  	[sflag:s14] =	ssyncset.done $0x0  }
0x44: {  	[sflag:s14] =	ssyncadd.s32 $0xFFFFEC00  }
0x45: {  	[tilespmem:s15], [sflag:$0x3] =	stream.linear.gather [hbm4b:s12+s3], $0x1400, $0x38;
	[tilespmem:$0x1E400] =	vst v63  }
0x46: {  	_ =	swait.ge [sflag:s14], $0x1400  }
0x47: {  	[sflag:s14] =	ssyncset.done $0x0  }
0x48: {  	[sflag:s14] =	ssyncadd.s32 $0xFFFFEC00  }
0x49: {  	[tilespmem:s17], [sflag:$0x1] =	stream.indirect.gather [hbm4b:s4+s16], $0x80, s3, s16, $0xb8;
	[tilespmem:$0x1E400] =	vst v63  }
0x4a: {  	_ =	swait.ge [sflag:s23], $0x4000  }
0x4b: {  	[sflag:s23] =	ssyncset.done $0x0  }
0x4c: {  	[sflag:s23] =	ssyncadd.s32 $0xFFFFC000  }
0x4d: {  	[spmem:s1] =	stream.indirect.scatter.add.f32 [tilespmem:s17], [sflag:$0x2], $0x80, s15, s16, $0xb8;
	[tilespmem:$0x1E400] =	vst v63  }
0x4e: {  	_ = 	snop  }
0x4f: {  	[tilespmem:s18], [sflag:$0x1] =	stream.indirect.gather [hbm4b:s4+s16], $0x80, s16, s16, $0xb8;
	[tilespmem:$0x1E400] =	vst v63  }
0x50: {  	s29 =	simm.s32 $0x4000;
	_ =	swait.ge [sflag:s19], $0x4000  }
0x51: {  	s24 =	sand.u32 $0x4000, s29;
	[sflag:s19] =	ssyncset.done $0x0  }
0x52: {  	s30 =	simm.s32 $0x1480;
	s25 =	sor.u32 $0x2800, s24;
	[sflag:s19] =	ssyncadd.s32 $0xFFFFC000  }
0x53: {  	[spmem:s1] =	stream.indirect.scatter.add.f32 [tilespmem:s25], [sflag:$0x2], $0x80, s30, s16, $0xb8;
	[tilespmem:$0x1E400] =	vst v63  }
0x54: {  	s26 =	simm.s32 $0x100;
	s31 =	sxor.u32 $0x4000, s24;
	_ =	swait.ge [sflag:s20], $0x4000  }
0x55: {  	s24 =	simm.s32 $0x1500;
	s28 =	sor.u32 $0x2800, s31;
	[sflag:s20] =	ssyncset.done $0x0  }
0x56: {  	s23 =	simm.s32 $0x2;
	s25 =	simm.s32 $0x180;
	[sflag:s20] =	ssyncadd.s32 $0xFFFFC000  }
.LBB2_4:
0x57: {  	[tilespmem:s28], [sflag:$0x1] =	stream.indirect.gather [hbm4b:s4+s16], $0x80, s26, s16, $0xb8;
	[tilespmem:$0x1E400] =	vst v63  }
0x58: {  	s26 =	sshll.u32 s23, $0xE;
	p0 =	sne.s32 s23, $0x26;
	_ =	swait.ge [sflag:s19], $0x4000  }
0x59: {  	s23 =	sadd.s32 $0x1, s23;
	s26 =	sand.u32 $0x4000, s26;
	[sflag:s19] =	ssyncset.done $0x0  }
.Ltmp1:
0x5a: {  	s28 =	sor.u32 $0x2800, s26;
	[sflag:s19] =	ssyncadd.s32 $0xFFFFC000;
	(pc) =	sbr.rel @p0 .LBB2_4-.Ltmp1, $4  }
0x5b: {  	[spmem:s1] =	stream.indirect.scatter.add.f32 [tilespmem:s28], [sflag:$0x2], $0x80, s24, s16, $0xb8;
	[tilespmem:$0x1E400] =	vst v63  }
0x5c: {  	s28 =	sxor.u32 $0x4000, s26;
	s26 =	smov.u32 s25;
	_ =	swait.ge [sflag:s20], $0x4000  }
0x5d: {  	s24 =	sadd.s32 $0x80, s24;
	[sflag:s20] =	ssyncset.done $0x0  }
0x5e: {  	s25 =	sadd.s32 $0x80, s25;
	s28 =	sor.u32 $0x2800, s28;
	[sflag:s20] =	ssyncadd.s32 $0xFFFFC000  }
0x5f: {  	[tilespmem:s28], [sflag:$0x1] =	stream.indirect.gather [hbm4b:s4+s16], $0x80, s26, s16, $0xb8;
	[tilespmem:$0x1E400] =	vst v63  }
0x60: {  	_ =	swait.ge [sflag:s19], $0x4000  }
0x61: {  	[sflag:s19] =	ssyncset.done $0x0  }
0x62: {  	[sflag:s19] =	ssyncadd.s32 $0xFFFFC000  }
0x63: {  	[spmem:s1] =	stream.indirect.scatter.add.f32 [tilespmem:s18], [sflag:$0x2], $0x80, s21, s16, $0xb8;
	[tilespmem:$0x1E400] =	vst v63  }
0x64: {  	_ =	swait.ge [sflag:s20], $0x4000  }
0x65: {  	[sflag:s20] =	ssyncset.done $0x0  }
0x66: {  	[sflag:s20] =	ssyncadd.s32 $0xFFFFC000  }
0x67: {  	_ =	swait.ge [sflag:s20], $0x4000  }
0x68: {  	s22 =	sadd.s32 $0x1, s22;
	[sflag:s20] =	ssyncset.done $0x0  }
0x69: {  	p0 =	sne.s32 s22, s8;
	[sflag:s20] =	ssyncadd.s32 $0xFFFFC000  }
.Ltmp2:
0x6a: {  	[bflag:$0x0] =	sbarrier.arrive $0xFFFF;
	(pc) =	sbr.rel @p0 .LBB2_1-.Ltmp2, $4  }
0x6b: {  	[hbm:s7], [sflag:s6] =	dma.local [spmem:s13], $0x2780  }
0x6c: {  	_ =	swait.ge [sflag:s14], $0x2780  }
0x6d: {  	[sflag:s14] =	ssyncset.done $0x0  }
0x6e: {  	[sflag:s14] =	ssyncadd.s32 $0xFFFFD880  }
0x6f: {  	_ =	sfence.sel $0x180000  }
0x70: {  	[bflag:$0x0] =	sbarrier.arrive $0xFFFF  }
0x71: {  	p0 =	sne.s32 s2, $0x0;
	_ =	strace $0x90000053  }
0x72: {  	s0 =	sadd.s32 @!p0 $0x100000, s0;
	[bflag:$0x2] =	sbarrier.arrive $0xFFFF  }
0x73: {  	[sflag:s0] =	ssyncadd.tile.s32 @!p0 $0x1;
	_ =	shalt  }
.Lfunc_end2:
_tile_overlayer_lowered:
.L_overlay_start_2:
0x74: {  	(tag) =	ssettag $0x2  }
0x75: {  	s0 =	rddreg [dreg:$0x0];
	s2 =	stileid.u32  }
0x76: {  	s1 =	rddreg [dreg:$0x1];
	p0 =	sne.s32 s2, $0x0  }
0x77: {  	s3 =	rddreg [dreg:$0x2];
	[bflag:$0x3] =	sbarrier.arrive $0xFFFF;
	s2 =	simm.s32 @!p0 $0x1C03  }
0x78: {  	[timem:s3], [sflag:s2] =	dma.local @!p0 [hbm:s0], s1  }
0x79: {  	s0 =	simm.s32 @!p0 $0x3  }
0x7a: {  	_ =	swait.ge @!p0 [sflag:s0], s1  }
0x7b: {  	s1 =	ssub.s32 @!p0 $0x0, s1;
	[sflag:s0] =	ssyncset.done @!p0 $0x0  }
0x7c: {  	[sflag:s0] =	ssyncadd.s32 @!p0 s1  }
0x7d: {  	[bflag:$0x3] =	sbarrier.arrive $0xFFFF  }
0x7e: {  	_ =	shalt  }

</sc_bundles>
